<compile_context>
chip_gen: v7x
topology: tpu7x:2x2x1
jax: 0.10.2.dev20260603
libtpu: 0.0.44.dev20260713+nightly
codegen_flags: <defaults>
</compile_context>

<pallas_src>
import jax
import jax.numpy as jnp
import numpy as np
from jax import lax
from jax.experimental import pallas as pl
from jax.experimental.pallas import tpu as pltpu
from jax.experimental.pallas import tpu_sc as plsc

N = 10000
E = 320000
G = 64
NODE_IN = 128
F = 64

NC = 2
NS = 16
NW = NC * NS
EPW = E // NW
K = 80
NCHUNK = EPW // K
NWT = 10
NPT = N // NWT
ZB = 40

_BNS = float(1.0 / np.sqrt(1.0 + 1e-5))


def _sc_body(p_hbm, q_hbm, src_hbm, dst_hbm, st_hbm, z_hbm,
             idx_s, idx_d, qbuf, pbuf, mbuf, zb, stbuf, zshared, sem):
    c = lax.axis_index("c")
    s = lax.axis_index("s")
    w = c * NS + s

    pltpu.sync_copy(st_hbm, stbuf)
    smv = [stbuf[0, pl.ds(16 * j, 16)] for j in range(4)]
    tmv = [stbuf[1, pl.ds(16 * j, 16)] for j in range(4)]

    zero = jnp.zeros((16,), jnp.float32)

    def zrow(r, carry):
        for j in range(8):
            zb[r, pl.ds(16 * j, 16)] = zero
        return carry

    @pl.when(s < NWT)
    def _():
        lax.fori_loop(0, ZB, zrow, 0)

        def zcopy(i, carry):
            pltpu.sync_copy(zb, zshared.at[pl.ds(s * NPT + i * ZB, ZB)])
            return carry

        lax.fori_loop(0, NPT // ZB, zcopy, 0)

    def mrow(e, carry):
        for j in range(4, 8):
            mbuf[e, pl.ds(16 * j, 16)] = zero
        return carry

    lax.fori_loop(0, K, mrow, 0)
    plsc.subcore_barrier()

    def chunk(g, carry):
        base = w * EPW + g * K
        pltpu.sync_copy(src_hbm.at[pl.ds(base, K)], idx_s)
        pltpu.sync_copy(dst_hbm.at[pl.ds(base, K)], idx_d)
        pltpu.sync_copy(q_hbm.at[pl.ds(base, K)], qbuf)
        pltpu.async_copy(p_hbm.at[idx_s], pbuf, sem).wait()

        def ebody(e, carry2):
            for j in range(4):
                sl = pl.ds(16 * j, 16)
                v = qbuf[e, sl] + pbuf[e, sl]
                mbuf[e, sl] = jnp.maximum(v, 0.0) * smv[j] + tmv[j]
            return carry2

        lax.fori_loop(0, K, ebody, 0)
        pltpu.sync_copy(mbuf, zshared.at[idx_d], add=True)
        return carry

    lax.fori_loop(0, NCHUNK, chunk, 0)
    plsc.subcore_barrier()

    @pl.when(s < NWT)
    def _():
        pltpu.sync_copy(zshared.at[pl.ds(s * NPT, NPT)],
                        z_hbm.at[c, pl.ds(s * NPT, NPT)])


_sc_scatter = pl.kernel(
    _sc_body,
    out_type=jax.ShapeDtypeStruct((NC, N, 2 * F), jnp.float32),
    mesh=plsc.VectorSubcoreMesh(core_axis_name="c", subcore_axis_name="s",
                                num_cores=NC, num_subcores=NS),
    scratch_types=[
        pltpu.VMEM((K,), jnp.int32),
        pltpu.VMEM((K,), jnp.int32),
        pltpu.VMEM((K, F), jnp.float32),
        pltpu.VMEM((K, 2 * F), jnp.float32),
        pltpu.VMEM((K, 2 * F), jnp.float32),
        pltpu.VMEM((ZB, 2 * F), jnp.float32),
        pltpu.VMEM((2, F), jnp.float32),
        pltpu.VMEM_SHARED((N, 2 * F), jnp.float32),
        pltpu.SemaphoreType.DMA,
    ],
)


def _embed_body(x_ref, wn_ref, bn_ref, wp_ref, h_ref, p_ref):
    h = jnp.dot(x_ref[...], wn_ref[...],
                preferred_element_type=jnp.float32) + bn_ref[...]
    h_ref[...] = h
    p = jnp.dot(h, wp_ref[...], preferred_element_type=jnp.float32)
    p_ref[...] = jnp.concatenate([p, jnp.zeros_like(p)], axis=1)


def _q_body(attr_ref, we_ref, be_ref, wme_ref, bm_ref, q1_ref, q2_ref,
            q3_ref):
    ea = jnp.dot(attr_ref[...], we_ref[...],
                 preferred_element_type=jnp.float32) + be_ref[...]
    t = jnp.dot(ea, wme_ref[...],
                preferred_element_type=jnp.float32) + bm_ref[...]
    q1_ref[...] = t[:, :F]
    q2_ref[...] = t[:, F:2 * F]
    q3_ref[...] = t[:, 2 * F:]


def _upd_body(h_ref, z_ref, wuh_ref, wua_ref, bu_ref, su_ref, tu_ref,
              wpn_ref, hn_ref, pn_ref):
    aggr = z_ref[0][:, :F] + z_ref[1][:, :F]
    u = (jnp.dot(h_ref[...], wuh_ref[...], preferred_element_type=jnp.float32)
         + jnp.dot(aggr, wua_ref[...], preferred_element_type=jnp.float32)
         + bu_ref[...])
    hn = jnp.maximum(u, 0.0) * su_ref[...] + tu_ref[...]
    hn_ref[...] = hn
    pn = jnp.dot(hn, wpn_ref[...], preferred_element_type=jnp.float32)
    pn_ref[...] = jnp.concatenate([pn, jnp.zeros_like(pn)], axis=1)


def _pool_body(h_ref, b_ref, w1_ref, b1_ref, w2_ref, b2_ref, out_ref):
    nb = N // 8
    g = jnp.zeros((G, F), jnp.float32)
    for rr in range(8):
        brow = b_ref[rr].reshape(1, nb)
        onehot = (lax.broadcasted_iota(jnp.int32, (G, nb), 0) == brow).astype(
            jnp.float32)
        g = g + jnp.dot(onehot, h_ref[pl.ds(rr * nb, nb), :],
                        preferred_element_type=jnp.float32,
                        precision=lax.Precision.HIGHEST)
    r = jnp.maximum(
        jnp.dot(g, w1_ref[...], preferred_element_type=jnp.float32)
        + b1_ref[...], 0.0)
    out_ref[...] = (jnp.dot(r, w2_ref[...],
                            preferred_element_type=jnp.float32)
                    + b2_ref[...])


def _pool_call(h3, batch8, w1, b1, w2, b2):
    return pl.pallas_call(
        _pool_body,
        out_shape=jax.ShapeDtypeStruct((G, 1), jnp.float32),
    )(h3, batch8, w1, b1, w2, b2)


_NB = 10
_BN = N // _NB


def _full(shape):
    return pl.BlockSpec(shape, lambda i: tuple(0 for _ in shape))


def _embed_call(x, wn, bn, wp):
    return pl.pallas_call(
        _embed_body,
        grid=(_NB,),
        in_specs=[
            pl.BlockSpec((_BN, NODE_IN), lambda i: (i, 0)),
            _full((NODE_IN, F)),
            _full((1, F)),
            _full((F, F)),
        ],
        out_specs=[
            pl.BlockSpec((_BN, F), lambda i: (i, 0)),
            pl.BlockSpec((_BN, 2 * F), lambda i: (i, 0)),
        ],
        out_shape=[
            jax.ShapeDtypeStruct((N, F), jnp.float32),
            jax.ShapeDtypeStruct((N, 2 * F), jnp.float32),
        ],
    )(x, wn, bn, wp)


_EB = 4000
_NEB = E // _EB


def _q_call(attr, we, be, wme, bm):
    return pl.pallas_call(
        _q_body,
        grid=(_NEB,),
        in_specs=[
            pl.BlockSpec((_EB, 16), lambda i: (i, 0)),
            _full((16, 32)),
            _full((1, 32)),
            _full((32, 3 * F)),
            _full((1, 3 * F)),
        ],
        out_specs=[pl.BlockSpec((_EB, F), lambda i: (i, 0))] * 3,
        out_shape=[jax.ShapeDtypeStruct((E, F), jnp.float32)] * 3,
    )(attr, we, be, wme, bm)


def _upd_call(h, z, wuh, wua, bu, su, tu, wpn):
    return pl.pallas_call(
        _upd_body,
        grid=(_NB,),
        in_specs=[
            pl.BlockSpec((_BN, F), lambda i: (i, 0)),
            pl.BlockSpec((NC, _BN, 2 * F), lambda i: (0, i, 0)),
            _full((F, F)),
            _full((F, F)),
            _full((1, F)),
            _full((1, F)),
            _full((1, F)),
            _full((F, F)),
        ],
        out_specs=[
            pl.BlockSpec((_BN, F), lambda i: (i, 0)),
            pl.BlockSpec((_BN, 2 * F), lambda i: (i, 0)),
        ],
        out_shape=[
            jax.ShapeDtypeStruct((N, F), jnp.float32),
            jax.ShapeDtypeStruct((N, 2 * F), jnp.float32),
        ],
    )(h, z, wuh, wua, bu, su, tu, wpn)


def kernel(x, edge_index, edge_attr, batch, params):
    wn, bn = params["node_emb"]
    we, be = params["edge_emb"]
    layers = params["layers"]

    wme = jnp.concatenate([lp["Wm"][F:] for lp in layers], axis=1)
    bmc = jnp.concatenate([lp["bm"] for lp in layers]).reshape(1, 3 * F)

    src = edge_index[0]
    dst = edge_index[1]

    h, p = _embed_call(x, wn, bn.reshape(1, F), layers[0]["Wm"][:F])
    qs = _q_call(edge_attr, we, be.reshape(1, 32), wme, bmc)

    for li, lp in enumerate(layers):
        st = jnp.stack([lp["gm"] * _BNS, lp["betam"]])
        z = _sc_scatter(p, qs[li], src, dst, st)
        wu = lp["Wu"]
        bu = lp["bu"].reshape(1, F)
        su = (lp["gu"] * _BNS).reshape(1, F)
        tu = lp["betau"].reshape(1, F)
        if li < 2:
            h, p = _upd_call(h, z, wu[:F], wu[F:], bu, su, tu,
                             layers[li + 1]["Wm"][:F])
        else:
            h3, _ = _upd_call(h, z, wu[:F], wu[F:], bu, su, tu,
                              layers[0]["Wm"][:F])
            out = _pool_call(
                h3, batch.reshape(8, N // 8),
                params["r1"][0], params["r1"][1].reshape(1, F),
                params["r2"][0], params["r2"][1].reshape(1, 1))
    return out

# --- scband reference (transcript-rebuilt; emitter-appended) ---
"""Pipeline reference for scband-mpnnmodel-31267361914920 (READ-ONLY COPY).

The authoritative reference and input builder live on the scoring server;
editing this copy changes nothing except your own understanding.
"""

import jax, jax.numpy as jnp
import numpy as np

N = 10000
E = 320000
G = 64
NODE_IN = 128
EDGE_IN = 16
NODE_EMB = 64
EDGE_EMB = 32
HID = 64
LAYERS = 3
OUT = 1


def _lin_init(key, fin, fout):
    k1, k2 = jax.random.split(key)
    lim = 1.0 / np.sqrt(fin)
    W = jax.random.uniform(k1, (fin, fout), jnp.float32, -lim, lim)
    b = jax.random.uniform(k2, (fout,), jnp.float32, -lim, lim)
    return (W, b)


def setup_inputs(seed: int = 0) -> dict:
    key = jax.random.key(seed)
    ks = jax.random.split(key, 11)
    x = jax.random.normal(ks[0], (N, NODE_IN), jnp.float32)
    edge_index = jax.random.randint(ks[1], (2, E), 0, N, dtype=jnp.int32)
    edge_attr = jax.random.normal(ks[2], (E, EDGE_IN), jnp.float32)
    batch = jnp.sort(jax.random.randint(ks[3], (N,), 0, G, dtype=jnp.int32))
    params = {}
    params["node_emb"] = _lin_init(ks[4], NODE_IN, NODE_EMB)
    params["edge_emb"] = _lin_init(ks[5], EDGE_IN, EDGE_EMB)
    layers = []
    for i in range(LAYERS):
        kk = jax.random.split(ks[6 + i], 2)
        nd = NODE_EMB if i == 0 else HID
        Wm, bm = _lin_init(kk[0], nd + EDGE_EMB, HID)
        Wu, bu = _lin_init(kk[1], nd + HID, HID)
        layers.append({
            "Wm": Wm, "bm": bm,
            "gm": jnp.ones((HID,), jnp.float32), "betam": jnp.zeros((HID,), jnp.float32),
            "Wu": Wu, "bu": bu,
            "gu": jnp.ones((HID,), jnp.float32), "betau": jnp.zeros((HID,), jnp.float32),
        })
    params["layers"] = layers
    params["r1"] = _lin_init(ks[9], HID, HID)
    params["r2"] = _lin_init(ks[10], HID, OUT)
    return {"x": x, "edge_index": edge_index, "edge_attr": edge_attr, "batch": batch, "params": params}


def _bn_eval(h, gamma, beta):
    # BatchNorm1d in eval mode with init running stats (mean=0, var=1)
    return (h - 0.0) / jnp.sqrt(1.0 + 1e-5) * gamma + beta


def reference(x, edge_index, edge_attr, batch, params):
    # node / edge embeddings
    h = x @ params["node_emb"][0] + params["node_emb"][1]
    ea = edge_attr @ params["edge_emb"][0] + params["edge_emb"][1]
    src = edge_index[0]
    dst = edge_index[1]
    for lp in params["layers"]:
        # message: MLP(cat(x_j, edge_attr)); Linear -> ReLU -> BN(eval) -> Dropout(eval=identity)
        xj = jnp.take(h, src, axis=0)
        m = jnp.concatenate([xj, ea], axis=-1) @ lp["Wm"] + lp["bm"]
        m = _bn_eval(jax.nn.relu(m), lp["gm"], lp["betam"])
        # aggregate: sum over destination nodes
        aggr = jax.ops.segment_sum(m, dst, num_segments=N)
        # update: MLP(cat(x, aggr_out))
        u = jnp.concatenate([h, aggr], axis=-1) @ lp["Wu"] + lp["bu"]
        h = _bn_eval(jax.nn.relu(u), lp["gu"], lp["betau"])
    # global_add_pool over graph ids
    g = jax.ops.segment_sum(h, batch, num_segments=G)
    # readout MLP (dropout inactive in eval)
    r = jax.nn.relu(g @ params["r1"][0] + params["r1"][1])
    out = r @ params["r2"][0] + params["r2"][1]
    return out

if __name__ == "__main__":
    import jax
    _d = setup_inputs()
    print(jax.jit(kernel)(*tuple(_d.values())))

</pallas_src>

<mosaic_0001>
#map = affine_map<(d0, d1) -> (0, 0)>
#map1 = affine_map<(d0, d1) -> (0)>
#map2 = affine_map<(d0, d1) -> (0, 0, 0)>
module attributes {stable_mosaic.version = 14 : i64} {
  func.func @_sc_body(%arg0: i32, %arg1: i32, %arg2: memref<10000x128xf32, #tpu.memory_space<hbm>>, %arg3: memref<320000x64xf32, #tpu.memory_space<hbm>>, %arg4: memref<320000xi32, #tpu.memory_space<hbm>>, %arg5: memref<320000xi32, #tpu.memory_space<hbm>>, %arg6: memref<2x64xf32, #tpu.memory_space<hbm>>, %arg7: memref<2x10000x128xf32, #tpu.memory_space<hbm>>, %arg8: memref<80xi32, #tpu.memory_space<vmem>>, %arg9: memref<80xi32, #tpu.memory_space<vmem>>, %arg10: memref<80x64xf32, #tpu.memory_space<vmem>>, %arg11: memref<80x128xf32, #tpu.memory_space<vmem>>, %arg12: memref<80x128xf32, #tpu.memory_space<vmem>>, %arg13: memref<40x128xf32, #tpu.memory_space<vmem>>, %arg14: memref<2x64xf32, #tpu.memory_space<vmem>>, %arg15: memref<10000x128xf32, #tpu.memory_space<vmem_shared>>, %arg16: memref<!tpu.dma_semaphore, #tpu.memory_space<semaphore_mem>>) attributes {dimension_semantics = [#tpu.dimension_semantics<core_parallel>, #tpu.dimension_semantics<subcore_parallel>], iteration_bounds = array<i64: 2, 16>, scalar_prefetch = 0 : i64, scratch_operands = 9 : i64, tpu.core_type = #tpu.core_type<sc_vector_subcore>, window_params = [{transform_indices = #map}, {transform_indices = #map}, {transform_indices = #map1}, {transform_indices = #map1}, {transform_indices = #map}, {transform_indices = #map2}]} {
    %mul3A = arith.constant 16 : i32
    %mul3A_0 = arith.muli %arg0, %mul3A : i32
    %add3A = arith.addi %mul3A_0, %arg1 : i32
    "tpu.region"() ({
      %run_scoped3A = tpu.sem_alloc : memref<!tpu.dma_semaphore, #tpu.memory_space<semaphore_mem>>
      tpu.enqueue_dma source(%arg6 : memref<2x64xf32, #tpu.memory_space<hbm>>) target(%arg14 : memref<2x64xf32, #tpu.memory_space<vmem>>) target_semaphore(%run_scoped3A : memref<!tpu.dma_semaphore, #tpu.memory_space<semaphore_mem>>)
      tpu.wait_dma2 semaphore(%run_scoped3A : memref<!tpu.dma_semaphore, #tpu.memory_space<semaphore_mem>>) src(%arg6 : memref<2x64xf32, #tpu.memory_space<hbm>>) dst(%arg14 : memref<2x64xf32, #tpu.memory_space<vmem>>)
      tpu.yield
    }) : () -> ()
    %get3A = arith.constant 0 : i32
    %get3A_1 = arith.index_cast %get3A : i32 to index
    %get3A_2 = arith.constant 0 : index
    %get3A_3 = tpu.vector_load %arg14[%get3A_1, %get3A_2] {strides = array<i32>} : memref<2x64xf32, #tpu.memory_space<vmem>>, vector<1x16xf32>,
    %get3A_4 = vector.shape_cast %get3A_3 : vector<1x16xf32> to vector<16xf32>
    %get3A_5 = arith.constant 0 : i32
    %get3A_6 = arith.index_cast %get3A_5 : i32 to index
    %get3A_7 = arith.constant 16 : index
    %get3A_8 = tpu.vector_load %arg14[%get3A_6, %get3A_7] {strides = array<i32>} : memref<2x64xf32, #tpu.memory_space<vmem>>, vector<1x16xf32>,
    %get3A_9 = vector.shape_cast %get3A_8 : vector<1x16xf32> to vector<16xf32>
    %get3A_10 = arith.constant 0 : i32
    %get3A_11 = arith.index_cast %get3A_10 : i32 to index
    %get3A_12 = arith.constant 32 : index
    %get3A_13 = tpu.vector_load %arg14[%get3A_11, %get3A_12] {strides = array<i32>} : memref<2x64xf32, #tpu.memory_space<vmem>>, vector<1x16xf32>,
    %get3A_14 = vector.shape_cast %get3A_13 : vector<1x16xf32> to vector<16xf32>
    %get3A_15 = arith.constant 0 : i32
    %get3A_16 = arith.index_cast %get3A_15 : i32 to index
    %get3A_17 = arith.constant 48 : index
    %get3A_18 = tpu.vector_load %arg14[%get3A_16, %get3A_17] {strides = array<i32>} : memref<2x64xf32, #tpu.memory_space<vmem>>, vector<1x16xf32>,
    %get3A_19 = vector.shape_cast %get3A_18 : vector<1x16xf32> to vector<16xf32>
    %get3A_20 = arith.constant 1 : i32
    %get3A_21 = arith.index_cast %get3A_20 : i32 to index
    %get3A_22 = arith.constant 0 : index
    %get3A_23 = tpu.vector_load %arg14[%get3A_21, %get3A_22] {strides = array<i32>} : memref<2x64xf32, #tpu.memory_space<vmem>>, vector<1x16xf32>,
    %get3A_24 = vector.shape_cast %get3A_23 : vector<1x16xf32> to vector<16xf32>
    %get3A_25 = arith.constant 1 : i32
    %get3A_26 = arith.index_cast %get3A_25 : i32 to index
    %get3A_27 = arith.constant 16 : index
    %get3A_28 = tpu.vector_load %arg14[%get3A_26, %get3A_27] {strides = array<i32>} : memref<2x64xf32, #tpu.memory_space<vmem>>, vector<1x16xf32>,
    %get3A_29 = vector.shape_cast %get3A_28 : vector<1x16xf32> to vector<16xf32>
    %get3A_30 = arith.constant 1 : i32
    %get3A_31 = arith.index_cast %get3A_30 : i32 to index
    %get3A_32 = arith.constant 32 : index
    %get3A_33 = tpu.vector_load %arg14[%get3A_31, %get3A_32] {strides = array<i32>} : memref<2x64xf32, #tpu.memory_space<vmem>>, vector<1x16xf32>,
    %get3A_34 = vector.shape_cast %get3A_33 : vector<1x16xf32> to vector<16xf32>
    %get3A_35 = arith.constant 1 : i32
    %get3A_36 = arith.index_cast %get3A_35 : i32 to index
    %get3A_37 = arith.constant 48 : index
    %get3A_38 = tpu.vector_load %arg14[%get3A_36, %get3A_37] {strides = array<i32>} : memref<2x64xf32, #tpu.memory_space<vmem>>, vector<1x16xf32>,
    %get3A_39 = vector.shape_cast %get3A_38 : vector<1x16xf32> to vector<16xf32>
    %broadcast_in_dim3A = arith.constant 0.000000e+00 : f32
    %broadcast_in_dim3A_40 = vector.broadcast %broadcast_in_dim3A : f32 to vector<16xf32>
    %lt3A = arith.constant 10 : i32
    %lt3A_41 = arith.cmpi slt, %arg1, %lt3A : i32
    %convert_element_type3A = arith.extui %lt3A_41 : i1 to i32
    %cond3A = arith.constant 0 : i32
    %cond3A_42 = arith.cmpi ne, %convert_element_type3A, %cond3A : i32
    scf.if %cond3A_42 {
      %scan3A_60 = arith.constant 0 : i32
      %scan3A_61 = arith.constant 0 : i32
      %scan3A_62 = arith.constant 40 : i32
      %scan3A_63 = arith.addi %scan3A_61, %scan3A_62 : i32
      %scan3A_64 = arith.constant 1 : i32
      scf.for %scan3A_72 = %scan3A_61 to %scan3A_63 step %scan3A_64  : i32 {
        %swap3A = arith.index_cast %scan3A_72 : i32 to index
        %swap3A_73 = arith.constant 0 : index
        %swap3A_74 = tpu.vector_load %arg13[%swap3A, %swap3A_73] {strides = array<i32>} : memref<40x128xf32, #tpu.memory_space<vmem>>, vector<1x16xf32>,
        %swap3A_75 = vector.shape_cast %swap3A_74 : vector<1x16xf32> to vector<16xf32>
        %swap3A_76 = vector.shape_cast %broadcast_in_dim3A_40 : vector<16xf32> to vector<1x16xf32>
        tpu.vector_store %arg13[%swap3A, %swap3A_73], %swap3A_76 {strides = array<i32>} : memref<40x128xf32, #tpu.memory_space<vmem>>, vector<1x16xf32>,
        %swap3A_77 = arith.index_cast %scan3A_72 : i32 to index
        %swap3A_78 = arith.constant 16 : index
        %swap3A_79 = tpu.vector_load %arg13[%swap3A_77, %swap3A_78] {strides = array<i32>} : memref<40x128xf32, #tpu.memory_space<vmem>>, vector<1x16xf32>,
        %swap3A_80 = vector.shape_cast %swap3A_79 : vector<1x16xf32> to vector<16xf32>
        %swap3A_81 = vector.shape_cast %broadcast_in_dim3A_40 : vector<16xf32> to vector<1x16xf32>
        tpu.vector_store %arg13[%swap3A_77, %swap3A_78], %swap3A_81 {strides = array<i32>} : memref<40x128xf32, #tpu.memory_space<vmem>>, vector<1x16xf32>,
        %swap3A_82 = arith.index_cast %scan3A_72 : i32 to index
        %swap3A_83 = arith.constant 32 : index
        %swap3A_84 = tpu.vector_load %arg13[%swap3A_82, %swap3A_83] {strides = array<i32>} : memref<40x128xf32, #tpu.memory_space<vmem>>, vector<1x16xf32>,
        %swap3A_85 = vector.shape_cast %swap3A_84 : vector<1x16xf32> to vector<16xf32>
        %swap3A_86 = vector.shape_cast %broadcast_in_dim3A_40 : vector<16xf32> to vector<1x16xf32>
        tpu.vector_store %arg13[%swap3A_82, %swap3A_83], %swap3A_86 {strides = array<i32>} : memref<40x128xf32, #tpu.memory_space<vmem>>, vector<1x16xf32>,
        %swap3A_87 = arith.index_cast %scan3A_72 : i32 to index
        %swap3A_88 = arith.constant 48 : index
        %swap3A_89 = tpu.vector_load %arg13[%swap3A_87, %swap3A_88] {strides = array<i32>} : memref<40x128xf32, #tpu.memory_space<vmem>>, vector<1x16xf32>,
        %swap3A_90 = vector.shape_cast %swap3A_89 : vector<1x16xf32> to vector<16xf32>
        %swap3A_91 = vector.shape_cast %broadcast_in_dim3A_40 : vector<16xf32> to vector<1x16xf32>
        tpu.vector_store %arg13[%swap3A_87, %swap3A_88], %swap3A_91 {strides = array<i32>} : memref<40x128xf32, #tpu.memory_space<vmem>>, vector<1x16xf32>,
        %swap3A_92 = arith.index_cast %scan3A_72 : i32 to index
        %swap3A_93 = arith.constant 64 : index
        %swap3A_94 = tpu.vector_load %arg13[%swap3A_92, %swap3A_93] {strides = array<i32>} : memref<40x128xf32, #tpu.memory_space<vmem>>, vector<1x16xf32>,
        %swap3A_95 = vector.shape_cast %swap3A_94 : vector<1x16xf32> to vector<16xf32>
        %swap3A_96 = vector.shape_cast %broadcast_in_dim3A_40 : vector<16xf32> to vector<1x16xf32>
        tpu.vector_store %arg13[%swap3A_92, %swap3A_93], %swap3A_96 {strides = array<i32>} : memref<40x128xf32, #tpu.memory_space<vmem>>, vector<1x16xf32>,
        %swap3A_97 = arith.index_cast %scan3A_72 : i32 to index
        %swap3A_98 = arith.constant 80 : index
        %swap3A_99 = tpu.vector_load %arg13[%swap3A_97, %swap3A_98] {strides = array<i32>} : memref<40x128xf32, #tpu.memory_space<vmem>>, vector<1x16xf32>,
        %swap3A_100 = vector.shape_cast %swap3A_99 : vector<1x16xf32> to vector<16xf32>
        %swap3A_101 = vector.shape_cast %broadcast_in_dim3A_40 : vector<16xf32> to vector<1x16xf32>
        tpu.vector_store %arg13[%swap3A_97, %swap3A_98], %swap3A_101 {strides = array<i32>} : memref<40x128xf32, #tpu.memory_space<vmem>>, vector<1x16xf32>,
        %swap3A_102 = arith.index_cast %scan3A_72 : i32 to index
        %swap3A_103 = arith.constant 96 : index
        %swap3A_104 = tpu.vector_load %arg13[%swap3A_102, %swap3A_103] {strides = array<i32>} : memref<40x128xf32, #tpu.memory_space<vmem>>, vector<1x16xf32>,
        %swap3A_105 = vector.shape_cast %swap3A_104 : vector<1x16xf32> to vector<16xf32>
        %swap3A_106 = vector.shape_cast %broadcast_in_dim3A_40 : vector<16xf32> to vector<1x16xf32>
        tpu.vector_store %arg13[%swap3A_102, %swap3A_103], %swap3A_106 {strides = array<i32>} : memref<40x128xf32, #tpu.memory_space<vmem>>, vector<1x16xf32>,
        %swap3A_107 = arith.index_cast %scan3A_72 : i32 to index
        %swap3A_108 = arith.constant 112 : index
        %swap3A_109 = tpu.vector_load %arg13[%swap3A_107, %swap3A_108] {strides = array<i32>} : memref<40x128xf32, #tpu.memory_space<vmem>>, vector<1x16xf32>,
        %swap3A_110 = vector.shape_cast %swap3A_109 : vector<1x16xf32> to vector<16xf32>
        %swap3A_111 = vector.shape_cast %broadcast_in_dim3A_40 : vector<16xf32> to vector<1x16xf32>
        tpu.vector_store %arg13[%swap3A_107, %swap3A_108], %swap3A_111 {strides = array<i32>} : memref<40x128xf32, #tpu.memory_space<vmem>>, vector<1x16xf32>,
      }
      %scan3A_65 = arith.constant 40 : i32
      %scan3A_66 = arith.constant 0 : i32
      %scan3A_67 = arith.constant 0 : i32
      %scan3A_68 = arith.constant 25 : i32
      %scan3A_69 = arith.addi %scan3A_67, %scan3A_68 : i32
      %scan3A_70 = arith.constant 1 : i32
      scf.for %scan3A_72 = %scan3A_67 to %scan3A_69 step %scan3A_70  : i32 {
        %mul3A_73 = arith.constant 1000 : i32
        %mul3A_74 = arith.muli %arg1, %mul3A_73 : i32
        %mul3A_75 = arith.constant 40 : i32
        %mul3A_76 = arith.muli %scan3A_72, %mul3A_75 : i32
        %add3A_77 = arith.addi %mul3A_74, %mul3A_76 : i32
        "tpu.region"() ({
          %run_scoped3A = tpu.sem_alloc : memref<!tpu.dma_semaphore, #tpu.memory_space<semaphore_mem>>
          %dma_start3A = arith.constant 0 : i32
          %dma_start3A_78 = tpu.memref_slice %arg15[%add3A_77, %dma_start3A] : memref<10000x128xf32, #tpu.memory_space<vmem_shared>> -> memref<40x128xf32, #tpu.memory_space<vmem_shared>>
          %dma_start3A_79 = arith.constant 0 : i32
          %dma_start3A_80 = tpu.memref_slice %arg15[%add3A_77, %dma_start3A_79] : memref<10000x128xf32, #tpu.memory_space<vmem_shared>> -> memref<40x128xf32, #tpu.memory_space<vmem_shared>>
          tpu.enqueue_dma source(%arg13 : memref<40x128xf32, #tpu.memory_space<vmem>>) target(%dma_start3A_80 : memref<40x128xf32, #tpu.memory_space<vmem_shared>>) target_semaphore(%run_scoped3A : memref<!tpu.dma_semaphore, #tpu.memory_space<semaphore_mem>>)
          %dma_wait3A = arith.constant 0 : i32
          %dma_wait3A_81 = tpu.memref_slice %arg15[%add3A_77, %dma_wait3A] : memref<10000x128xf32, #tpu.memory_space<vmem_shared>> -> memref<40x128xf32, #tpu.memory_space<vmem_shared>>
          %dma_wait3A_82 = arith.constant 0 : i32
          %dma_wait3A_83 = tpu.memref_slice %arg15[%add3A_77, %dma_wait3A_82] : memref<10000x128xf32, #tpu.memory_space<vmem_shared>> -> memref<40x128xf32, #tpu.memory_space<vmem_shared>>
          tpu.wait_dma2 semaphore(%run_scoped3A : memref<!tpu.dma_semaphore, #tpu.memory_space<semaphore_mem>>) src(%arg13 : memref<40x128xf32, #tpu.memory_space<vmem>>) dst(%dma_wait3A_83 : memref<40x128xf32, #tpu.memory_space<vmem_shared>>)
          tpu.yield
        }) : () -> ()
      }
      %scan3A_71 = arith.constant 25 : i32
    } else {
    }
    %scan3A = arith.constant 0 : i32
    %scan3A_43 = arith.constant 0 : i32
    %scan3A_44 = arith.constant 80 : i32
    %scan3A_45 = arith.addi %scan3A_43, %scan3A_44 : i32
    %scan3A_46 = arith.constant 1 : i32
    scf.for %scan3A_60 = %scan3A_43 to %scan3A_45 step %scan3A_46  : i32 {
      %swap3A = arith.index_cast %scan3A_60 : i32 to index
      %swap3A_61 = arith.constant 64 : index
      %swap3A_62 = tpu.vector_load %arg12[%swap3A, %swap3A_61] {strides = array<i32>} : memref<80x128xf32, #tpu.memory_space<vmem>>, vector<1x16xf32>,
      %swap3A_63 = vector.shape_cast %swap3A_62 : vector<1x16xf32> to vector<16xf32>
      %swap3A_64 = vector.shape_cast %broadcast_in_dim3A_40 : vector<16xf32> to vector<1x16xf32>
      tpu.vector_store %arg12[%swap3A, %swap3A_61], %swap3A_64 {strides = array<i32>} : memref<80x128xf32, #tpu.memory_space<vmem>>, vector<1x16xf32>,
      %swap3A_65 = arith.index_cast %scan3A_60 : i32 to index
      %swap3A_66 = arith.constant 80 : index
      %swap3A_67 = tpu.vector_load %arg12[%swap3A_65, %swap3A_66] {strides = array<i32>} : memref<80x128xf32, #tpu.memory_space<vmem>>, vector<1x16xf32>,
      %swap3A_68 = vector.shape_cast %swap3A_67 : vector<1x16xf32> to vector<16xf32>
      %swap3A_69 = vector.shape_cast %broadcast_in_dim3A_40 : vector<16xf32> to vector<1x16xf32>
      tpu.vector_store %arg12[%swap3A_65, %swap3A_66], %swap3A_69 {strides = array<i32>} : memref<80x128xf32, #tpu.memory_space<vmem>>, vector<1x16xf32>,
      %swap3A_70 = arith.index_cast %scan3A_60 : i32 to index
      %swap3A_71 = arith.constant 96 : index
      %swap3A_72 = tpu.vector_load %arg12[%swap3A_70, %swap3A_71] {strides = array<i32>} : memref<80x128xf32, #tpu.memory_space<vmem>>, vector<1x16xf32>,
      %swap3A_73 = vector.shape_cast %swap3A_72 : vector<1x16xf32> to vector<16xf32>
      %swap3A_74 = vector.shape_cast %broadcast_in_dim3A_40 : vector<16xf32> to vector<1x16xf32>
      tpu.vector_store %arg12[%swap3A_70, %swap3A_71], %swap3A_74 {strides = array<i32>} : memref<80x128xf32, #tpu.memory_space<vmem>>, vector<1x16xf32>,
      %swap3A_75 = arith.index_cast %scan3A_60 : i32 to index
      %swap3A_76 = arith.constant 112 : index
      %swap3A_77 = tpu.vector_load %arg12[%swap3A_75, %swap3A_76] {strides = array<i32>} : memref<80x128xf32, #tpu.memory_space<vmem>>, vector<1x16xf32>,
      %swap3A_78 = vector.shape_cast %swap3A_77 : vector<1x16xf32> to vector<16xf32>
      %swap3A_79 = vector.shape_cast %broadcast_in_dim3A_40 : vector<16xf32> to vector<1x16xf32>
      tpu.vector_store %arg12[%swap3A_75, %swap3A_76], %swap3A_79 {strides = array<i32>} : memref<80x128xf32, #tpu.memory_space<vmem>>, vector<1x16xf32>,
    }
    %scan3A_47 = arith.constant 80 : i32
    %barrier3A = arith.constant 0 : index
    tpu.barrier barrier_id(%barrier3A)
    %scan3A_48 = arith.constant 0 : i32
    %scan3A_49 = arith.constant 0 : i32
    %scan3A_50 = arith.constant 125 : i32
    %scan3A_51 = arith.addi %scan3A_49, %scan3A_50 : i32
    %scan3A_52 = arith.constant 1 : i32
    scf.for %scan3A_60 = %scan3A_49 to %scan3A_51 step %scan3A_52  : i32 {
      %mul3A_61 = arith.constant 10000 : i32
      %mul3A_62 = arith.muli %add3A, %mul3A_61 : i32
      %mul3A_63 = arith.constant 80 : i32
      %mul3A_64 = arith.muli %scan3A_60, %mul3A_63 : i32
      %add3A_65 = arith.addi %mul3A_62, %mul3A_64 : i32
      "tpu.region"() ({
        %run_scoped3A = tpu.sem_alloc : memref<!tpu.dma_semaphore, #tpu.memory_space<semaphore_mem>>
        %dma_start3A_76 = tpu.memref_slice %arg4[%add3A_65] : memref<320000xi32, #tpu.memory_space<hbm>> -> memref<80xi32, #tpu.memory_space<hbm>>
        %dma_start3A_77 = tpu.memref_slice %arg4[%add3A_65] : memref<320000xi32, #tpu.memory_space<hbm>> -> memref<80xi32, #tpu.memory_space<hbm>>
        tpu.enqueue_dma source(%dma_start3A_77 : memref<80xi32, #tpu.memory_space<hbm>>) target(%arg8 : memref<80xi32, #tpu.memory_space<vmem>>) target_semaphore(%run_scoped3A : memref<!tpu.dma_semaphore, #tpu.memory_space<semaphore_mem>>)
        %dma_wait3A_78 = tpu.memref_slice %arg4[%add3A_65] : memref<320000xi32, #tpu.memory_space<hbm>> -> memref<80xi32, #tpu.memory_space<hbm>>
        %dma_wait3A_79 = tpu.memref_slice %arg4[%add3A_65] : memref<320000xi32, #tpu.memory_space<hbm>> -> memref<80xi32, #tpu.memory_space<hbm>>
        tpu.wait_dma2 semaphore(%run_scoped3A : memref<!tpu.dma_semaphore, #tpu.memory_space<semaphore_mem>>) src(%dma_wait3A_79 : memref<80xi32, #tpu.memory_space<hbm>>) dst(%arg8 : memref<80xi32, #tpu.memory_space<vmem>>)
        tpu.yield
      }) : () -> ()
      "tpu.region"() ({
        %run_scoped3A = tpu.sem_alloc : memref<!tpu.dma_semaphore, #tpu.memory_space<semaphore_mem>>
        %dma_start3A_76 = tpu.memref_slice %arg5[%add3A_65] : memref<320000xi32, #tpu.memory_space<hbm>> -> memref<80xi32, #tpu.memory_space<hbm>>
        %dma_start3A_77 = tpu.memref_slice %arg5[%add3A_65] : memref<320000xi32, #tpu.memory_space<hbm>> -> memref<80xi32, #tpu.memory_space<hbm>>
        tpu.enqueue_dma source(%dma_start3A_77 : memref<80xi32, #tpu.memory_space<hbm>>) target(%arg9 : memref<80xi32, #tpu.memory_space<vmem>>) target_semaphore(%run_scoped3A : memref<!tpu.dma_semaphore, #tpu.memory_space<semaphore_mem>>)
        %dma_wait3A_78 = tpu.memref_slice %arg5[%add3A_65] : memref<320000xi32, #tpu.memory_space<hbm>> -> memref<80xi32, #tpu.memory_space<hbm>>
        %dma_wait3A_79 = tpu.memref_slice %arg5[%add3A_65] : memref<320000xi32, #tpu.memory_space<hbm>> -> memref<80xi32, #tpu.memory_space<hbm>>
        tpu.wait_dma2 semaphore(%run_scoped3A : memref<!tpu.dma_semaphore, #tpu.memory_space<semaphore_mem>>) src(%dma_wait3A_79 : memref<80xi32, #tpu.memory_space<hbm>>) dst(%arg9 : memref<80xi32, #tpu.memory_space<vmem>>)
        tpu.yield
      }) : () -> ()
      "tpu.region"() ({
        %run_scoped3A = tpu.sem_alloc : memref<!tpu.dma_semaphore, #tpu.memory_space<semaphore_mem>>
        %dma_start3A_76 = arith.constant 0 : i32
        %dma_start3A_77 = tpu.memref_slice %arg3[%add3A_65, %dma_start3A_76] : memref<320000x64xf32, #tpu.memory_space<hbm>> -> memref<80x64xf32, #tpu.memory_space<hbm>>
        %dma_start3A_78 = arith.constant 0 : i32
        %dma_start3A_79 = tpu.memref_slice %arg3[%add3A_65, %dma_start3A_78] : memref<320000x64xf32, #tpu.memory_space<hbm>> -> memref<80x64xf32, #tpu.memory_space<hbm>>
        tpu.enqueue_dma source(%dma_start3A_79 : memref<80x64xf32, #tpu.memory_space<hbm>>) target(%arg10 : memref<80x64xf32, #tpu.memory_space<vmem>>) target_semaphore(%run_scoped3A : memref<!tpu.dma_semaphore, #tpu.memory_space<semaphore_mem>>)
        %dma_wait3A_80 = arith.constant 0 : i32
        %dma_wait3A_81 = tpu.memref_slice %arg3[%add3A_65, %dma_wait3A_80] : memref<320000x64xf32, #tpu.memory_space<hbm>> -> memref<80x64xf32, #tpu.memory_space<hbm>>
        %dma_wait3A_82 = arith.constant 0 : i32
        %dma_wait3A_83 = tpu.memref_slice %arg3[%add3A_65, %dma_wait3A_82] : memref<320000x64xf32, #tpu.memory_space<hbm>> -> memref<80x64xf32, #tpu.memory_space<hbm>>
        tpu.wait_dma2 semaphore(%run_scoped3A : memref<!tpu.dma_semaphore, #tpu.memory_space<semaphore_mem>>) src(%dma_wait3A_83 : memref<80x64xf32, #tpu.memory_space<hbm>>) dst(%arg10 : memref<80x64xf32, #tpu.memory_space<vmem>>)
        tpu.yield
      }) : () -> ()
      %dma_start3A = arith.constant 0 : i32
      %dma_start3A_66 = arith.constant 0 : i32
      %dma_start3A_67 = tpu.memref_slice %arg2[%dma_start3A, %dma_start3A_66] : memref<10000x128xf32, #tpu.memory_space<hbm>> -> memref<10000x128xf32, #tpu.memory_space<hbm>>
      tpu.enqueue_indirect_dma source(%dma_start3A_67 : memref<10000x128xf32, #tpu.memory_space<hbm>>) target(%arg11 : memref<80x128xf32, #tpu.memory_space<vmem>>) offsets(%arg8 : memref<80xi32, #tpu.memory_space<vmem>>) semaphore(%arg16 : memref<!tpu.dma_semaphore, #tpu.memory_space<semaphore_mem>>)
      %dma_wait3A = arith.constant 0 : i32
      %dma_wait3A_68 = arith.constant 0 : i32
      %dma_wait3A_69 = tpu.memref_slice %arg2[%dma_wait3A, %dma_wait3A_68] : memref<10000x128xf32, #tpu.memory_space<hbm>> -> memref<10000x128xf32, #tpu.memory_space<hbm>>
      tpu.wait_indirect_dma semaphore(%arg16 : memref<!tpu.dma_semaphore, #tpu.memory_space<semaphore_mem>>) src(%dma_wait3A_69 : memref<10000x128xf32, #tpu.memory_space<hbm>>) dst(%arg11 : memref<80x128xf32, #tpu.memory_space<vmem>>)
      %scan3A_70 = arith.constant 0 : i32
      %scan3A_71 = arith.constant 0 : i32
      %scan3A_72 = arith.constant 80 : i32
      %scan3A_73 = arith.addi %scan3A_71, %scan3A_72 : i32
      %scan3A_74 = arith.constant 1 : i32
      scf.for %scan3A_76 = %scan3A_71 to %scan3A_73 step %scan3A_74  : i32 {
        %get3A_77 = arith.index_cast %scan3A_76 : i32 to index
        %get3A_78 = arith.constant 0 : index
        %get3A_79 = tpu.vector_load %arg10[%get3A_77, %get3A_78] {strides = array<i32>} : memref<80x64xf32, #tpu.memory_space<vmem>>, vector<1x16xf32>,
        %get3A_80 = vector.shape_cast %get3A_79 : vector<1x16xf32> to vector<16xf32>
        %get3A_81 = arith.index_cast %scan3A_76 : i32 to index
        %get3A_82 = arith.constant 0 : index
        %get3A_83 = tpu.vector_load %arg11[%get3A_81, %get3A_82] {strides = array<i32>} : memref<80x128xf32, #tpu.memory_space<vmem>>, vector<1x16xf32>,
        %get3A_84 = vector.shape_cast %get3A_83 : vector<1x16xf32> to vector<16xf32>
        %add3A_85 = arith.addf %get3A_80, %get3A_84 : vector<16xf32>
        %max3A = arith.constant 0.000000e+00 : f32
        %max3A_86 = vector.broadcast %max3A : f32 to vector<16xf32>
        %max3A_87 = arith.maximumf %add3A_85, %max3A_86 : vector<16xf32>
        %mul3A_88 = arith.mulf %max3A_87, %get3A_4 : vector<16xf32>
        %add3A_89 = arith.addf %mul3A_88, %get3A_24 : vector<16xf32>
        %swap3A = arith.index_cast %scan3A_76 : i32 to index
        %swap3A_90 = arith.constant 0 : index
        %swap3A_91 = tpu.vector_load %arg12[%swap3A, %swap3A_90] {strides = array<i32>} : memref<80x128xf32, #tpu.memory_space<vmem>>, vector<1x16xf32>,
        %swap3A_92 = vector.shape_cast %swap3A_91 : vector<1x16xf32> to vector<16xf32>
        %swap3A_93 = vector.shape_cast %add3A_89 : vector<16xf32> to vector<1x16xf32>
        tpu.vector_store %arg12[%swap3A, %swap3A_90], %swap3A_93 {strides = array<i32>} : memref<80x128xf32, #tpu.memory_space<vmem>>, vector<1x16xf32>,
        %get3A_94 = arith.index_cast %scan3A_76 : i32 to index
        %get3A_95 = arith.constant 16 : index
        %get3A_96 = tpu.vector_load %arg10[%get3A_94, %get3A_95] {strides = array<i32>} : memref<80x64xf32, #tpu.memory_space<vmem>>, vector<1x16xf32>,
        %get3A_97 = vector.shape_cast %get3A_96 : vector<1x16xf32> to vector<16xf32>
        %get3A_98 = arith.index_cast %scan3A_76 : i32 to index
        %get3A_99 = arith.constant 16 : index
        %get3A_100 = tpu.vector_load %arg11[%get3A_98, %get3A_99] {strides = array<i32>} : memref<80x128xf32, #tpu.memory_space<vmem>>, vector<1x16xf32>,
        %get3A_101 = vector.shape_cast %get3A_100 : vector<1x16xf32> to vector<16xf32>
        %add3A_102 = arith.addf %get3A_97, %get3A_101 : vector<16xf32>
        %max3A_103 = arith.constant 0.000000e+00 : f32
        %max3A_104 = vector.broadcast %max3A_103 : f32 to vector<16xf32>
        %max3A_105 = arith.maximumf %add3A_102, %max3A_104 : vector<16xf32>
        %mul3A_106 = arith.mulf %max3A_105, %get3A_9 : vector<16xf32>
        %add3A_107 = arith.addf %mul3A_106, %get3A_29 : vector<16xf32>
        %swap3A_108 = arith.index_cast %scan3A_76 : i32 to index
        %swap3A_109 = arith.constant 16 : index
        %swap3A_110 = tpu.vector_load %arg12[%swap3A_108, %swap3A_109] {strides = array<i32>} : memref<80x128xf32, #tpu.memory_space<vmem>>, vector<1x16xf32>,
        %swap3A_111 = vector.shape_cast %swap3A_110 : vector<1x16xf32> to vector<16xf32>
        %swap3A_112 = vector.shape_cast %add3A_107 : vector<16xf32> to vector<1x16xf32>
        tpu.vector_store %arg12[%swap3A_108, %swap3A_109], %swap3A_112 {strides = array<i32>} : memref<80x128xf32, #tpu.memory_space<vmem>>, vector<1x16xf32>,
        %get3A_113 = arith.index_cast %scan3A_76 : i32 to index
        %get3A_114 = arith.constant 32 : index
        %get3A_115 = tpu.vector_load %arg10[%get3A_113, %get3A_114] {strides = array<i32>} : memref<80x64xf32, #tpu.memory_space<vmem>>, vector<1x16xf32>,
        %get3A_116 = vector.shape_cast %get3A_115 : vector<1x16xf32> to vector<16xf32>
        %get3A_117 = arith.index_cast %scan3A_76 : i32 to index
        %get3A_118 = arith.constant 32 : index
        %get3A_119 = tpu.vector_load %arg11[%get3A_117, %get3A_118] {strides = array<i32>} : memref<80x128xf32, #tpu.memory_space<vmem>>, vector<1x16xf32>,
        %get3A_120 = vector.shape_cast %get3A_119 : vector<1x16xf32> to vector<16xf32>
        %add3A_121 = arith.addf %get3A_116, %get3A_120 : vector<16xf32>
        %max3A_122 = arith.constant 0.000000e+00 : f32
        %max3A_123 = vector.broadcast %max3A_122 : f32 to vector<16xf32>
        %max3A_124 = arith.maximumf %add3A_121, %max3A_123 : vector<16xf32>
        %mul3A_125 = arith.mulf %max3A_124, %get3A_14 : vector<16xf32>
        %add3A_126 = arith.addf %mul3A_125, %get3A_34 : vector<16xf32>
        %swap3A_127 = arith.index_cast %scan3A_76 : i32 to index
        %swap3A_128 = arith.constant 32 : index
        %swap3A_129 = tpu.vector_load %arg12[%swap3A_127, %swap3A_128] {strides = array<i32>} : memref<80x128xf32, #tpu.memory_space<vmem>>, vector<1x16xf32>,
        %swap3A_130 = vector.shape_cast %swap3A_129 : vector<1x16xf32> to vector<16xf32>
        %swap3A_131 = vector.shape_cast %add3A_126 : vector<16xf32> to vector<1x16xf32>
        tpu.vector_store %arg12[%swap3A_127, %swap3A_128], %swap3A_131 {strides = array<i32>} : memref<80x128xf32, #tpu.memory_space<vmem>>, vector<1x16xf32>,
        %get3A_132 = arith.index_cast %scan3A_76 : i32 to index
        %get3A_133 = arith.constant 48 : index
        %get3A_134 = tpu.vector_load %arg10[%get3A_132, %get3A_133] {strides = array<i32>} : memref<80x64xf32, #tpu.memory_space<vmem>>, vector<1x16xf32>,
        %get3A_135 = vector.shape_cast %get3A_134 : vector<1x16xf32> to vector<16xf32>
        %get3A_136 = arith.index_cast %scan3A_76 : i32 to index
        %get3A_137 = arith.constant 48 : index
        %get3A_138 = tpu.vector_load %arg11[%get3A_136, %get3A_137] {strides = array<i32>} : memref<80x128xf32, #tpu.memory_space<vmem>>, vector<1x16xf32>,
        %get3A_139 = vector.shape_cast %get3A_138 : vector<1x16xf32> to vector<16xf32>
        %add3A_140 = arith.addf %get3A_135, %get3A_139 : vector<16xf32>
        %max3A_141 = arith.constant 0.000000e+00 : f32
        %max3A_142 = vector.broadcast %max3A_141 : f32 to vector<16xf32>
        %max3A_143 = arith.maximumf %add3A_140, %max3A_142 : vector<16xf32>
        %mul3A_144 = arith.mulf %max3A_143, %get3A_19 : vector<16xf32>
        %add3A_145 = arith.addf %mul3A_144, %get3A_39 : vector<16xf32>
        %swap3A_146 = arith.index_cast %scan3A_76 : i32 to index
        %swap3A_147 = arith.constant 48 : index
        %swap3A_148 = tpu.vector_load %arg12[%swap3A_146, %swap3A_147] {strides = array<i32>} : memref<80x128xf32, #tpu.memory_space<vmem>>, vector<1x16xf32>,
        %swap3A_149 = vector.shape_cast %swap3A_148 : vector<1x16xf32> to vector<16xf32>
        %swap3A_150 = vector.shape_cast %add3A_145 : vector<16xf32> to vector<1x16xf32>
        tpu.vector_store %arg12[%swap3A_146, %swap3A_147], %swap3A_150 {strides = array<i32>} : memref<80x128xf32, #tpu.memory_space<vmem>>, vector<1x16xf32>,
      }
      %scan3A_75 = arith.constant 80 : i32
      "tpu.region"() ({
        %run_scoped3A = tpu.sem_alloc : memref<!tpu.dma_semaphore, #tpu.memory_space<semaphore_mem>>
        %dma_start3A_76 = arith.constant 0 : i32
        %dma_start3A_77 = arith.constant 0 : i32
        %dma_start3A_78 = tpu.memref_slice %arg15[%dma_start3A_76, %dma_start3A_77] : memref<10000x128xf32, #tpu.memory_space<vmem_shared>> -> memref<10000x128xf32, #tpu.memory_space<vmem_shared>>
        tpu.enqueue_indirect_dma source(%arg12 : memref<80x128xf32, #tpu.memory_space<vmem>>) target(%dma_start3A_78 : memref<10000x128xf32, #tpu.memory_space<vmem_shared>>) offsets(%arg9 : memref<80xi32, #tpu.memory_space<vmem>>) semaphore(%run_scoped3A : memref<!tpu.dma_semaphore, #tpu.memory_space<semaphore_mem>>) {add = true}
        %dma_wait3A_79 = arith.constant 0 : i32
        %dma_wait3A_80 = arith.constant 0 : i32
        %dma_wait3A_81 = tpu.memref_slice %arg15[%dma_wait3A_79, %dma_wait3A_80] : memref<10000x128xf32, #tpu.memory_space<vmem_shared>> -> memref<10000x128xf32, #tpu.memory_space<vmem_shared>>
        tpu.wait_indirect_dma semaphore(%run_scoped3A : memref<!tpu.dma_semaphore, #tpu.memory_space<semaphore_mem>>) src(%arg12 : memref<80x128xf32, #tpu.memory_space<vmem>>) dst(%dma_wait3A_81 : memref<10000x128xf32, #tpu.memory_space<vmem_shared>>)
        tpu.yield
      }) : () -> ()
    }
    %scan3A_53 = arith.constant 125 : i32
    %barrier3A_54 = arith.constant 0 : index
    tpu.barrier barrier_id(%barrier3A_54)
    %lt3A_55 = arith.constant 10 : i32
    %lt3A_56 = arith.cmpi slt, %arg1, %lt3A_55 : i32
    %convert_element_type3A_57 = arith.extui %lt3A_56 : i1 to i32
    %cond3A_58 = arith.constant 0 : i32
    %cond3A_59 = arith.cmpi ne, %convert_element_type3A_57, %cond3A_58 : i32
    scf.if %cond3A_59 {
      %mul3A_60 = arith.constant 1000 : i32
      %mul3A_61 = arith.muli %arg1, %mul3A_60 : i32
      %mul3A_62 = arith.constant 1000 : i32
      %mul3A_63 = arith.muli %arg1, %mul3A_62 : i32
      "tpu.region"() ({
        %run_scoped3A = tpu.sem_alloc : memref<!tpu.dma_semaphore, #tpu.memory_space<semaphore_mem>>
        %dma_start3A = arith.constant 0 : i32
        %dma_start3A_64 = tpu.memref_slice %arg7[%arg0, %mul3A_63, %dma_start3A] : memref<2x10000x128xf32, #tpu.memory_space<hbm>> -> memref<1x1000x128xf32, #tpu.memory_space<hbm>>
        %dma_start3A_65 = tpu.memref_squeeze %dma_start3A_64 : memref<1x1000x128xf32, #tpu.memory_space<hbm>> -> memref<1000x128xf32, #tpu.memory_space<hbm>>
        %dma_start3A_66 = arith.constant 0 : i32
        %dma_start3A_67 = tpu.memref_slice %arg15[%mul3A_61, %dma_start3A_66] : memref<10000x128xf32, #tpu.memory_space<vmem_shared>> -> memref<1000x128xf32, #tpu.memory_space<vmem_shared>>
        tpu.enqueue_dma source(%dma_start3A_67 : memref<1000x128xf32, #tpu.memory_space<vmem_shared>>) target(%dma_start3A_65 : memref<1000x128xf32, #tpu.memory_space<hbm>>) target_semaphore(%run_scoped3A : memref<!tpu.dma_semaphore, #tpu.memory_space<semaphore_mem>>)
        %dma_wait3A = arith.constant 0 : i32
        %dma_wait3A_68 = tpu.memref_slice %arg7[%arg0, %mul3A_63, %dma_wait3A] : memref<2x10000x128xf32, #tpu.memory_space<hbm>> -> memref<1x1000x128xf32, #tpu.memory_space<hbm>>
        %dma_wait3A_69 = tpu.memref_squeeze %dma_wait3A_68 : memref<1x1000x128xf32, #tpu.memory_space<hbm>> -> memref<1000x128xf32, #tpu.memory_space<hbm>>
        %dma_wait3A_70 = arith.constant 0 : i32
        %dma_wait3A_71 = tpu.memref_slice %arg15[%mul3A_61, %dma_wait3A_70] : memref<10000x128xf32, #tpu.memory_space<vmem_shared>> -> memref<1000x128xf32, #tpu.memory_space<vmem_shared>>
        tpu.wait_dma2 semaphore(%run_scoped3A : memref<!tpu.dma_semaphore, #tpu.memory_space<semaphore_mem>>) src(%dma_wait3A_71 : memref<1000x128xf32, #tpu.memory_space<vmem_shared>>) dst(%dma_wait3A_69 : memref<1000x128xf32, #tpu.memory_space<hbm>>)
        tpu.yield
      }) : () -> ()
    } else {
    }
    return
  }
}

#map = affine_map<(d0, d1) -> (0, 0)>
#map1 = affine_map<(d0, d1) -> (0)>
#map2 = affine_map<(d0, d1) -> (0, 0, 0)>
module attributes {stable_mosaic.version = 14 : i64} {
  func.func @_sc_body(%arg0: i32, %arg1: i32, %arg2: memref<10000x128xf32, #tpu.memory_space<hbm>>, %arg3: memref<320000x64xf32, #tpu.memory_space<hbm>>, %arg4: memref<320000xi32, #tpu.memory_space<hbm>>, %arg5: memref<320000xi32, #tpu.memory_space<hbm>>, %arg6: memref<2x64xf32, #tpu.memory_space<hbm>>, %arg7: memref<2x10000x128xf32, #tpu.memory_space<hbm>>, %arg8: memref<80xi32, #tpu.memory_space<vmem>>, %arg9: memref<80xi32, #tpu.memory_space<vmem>>, %arg10: memref<80x64xf32, #tpu.memory_space<vmem>>, %arg11: memref<80x128xf32, #tpu.memory_space<vmem>>, %arg12: memref<80x128xf32, #tpu.memory_space<vmem>>, %arg13: memref<40x128xf32, #tpu.memory_space<vmem>>, %arg14: memref<2x64xf32, #tpu.memory_space<vmem>>, %arg15: memref<10000x128xf32, #tpu.memory_space<vmem_shared>>, %arg16: memref<!tpu.dma_semaphore, #tpu.memory_space<semaphore_mem>>) attributes {dimension_semantics = [#tpu.dimension_semantics<core_parallel>, #tpu.dimension_semantics<subcore_parallel>], iteration_bounds = array<i64: 2, 16>, scalar_prefetch = 0 : i64, scratch_operands = 9 : i64, tpu.core_type = #tpu.core_type<sc_vector_subcore>, window_params = [{transform_indices = #map}, {transform_indices = #map}, {transform_indices = #map1}, {transform_indices = #map1}, {transform_indices = #map}, {transform_indices = #map2}]} {
    %mul3A = arith.constant 16 : i32
    %mul3A_0 = arith.muli %arg0, %mul3A : i32
    %add3A = arith.addi %mul3A_0, %arg1 : i32
    "tpu.region"() ({
      %run_scoped3A = tpu.sem_alloc : memref<!tpu.dma_semaphore, #tpu.memory_space<semaphore_mem>>
      tpu.enqueue_dma source(%arg6 : memref<2x64xf32, #tpu.memory_space<hbm>>) target(%arg14 : memref<2x64xf32, #tpu.memory_space<vmem>>) target_semaphore(%run_scoped3A : memref<!tpu.dma_semaphore, #tpu.memory_space<semaphore_mem>>)
      tpu.wait_dma2 semaphore(%run_scoped3A : memref<!tpu.dma_semaphore, #tpu.memory_space<semaphore_mem>>) src(%arg6 : memref<2x64xf32, #tpu.memory_space<hbm>>) dst(%arg14 : memref<2x64xf32, #tpu.memory_space<vmem>>)
      tpu.yield
    }) : () -> ()
    %get3A = arith.constant 0 : i32
    %get3A_1 = arith.index_cast %get3A : i32 to index
    %get3A_2 = arith.constant 0 : index
    %get3A_3 = tpu.vector_load %arg14[%get3A_1, %get3A_2] {strides = array<i32>} : memref<2x64xf32, #tpu.memory_space<vmem>>, vector<1x16xf32>,
    %get3A_4 = vector.shape_cast %get3A_3 : vector<1x16xf32> to vector<16xf32>
    %get3A_5 = arith.constant 0 : i32
    %get3A_6 = arith.index_cast %get3A_5 : i32 to index
    %get3A_7 = arith.constant 16 : index
    %get3A_8 = tpu.vector_load %arg14[%get3A_6, %get3A_7] {strides = array<i32>} : memref<2x64xf32, #tpu.memory_space<vmem>>, vector<1x16xf32>,
    %get3A_9 = vector.shape_cast %get3A_8 : vector<1x16xf32> to vector<16xf32>
    %get3A_10 = arith.constant 0 : i32
    %get3A_11 = arith.index_cast %get3A_10 : i32 to index
    %get3A_12 = arith.constant 32 : index
    %get3A_13 = tpu.vector_load %arg14[%get3A_11, %get3A_12] {strides = array<i32>} : memref<2x64xf32, #tpu.memory_space<vmem>>, vector<1x16xf32>,
    %get3A_14 = vector.shape_cast %get3A_13 : vector<1x16xf32> to vector<16xf32>
    %get3A_15 = arith.constant 0 : i32
    %get3A_16 = arith.index_cast %get3A_15 : i32 to index
    %get3A_17 = arith.constant 48 : index
    %get3A_18 = tpu.vector_load %arg14[%get3A_16, %get3A_17] {strides = array<i32>} : memref<2x64xf32, #tpu.memory_space<vmem>>, vector<1x16xf32>,
    %get3A_19 = vector.shape_cast %get3A_18 : vector<1x16xf32> to vector<16xf32>
    %get3A_20 = arith.constant 1 : i32
    %get3A_21 = arith.index_cast %get3A_20 : i32 to index
    %get3A_22 = arith.constant 0 : index
    %get3A_23 = tpu.vector_load %arg14[%get3A_21, %get3A_22] {strides = array<i32>} : memref<2x64xf32, #tpu.memory_space<vmem>>, vector<1x16xf32>,
    %get3A_24 = vector.shape_cast %get3A_23 : vector<1x16xf32> to vector<16xf32>
    %get3A_25 = arith.constant 1 : i32
    %get3A_26 = arith.index_cast %get3A_25 : i32 to index
    %get3A_27 = arith.constant 16 : index
    %get3A_28 = tpu.vector_load %arg14[%get3A_26, %get3A_27] {strides = array<i32>} : memref<2x64xf32, #tpu.memory_space<vmem>>, vector<1x16xf32>,
    %get3A_29 = vector.shape_cast %get3A_28 : vector<1x16xf32> to vector<16xf32>
    %get3A_30 = arith.constant 1 : i32
    %get3A_31 = arith.index_cast %get3A_30 : i32 to index
    %get3A_32 = arith.constant 32 : index
    %get3A_33 = tpu.vector_load %arg14[%get3A_31, %get3A_32] {strides = array<i32>} : memref<2x64xf32, #tpu.memory_space<vmem>>, vector<1x16xf32>,
    %get3A_34 = vector.shape_cast %get3A_33 : vector<1x16xf32> to vector<16xf32>
    %get3A_35 = arith.constant 1 : i32
    %get3A_36 = arith.index_cast %get3A_35 : i32 to index
    %get3A_37 = arith.constant 48 : index
    %get3A_38 = tpu.vector_load %arg14[%get3A_36, %get3A_37] {strides = array<i32>} : memref<2x64xf32, #tpu.memory_space<vmem>>, vector<1x16xf32>,
    %get3A_39 = vector.shape_cast %get3A_38 : vector<1x16xf32> to vector<16xf32>
    %broadcast_in_dim3A = arith.constant 0.000000e+00 : f32
    %broadcast_in_dim3A_40 = vector.broadcast %broadcast_in_dim3A : f32 to vector<16xf32>
    %lt3A = arith.constant 10 : i32
    %lt3A_41 = arith.cmpi slt, %arg1, %lt3A : i32
    %convert_element_type3A = arith.extui %lt3A_41 : i1 to i32
    %cond3A = arith.constant 0 : i32
    %cond3A_42 = arith.cmpi ne, %convert_element_type3A, %cond3A : i32
    scf.if %cond3A_42 {
      %scan3A_60 = arith.constant 0 : i32
      %scan3A_61 = arith.constant 0 : i32
      %scan3A_62 = arith.constant 40 : i32
      %scan3A_63 = arith.addi %scan3A_61, %scan3A_62 : i32
      %scan3A_64 = arith.constant 1 : i32
      scf.for %scan3A_72 = %scan3A_61 to %scan3A_63 step %scan3A_64  : i32 {
        %swap3A = arith.index_cast %scan3A_72 : i32 to index
        %swap3A_73 = arith.constant 0 : index
        %swap3A_74 = tpu.vector_load %arg13[%swap3A, %swap3A_73] {strides = array<i32>} : memref<40x128xf32, #tpu.memory_space<vmem>>, vector<1x16xf32>,
        %swap3A_75 = vector.shape_cast %swap3A_74 : vector<1x16xf32> to vector<16xf32>
        %swap3A_76 = vector.shape_cast %broadcast_in_dim3A_40 : vector<16xf32> to vector<1x16xf32>
        tpu.vector_store %arg13[%swap3A, %swap3A_73], %swap3A_76 {strides = array<i32>} : memref<40x128xf32, #tpu.memory_space<vmem>>, vector<1x16xf32>,
        %swap3A_77 = arith.index_cast %scan3A_72 : i32 to index
        %swap3A_78 = arith.constant 16 : index
        %swap3A_79 = tpu.vector_load %arg13[%swap3A_77, %swap3A_78] {strides = array<i32>} : memref<40x128xf32, #tpu.memory_space<vmem>>, vector<1x16xf32>,
        %swap3A_80 = vector.shape_cast %swap3A_79 : vector<1x16xf32> to vector<16xf32>
        %swap3A_81 = vector.shape_cast %broadcast_in_dim3A_40 : vector<16xf32> to vector<1x16xf32>
        tpu.vector_store %arg13[%swap3A_77, %swap3A_78], %swap3A_81 {strides = array<i32>} : memref<40x128xf32, #tpu.memory_space<vmem>>, vector<1x16xf32>,
        %swap3A_82 = arith.index_cast %scan3A_72 : i32 to index
        %swap3A_83 = arith.constant 32 : index
        %swap3A_84 = tpu.vector_load %arg13[%swap3A_82, %swap3A_83] {strides = array<i32>} : memref<40x128xf32, #tpu.memory_space<vmem>>, vector<1x16xf32>,
        %swap3A_85 = vector.shape_cast %swap3A_84 : vector<1x16xf32> to vector<16xf32>
        %swap3A_86 = vector.shape_cast %broadcast_in_dim3A_40 : vector<16xf32> to vector<1x16xf32>
        tpu.vector_store %arg13[%swap3A_82, %swap3A_83], %swap3A_86 {strides = array<i32>} : memref<40x128xf32, #tpu.memory_space<vmem>>, vector<1x16xf32>,
        %swap3A_87 = arith.index_cast %scan3A_72 : i32 to index
        %swap3A_88 = arith.constant 48 : index
        %swap3A_89 = tpu.vector_load %arg13[%swap3A_87, %swap3A_88] {strides = array<i32>} : memref<40x128xf32, #tpu.memory_space<vmem>>, vector<1x16xf32>,
        %swap3A_90 = vector.shape_cast %swap3A_89 : vector<1x16xf32> to vector<16xf32>
        %swap3A_91 = vector.shape_cast %broadcast_in_dim3A_40 : vector<16xf32> to vector<1x16xf32>
        tpu.vector_store %arg13[%swap3A_87, %swap3A_88], %swap3A_91 {strides = array<i32>} : memref<40x128xf32, #tpu.memory_space<vmem>>, vector<1x16xf32>,
        %swap3A_92 = arith.index_cast %scan3A_72 : i32 to index
        %swap3A_93 = arith.constant 64 : index
        %swap3A_94 = tpu.vector_load %arg13[%swap3A_92, %swap3A_93] {strides = array<i32>} : memref<40x128xf32, #tpu.memory_space<vmem>>, vector<1x16xf32>,
        %swap3A_95 = vector.shape_cast %swap3A_94 : vector<1x16xf32> to vector<16xf32>
        %swap3A_96 = vector.shape_cast %broadcast_in_dim3A_40 : vector<16xf32> to vector<1x16xf32>
        tpu.vector_store %arg13[%swap3A_92, %swap3A_93], %swap3A_96 {strides = array<i32>} : memref<40x128xf32, #tpu.memory_space<vmem>>, vector<1x16xf32>,
        %swap3A_97 = arith.index_cast %scan3A_72 : i32 to index
        %swap3A_98 = arith.constant 80 : index
        %swap3A_99 = tpu.vector_load %arg13[%swap3A_97, %swap3A_98] {strides = array<i32>} : memref<40x128xf32, #tpu.memory_space<vmem>>, vector<1x16xf32>,
        %swap3A_100 = vector.shape_cast %swap3A_99 : vector<1x16xf32> to vector<16xf32>
        %swap3A_101 = vector.shape_cast %broadcast_in_dim3A_40 : vector<16xf32> to vector<1x16xf32>
        tpu.vector_store %arg13[%swap3A_97, %swap3A_98], %swap3A_101 {strides = array<i32>} : memref<40x128xf32, #tpu.memory_space<vmem>>, vector<1x16xf32>,
        %swap3A_102 = arith.index_cast %scan3A_72 : i32 to index
        %swap3A_103 = arith.constant 96 : index
        %swap3A_104 = tpu.vector_load %arg13[%swap3A_102, %swap3A_103] {strides = array<i32>} : memref<40x128xf32, #tpu.memory_space<vmem>>, vector<1x16xf32>,
        %swap3A_105 = vector.shape_cast %swap3A_104 : vector<1x16xf32> to vector<16xf32>
        %swap3A_106 = vector.shape_cast %broadcast_in_dim3A_40 : vector<16xf32> to vector<1x16xf32>
        tpu.vector_store %arg13[%swap3A_102, %swap3A_103], %swap3A_106 {strides = array<i32>} : memref<40x128xf32, #tpu.memory_space<vmem>>, vector<1x16xf32>,
        %swap3A_107 = arith.index_cast %scan3A_72 : i32 to index
        %swap3A_108 = arith.constant 112 : index
        %swap3A_109 = tpu.vector_load %arg13[%swap3A_107, %swap3A_108] {strides = array<i32>} : memref<40x128xf32, #tpu.memory_space<vmem>>, vector<1x16xf32>,
        %swap3A_110 = vector.shape_cast %swap3A_109 : vector<1x16xf32> to vector<16xf32>
        %swap3A_111 = vector.shape_cast %broadcast_in_dim3A_40 : vector<16xf32> to vector<1x16xf32>
        tpu.vector_store %arg13[%swap3A_107, %swap3A_108], %swap3A_111 {strides = array<i32>} : memref<40x128xf32, #tpu.memory_space<vmem>>, vector<1x16xf32>,
      }
      %scan3A_65 = arith.constant 40 : i32
      %scan3A_66 = arith.constant 0 : i32
      %scan3A_67 = arith.constant 0 : i32
      %scan3A_68 = arith.constant 25 : i32
      %scan3A_69 = arith.addi %scan3A_67, %scan3A_68 : i32
      %scan3A_70 = arith.constant 1 : i32
      scf.for %scan3A_72 = %scan3A_67 to %scan3A_69 step %scan3A_70  : i32 {
        %mul3A_73 = arith.constant 1000 : i32
        %mul3A_74 = arith.muli %arg1, %mul3A_73 : i32
        %mul3A_75 = arith.constant 40 : i32
        %mul3A_76 = arith.muli %scan3A_72, %mul3A_75 : i32
        %add3A_77 = arith.addi %mul3A_74, %mul3A_76 : i32
        "tpu.region"() ({
          %run_scoped3A = tpu.sem_alloc : memref<!tpu.dma_semaphore, #tpu.memory_space<semaphore_mem>>
          %dma_start3A = arith.constant 0 : i32
          %dma_start3A_78 = tpu.memref_slice %arg15[%add3A_77, %dma_start3A] : memref<10000x128xf32, #tpu.memory_space<vmem_shared>> -> memref<40x128xf32, #tpu.memory_space<vmem_shared>>
          %dma_start3A_79 = arith.constant 0 : i32
          %dma_start3A_80 = tpu.memref_slice %arg15[%add3A_77, %dma_start3A_79] : memref<10000x128xf32, #tpu.memory_space<vmem_shared>> -> memref<40x128xf32, #tpu.memory_space<vmem_shared>>
          tpu.enqueue_dma source(%arg13 : memref<40x128xf32, #tpu.memory_space<vmem>>) target(%dma_start3A_80 : memref<40x128xf32, #tpu.memory_space<vmem_shared>>) target_semaphore(%run_scoped3A : memref<!tpu.dma_semaphore, #tpu.memory_space<semaphore_mem>>)
          %dma_wait3A = arith.constant 0 : i32
          %dma_wait3A_81 = tpu.memref_slice %arg15[%add3A_77, %dma_wait3A] : memref<10000x128xf32, #tpu.memory_space<vmem_shared>> -> memref<40x128xf32, #tpu.memory_space<vmem_shared>>
          %dma_wait3A_82 = arith.constant 0 : i32
          %dma_wait3A_83 = tpu.memref_slice %arg15[%add3A_77, %dma_wait3A_82] : memref<10000x128xf32, #tpu.memory_space<vmem_shared>> -> memref<40x128xf32, #tpu.memory_space<vmem_shared>>
          tpu.wait_dma2 semaphore(%run_scoped3A : memref<!tpu.dma_semaphore, #tpu.memory_space<semaphore_mem>>) src(%arg13 : memref<40x128xf32, #tpu.memory_space<vmem>>) dst(%dma_wait3A_83 : memref<40x128xf32, #tpu.memory_space<vmem_shared>>)
          tpu.yield
        }) : () -> ()
      }
      %scan3A_71 = arith.constant 25 : i32
    } else {
    }
    %scan3A = arith.constant 0 : i32
    %scan3A_43 = arith.constant 0 : i32
    %scan3A_44 = arith.constant 80 : i32
    %scan3A_45 = arith.addi %scan3A_43, %scan3A_44 : i32
    %scan3A_46 = arith.constant 1 : i32
    scf.for %scan3A_60 = %scan3A_43 to %scan3A_45 step %scan3A_46  : i32 {
      %swap3A = arith.index_cast %scan3A_60 : i32 to index
      %swap3A_61 = arith.constant 64 : index
      %swap3A_62 = tpu.vector_load %arg12[%swap3A, %swap3A_61] {strides = array<i32>} : memref<80x128xf32, #tpu.memory_space<vmem>>, vector<1x16xf32>,
      %swap3A_63 = vector.shape_cast %swap3A_62 : vector<1x16xf32> to vector<16xf32>
      %swap3A_64 = vector.shape_cast %broadcast_in_dim3A_40 : vector<16xf32> to vector<1x16xf32>
      tpu.vector_store %arg12[%swap3A, %swap3A_61], %swap3A_64 {strides = array<i32>} : memref<80x128xf32, #tpu.memory_space<vmem>>, vector<1x16xf32>,
      %swap3A_65 = arith.index_cast %scan3A_60 : i32 to index
      %swap3A_66 = arith.constant 80 : index
      %swap3A_67 = tpu.vector_load %arg12[%swap3A_65, %swap3A_66] {strides = array<i32>} : memref<80x128xf32, #tpu.memory_space<vmem>>, vector<1x16xf32>,
      %swap3A_68 = vector.shape_cast %swap3A_67 : vector<1x16xf32> to vector<16xf32>
      %swap3A_69 = vector.shape_cast %broadcast_in_dim3A_40 : vector<16xf32> to vector<1x16xf32>
      tpu.vector_store %arg12[%swap3A_65, %swap3A_66], %swap3A_69 {strides = array<i32>} : memref<80x128xf32, #tpu.memory_space<vmem>>, vector<1x16xf32>,
      %swap3A_70 = arith.index_cast %scan3A_60 : i32 to index
      %swap3A_71 = arith.constant 96 : index
      %swap3A_72 = tpu.vector_load %arg12[%swap3A_70, %swap3A_71] {strides = array<i32>} : memref<80x128xf32, #tpu.memory_space<vmem>>, vector<1x16xf32>,
      %swap3A_73 = vector.shape_cast %swap3A_72 : vector<1x16xf32> to vector<16xf32>
      %swap3A_74 = vector.shape_cast %broadcast_in_dim3A_40 : vector<16xf32> to vector<1x16xf32>
      tpu.vector_store %arg12[%swap3A_70, %swap3A_71], %swap3A_74 {strides = array<i32>} : memref<80x128xf32, #tpu.memory_space<vmem>>, vector<1x16xf32>,
      %swap3A_75 = arith.index_cast %scan3A_60 : i32 to index
      %swap3A_76 = arith.constant 112 : index
      %swap3A_77 = tpu.vector_load %arg12[%swap3A_75, %swap3A_76] {strides = array<i32>} : memref<80x128xf32, #tpu.memory_space<vmem>>, vector<1x16xf32>,
      %swap3A_78 = vector.shape_cast %swap3A_77 : vector<1x16xf32> to vector<16xf32>
      %swap3A_79 = vector.shape_cast %broadcast_in_dim3A_40 : vector<16xf32> to vector<1x16xf32>
      tpu.vector_store %arg12[%swap3A_75, %swap3A_76], %swap3A_79 {strides = array<i32>} : memref<80x128xf32, #tpu.memory_space<vmem>>, vector<1x16xf32>,
    }
    %scan3A_47 = arith.constant 80 : i32
    %barrier3A = arith.constant 0 : index
    tpu.barrier barrier_id(%barrier3A)
    %scan3A_48 = arith.constant 0 : i32
    %scan3A_49 = arith.constant 0 : i32
    %scan3A_50 = arith.constant 125 : i32
    %scan3A_51 = arith.addi %scan3A_49, %scan3A_50 : i32
    %scan3A_52 = arith.constant 1 : i32
    scf.for %scan3A_60 = %scan3A_49 to %scan3A_51 step %scan3A_52  : i32 {
      %mul3A_61 = arith.constant 10000 : i32
      %mul3A_62 = arith.muli %add3A, %mul3A_61 : i32
      %mul3A_63 = arith.constant 80 : i32
      %mul3A_64 = arith.muli %scan3A_60, %mul3A_63 : i32
      %add3A_65 = arith.addi %mul3A_62, %mul3A_64 : i32
      "tpu.region"() ({
        %run_scoped3A = tpu.sem_alloc : memref<!tpu.dma_semaphore, #tpu.memory_space<semaphore_mem>>
        %dma_start3A_76 = tpu.memref_slice %arg4[%add3A_65] : memref<320000xi32, #tpu.memory_space<hbm>> -> memref<80xi32, #tpu.memory_space<hbm>>
        %dma_start3A_77 = tpu.memref_slice %arg4[%add3A_65] : memref<320000xi32, #tpu.memory_space<hbm>> -> memref<80xi32, #tpu.memory_space<hbm>>
        tpu.enqueue_dma source(%dma_start3A_77 : memref<80xi32, #tpu.memory_space<hbm>>) target(%arg8 : memref<80xi32, #tpu.memory_space<vmem>>) target_semaphore(%run_scoped3A : memref<!tpu.dma_semaphore, #tpu.memory_space<semaphore_mem>>)
        %dma_wait3A_78 = tpu.memref_slice %arg4[%add3A_65] : memref<320000xi32, #tpu.memory_space<hbm>> -> memref<80xi32, #tpu.memory_space<hbm>>
        %dma_wait3A_79 = tpu.memref_slice %arg4[%add3A_65] : memref<320000xi32, #tpu.memory_space<hbm>> -> memref<80xi32, #tpu.memory_space<hbm>>
        tpu.wait_dma2 semaphore(%run_scoped3A : memref<!tpu.dma_semaphore, #tpu.memory_space<semaphore_mem>>) src(%dma_wait3A_79 : memref<80xi32, #tpu.memory_space<hbm>>) dst(%arg8 : memref<80xi32, #tpu.memory_space<vmem>>)
        tpu.yield
      }) : () -> ()
      "tpu.region"() ({
        %run_scoped3A = tpu.sem_alloc : memref<!tpu.dma_semaphore, #tpu.memory_space<semaphore_mem>>
        %dma_start3A_76 = tpu.memref_slice %arg5[%add3A_65] : memref<320000xi32, #tpu.memory_space<hbm>> -> memref<80xi32, #tpu.memory_space<hbm>>
        %dma_start3A_77 = tpu.memref_slice %arg5[%add3A_65] : memref<320000xi32, #tpu.memory_space<hbm>> -> memref<80xi32, #tpu.memory_space<hbm>>
        tpu.enqueue_dma source(%dma_start3A_77 : memref<80xi32, #tpu.memory_space<hbm>>) target(%arg9 : memref<80xi32, #tpu.memory_space<vmem>>) target_semaphore(%run_scoped3A : memref<!tpu.dma_semaphore, #tpu.memory_space<semaphore_mem>>)
        %dma_wait3A_78 = tpu.memref_slice %arg5[%add3A_65] : memref<320000xi32, #tpu.memory_space<hbm>> -> memref<80xi32, #tpu.memory_space<hbm>>
        %dma_wait3A_79 = tpu.memref_slice %arg5[%add3A_65] : memref<320000xi32, #tpu.memory_space<hbm>> -> memref<80xi32, #tpu.memory_space<hbm>>
        tpu.wait_dma2 semaphore(%run_scoped3A : memref<!tpu.dma_semaphore, #tpu.memory_space<semaphore_mem>>) src(%dma_wait3A_79 : memref<80xi32, #tpu.memory_space<hbm>>) dst(%arg9 : memref<80xi32, #tpu.memory_space<vmem>>)
        tpu.yield
      }) : () -> ()
      "tpu.region"() ({
        %run_scoped3A = tpu.sem_alloc : memref<!tpu.dma_semaphore, #tpu.memory_space<semaphore_mem>>
        %dma_start3A_76 = arith.constant 0 : i32
        %dma_start3A_77 = tpu.memref_slice %arg3[%add3A_65, %dma_start3A_76] : memref<320000x64xf32, #tpu.memory_space<hbm>> -> memref<80x64xf32, #tpu.memory_space<hbm>>
        %dma_start3A_78 = arith.constant 0 : i32
        %dma_start3A_79 = tpu.memref_slice %arg3[%add3A_65, %dma_start3A_78] : memref<320000x64xf32, #tpu.memory_space<hbm>> -> memref<80x64xf32, #tpu.memory_space<hbm>>
        tpu.enqueue_dma source(%dma_start3A_79 : memref<80x64xf32, #tpu.memory_space<hbm>>) target(%arg10 : memref<80x64xf32, #tpu.memory_space<vmem>>) target_semaphore(%run_scoped3A : memref<!tpu.dma_semaphore, #tpu.memory_space<semaphore_mem>>)
        %dma_wait3A_80 = arith.constant 0 : i32
        %dma_wait3A_81 = tpu.memref_slice %arg3[%add3A_65, %dma_wait3A_80] : memref<320000x64xf32, #tpu.memory_space<hbm>> -> memref<80x64xf32, #tpu.memory_space<hbm>>
        %dma_wait3A_82 = arith.constant 0 : i32
        %dma_wait3A_83 = tpu.memref_slice %arg3[%add3A_65, %dma_wait3A_82] : memref<320000x64xf32, #tpu.memory_space<hbm>> -> memref<80x64xf32, #tpu.memory_space<hbm>>
        tpu.wait_dma2 semaphore(%run_scoped3A : memref<!tpu.dma_semaphore, #tpu.memory_space<semaphore_mem>>) src(%dma_wait3A_83 : memref<80x64xf32, #tpu.memory_space<hbm>>) dst(%arg10 : memref<80x64xf32, #tpu.memory_space<vmem>>)
        tpu.yield
      }) : () -> ()
      %dma_start3A = arith.constant 0 : i32
      %dma_start3A_66 = arith.constant 0 : i32
      %dma_start3A_67 = tpu.memref_slice %arg2[%dma_start3A, %dma_start3A_66] : memref<10000x128xf32, #tpu.memory_space<hbm>> -> memref<10000x128xf32, #tpu.memory_space<hbm>>
      tpu.enqueue_indirect_dma source(%dma_start3A_67 : memref<10000x128xf32, #tpu.memory_space<hbm>>) target(%arg11 : memref<80x128xf32, #tpu.memory_space<vmem>>) offsets(%arg8 : memref<80xi32, #tpu.memory_space<vmem>>) semaphore(%arg16 : memref<!tpu.dma_semaphore, #tpu.memory_space<semaphore_mem>>)
      %dma_wait3A = arith.constant 0 : i32
      %dma_wait3A_68 = arith.constant 0 : i32
      %dma_wait3A_69 = tpu.memref_slice %arg2[%dma_wait3A, %dma_wait3A_68] : memref<10000x128xf32, #tpu.memory_space<hbm>> -> memref<10000x128xf32, #tpu.memory_space<hbm>>
      tpu.wait_indirect_dma semaphore(%arg16 : memref<!tpu.dma_semaphore, #tpu.memory_space<semaphore_mem>>) src(%dma_wait3A_69 : memref<10000x128xf32, #tpu.memory_space<hbm>>) dst(%arg11 : memref<80x128xf32, #tpu.memory_space<vmem>>)
      %scan3A_70 = arith.constant 0 : i32
      %scan3A_71 = arith.constant 0 : i32
      %scan3A_72 = arith.constant 80 : i32
      %scan3A_73 = arith.addi %scan3A_71, %scan3A_72 : i32
      %scan3A_74 = arith.constant 1 : i32
      scf.for %scan3A_76 = %scan3A_71 to %scan3A_73 step %scan3A_74  : i32 {
        %get3A_77 = arith.index_cast %scan3A_76 : i32 to index
        %get3A_78 = arith.constant 0 : index
        %get3A_79 = tpu.vector_load %arg10[%get3A_77, %get3A_78] {strides = array<i32>} : memref<80x64xf32, #tpu.memory_space<vmem>>, vector<1x16xf32>,
        %get3A_80 = vector.shape_cast %get3A_79 : vector<1x16xf32> to vector<16xf32>
        %get3A_81 = arith.index_cast %scan3A_76 : i32 to index
        %get3A_82 = arith.constant 0 : index
        %get3A_83 = tpu.vector_load %arg11[%get3A_81, %get3A_82] {strides = array<i32>} : memref<80x128xf32, #tpu.memory_space<vmem>>, vector<1x16xf32>,
        %get3A_84 = vector.shape_cast %get3A_83 : vector<1x16xf32> to vector<16xf32>
        %add3A_85 = arith.addf %get3A_80, %get3A_84 : vector<16xf32>
        %max3A = arith.constant 0.000000e+00 : f32
        %max3A_86 = vector.broadcast %max3A : f32 to vector<16xf32>
        %max3A_87 = arith.maximumf %add3A_85, %max3A_86 : vector<16xf32>
        %mul3A_88 = arith.mulf %max3A_87, %get3A_4 : vector<16xf32>
        %add3A_89 = arith.addf %mul3A_88, %get3A_24 : vector<16xf32>
        %swap3A = arith.index_cast %scan3A_76 : i32 to index
        %swap3A_90 = arith.constant 0 : index
        %swap3A_91 = tpu.vector_load %arg12[%swap3A, %swap3A_90] {strides = array<i32>} : memref<80x128xf32, #tpu.memory_space<vmem>>, vector<1x16xf32>,
        %swap3A_92 = vector.shape_cast %swap3A_91 : vector<1x16xf32> to vector<16xf32>
        %swap3A_93 = vector.shape_cast %add3A_89 : vector<16xf32> to vector<1x16xf32>
        tpu.vector_store %arg12[%swap3A, %swap3A_90], %swap3A_93 {strides = array<i32>} : memref<80x128xf32, #tpu.memory_space<vmem>>, vector<1x16xf32>,
        %get3A_94 = arith.index_cast %scan3A_76 : i32 to index
        %get3A_95 = arith.constant 16 : index
        %get3A_96 = tpu.vector_load %arg10[%get3A_94, %get3A_95] {strides = array<i32>} : memref<80x64xf32, #tpu.memory_space<vmem>>, vector<1x16xf32>,
        %get3A_97 = vector.shape_cast %get3A_96 : vector<1x16xf32> to vector<16xf32>
        %get3A_98 = arith.index_cast %scan3A_76 : i32 to index
        %get3A_99 = arith.constant 16 : index
        %get3A_100 = tpu.vector_load %arg11[%get3A_98, %get3A_99] {strides = array<i32>} : memref<80x128xf32, #tpu.memory_space<vmem>>, vector<1x16xf32>,
        %get3A_101 = vector.shape_cast %get3A_100 : vector<1x16xf32> to vector<16xf32>
        %add3A_102 = arith.addf %get3A_97, %get3A_101 : vector<16xf32>
        %max3A_103 = arith.constant 0.000000e+00 : f32
        %max3A_104 = vector.broadcast %max3A_103 : f32 to vector<16xf32>
        %max3A_105 = arith.maximumf %add3A_102, %max3A_104 : vector<16xf32>
        %mul3A_106 = arith.mulf %max3A_105, %get3A_9 : vector<16xf32>
        %add3A_107 = arith.addf %mul3A_106, %get3A_29 : vector<16xf32>
        %swap3A_108 = arith.index_cast %scan3A_76 : i32 to index
        %swap3A_109 = arith.constant 16 : index
        %swap3A_110 = tpu.vector_load %arg12[%swap3A_108, %swap3A_109] {strides = array<i32>} : memref<80x128xf32, #tpu.memory_space<vmem>>, vector<1x16xf32>,
        %swap3A_111 = vector.shape_cast %swap3A_110 : vector<1x16xf32> to vector<16xf32>
        %swap3A_112 = vector.shape_cast %add3A_107 : vector<16xf32> to vector<1x16xf32>
        tpu.vector_store %arg12[%swap3A_108, %swap3A_109], %swap3A_112 {strides = array<i32>} : memref<80x128xf32, #tpu.memory_space<vmem>>, vector<1x16xf32>,
        %get3A_113 = arith.index_cast %scan3A_76 : i32 to index
        %get3A_114 = arith.constant 32 : index
        %get3A_115 = tpu.vector_load %arg10[%get3A_113, %get3A_114] {strides = array<i32>} : memref<80x64xf32, #tpu.memory_space<vmem>>, vector<1x16xf32>,
        %get3A_116 = vector.shape_cast %get3A_115 : vector<1x16xf32> to vector<16xf32>
        %get3A_117 = arith.index_cast %scan3A_76 : i32 to index
        %get3A_118 = arith.constant 32 : index
        %get3A_119 = tpu.vector_load %arg11[%get3A_117, %get3A_118] {strides = array<i32>} : memref<80x128xf32, #tpu.memory_space<vmem>>, vector<1x16xf32>,
        %get3A_120 = vector.shape_cast %get3A_119 : vector<1x16xf32> to vector<16xf32>
        %add3A_121 = arith.addf %get3A_116, %get3A_120 : vector<16xf32>
        %max3A_122 = arith.constant 0.000000e+00 : f32
        %max3A_123 = vector.broadcast %max3A_122 : f32 to vector<16xf32>
        %max3A_124 = arith.maximumf %add3A_121, %max3A_123 : vector<16xf32>
        %mul3A_125 = arith.mulf %max3A_124, %get3A_14 : vector<16xf32>
        %add3A_126 = arith.addf %mul3A_125, %get3A_34 : vector<16xf32>
        %swap3A_127 = arith.index_cast %scan3A_76 : i32 to index
        %swap3A_128 = arith.constant 32 : index
        %swap3A_129 = tpu.vector_load %arg12[%swap3A_127, %swap3A_128] {strides = array<i32>} : memref<80x128xf32, #tpu.memory_space<vmem>>, vector<1x16xf32>,
        %swap3A_130 = vector.shape_cast %swap3A_129 : vector<1x16xf32> to vector<16xf32>
        %swap3A_131 = vector.shape_cast %add3A_126 : vector<16xf32> to vector<1x16xf32>
        tpu.vector_store %arg12[%swap3A_127, %swap3A_128], %swap3A_131 {strides = array<i32>} : memref<80x128xf32, #tpu.memory_space<vmem>>, vector<1x16xf32>,
        %get3A_132 = arith.index_cast %scan3A_76 : i32 to index
        %get3A_133 = arith.constant 48 : index
        %get3A_134 = tpu.vector_load %arg10[%get3A_132, %get3A_133] {strides = array<i32>} : memref<80x64xf32, #tpu.memory_space<vmem>>, vector<1x16xf32>,
        %get3A_135 = vector.shape_cast %get3A_134 : vector<1x16xf32> to vector<16xf32>
        %get3A_136 = arith.index_cast %scan3A_76 : i32 to index
        %get3A_137 = arith.constant 48 : index
        %get3A_138 = tpu.vector_load %arg11[%get3A_136, %get3A_137] {strides = array<i32>} : memref<80x128xf32, #tpu.memory_space<vmem>>, vector<1x16xf32>,
        %get3A_139 = vector.shape_cast %get3A_138 : vector<1x16xf32> to vector<16xf32>
        %add3A_140 = arith.addf %get3A_135, %get3A_139 : vector<16xf32>
        %max3A_141 = arith.constant 0.000000e+00 : f32
        %max3A_142 = vector.broadcast %max3A_141 : f32 to vector<16xf32>
        %max3A_143 = arith.maximumf %add3A_140, %max3A_142 : vector<16xf32>
        %mul3A_144 = arith.mulf %max3A_143, %get3A_19 : vector<16xf32>
        %add3A_145 = arith.addf %mul3A_144, %get3A_39 : vector<16xf32>
        %swap3A_146 = arith.index_cast %scan3A_76 : i32 to index
        %swap3A_147 = arith.constant 48 : index
        %swap3A_148 = tpu.vector_load %arg12[%swap3A_146, %swap3A_147] {strides = array<i32>} : memref<80x128xf32, #tpu.memory_space<vmem>>, vector<1x16xf32>,
        %swap3A_149 = vector.shape_cast %swap3A_148 : vector<1x16xf32> to vector<16xf32>
        %swap3A_150 = vector.shape_cast %add3A_145 : vector<16xf32> to vector<1x16xf32>
        tpu.vector_store %arg12[%swap3A_146, %swap3A_147], %swap3A_150 {strides = array<i32>} : memref<80x128xf32, #tpu.memory_space<vmem>>, vector<1x16xf32>,
      }
      %scan3A_75 = arith.constant 80 : i32
      "tpu.region"() ({
        %run_scoped3A = tpu.sem_alloc : memref<!tpu.dma_semaphore, #tpu.memory_space<semaphore_mem>>
        %dma_start3A_76 = arith.constant 0 : i32
        %dma_start3A_77 = arith.constant 0 : i32
        %dma_start3A_78 = tpu.memref_slice %arg15[%dma_start3A_76, %dma_start3A_77] : memref<10000x128xf32, #tpu.memory_space<vmem_shared>> -> memref<10000x128xf32, #tpu.memory_space<vmem_shared>>
        tpu.enqueue_indirect_dma source(%arg12 : memref<80x128xf32, #tpu.memory_space<vmem>>) target(%dma_start3A_78 : memref<10000x128xf32, #tpu.memory_space<vmem_shared>>) offsets(%arg9 : memref<80xi32, #tpu.memory_space<vmem>>) semaphore(%run_scoped3A : memref<!tpu.dma_semaphore, #tpu.memory_space<semaphore_mem>>) {add = true}
        %dma_wait3A_79 = arith.constant 0 : i32
        %dma_wait3A_80 = arith.constant 0 : i32
        %dma_wait3A_81 = tpu.memref_slice %arg15[%dma_wait3A_79, %dma_wait3A_80] : memref<10000x128xf32, #tpu.memory_space<vmem_shared>> -> memref<10000x128xf32, #tpu.memory_space<vmem_shared>>
        tpu.wait_indirect_dma semaphore(%run_scoped3A : memref<!tpu.dma_semaphore, #tpu.memory_space<semaphore_mem>>) src(%arg12 : memref<80x128xf32, #tpu.memory_space<vmem>>) dst(%dma_wait3A_81 : memref<10000x128xf32, #tpu.memory_space<vmem_shared>>)
        tpu.yield
      }) : () -> ()
    }
    %scan3A_53 = arith.constant 125 : i32
    %barrier3A_54 = arith.constant 0 : index
    tpu.barrier barrier_id(%barrier3A_54)
    %lt3A_55 = arith.constant 10 : i32
    %lt3A_56 = arith.cmpi slt, %arg1, %lt3A_55 : i32
    %convert_element_type3A_57 = arith.extui %lt3A_56 : i1 to i32
    %cond3A_58 = arith.constant 0 : i32
    %cond3A_59 = arith.cmpi ne, %convert_element_type3A_57, %cond3A_58 : i32
    scf.if %cond3A_59 {
      %mul3A_60 = arith.constant 1000 : i32
      %mul3A_61 = arith.muli %arg1, %mul3A_60 : i32
      %mul3A_62 = arith.constant 1000 : i32
      %mul3A_63 = arith.muli %arg1, %mul3A_62 : i32
      "tpu.region"() ({
        %run_scoped3A = tpu.sem_alloc : memref<!tpu.dma_semaphore, #tpu.memory_space<semaphore_mem>>
        %dma_start3A = arith.constant 0 : i32
        %dma_start3A_64 = tpu.memref_slice %arg7[%arg0, %mul3A_63, %dma_start3A] : memref<2x10000x128xf32, #tpu.memory_space<hbm>> -> memref<1x1000x128xf32, #tpu.memory_space<hbm>>
        %dma_start3A_65 = tpu.memref_squeeze %dma_start3A_64 : memref<1x1000x128xf32, #tpu.memory_space<hbm>> -> memref<1000x128xf32, #tpu.memory_space<hbm>>
        %dma_start3A_66 = arith.constant 0 : i32
        %dma_start3A_67 = tpu.memref_slice %arg15[%mul3A_61, %dma_start3A_66] : memref<10000x128xf32, #tpu.memory_space<vmem_shared>> -> memref<1000x128xf32, #tpu.memory_space<vmem_shared>>
        tpu.enqueue_dma source(%dma_start3A_67 : memref<1000x128xf32, #tpu.memory_space<vmem_shared>>) target(%dma_start3A_65 : memref<1000x128xf32, #tpu.memory_space<hbm>>) target_semaphore(%run_scoped3A : memref<!tpu.dma_semaphore, #tpu.memory_space<semaphore_mem>>)
        %dma_wait3A = arith.constant 0 : i32
        %dma_wait3A_68 = tpu.memref_slice %arg7[%arg0, %mul3A_63, %dma_wait3A] : memref<2x10000x128xf32, #tpu.memory_space<hbm>> -> memref<1x1000x128xf32, #tpu.memory_space<hbm>>
        %dma_wait3A_69 = tpu.memref_squeeze %dma_wait3A_68 : memref<1x1000x128xf32, #tpu.memory_space<hbm>> -> memref<1000x128xf32, #tpu.memory_space<hbm>>
        %dma_wait3A_70 = arith.constant 0 : i32
        %dma_wait3A_71 = tpu.memref_slice %arg15[%mul3A_61, %dma_wait3A_70] : memref<10000x128xf32, #tpu.memory_space<vmem_shared>> -> memref<1000x128xf32, #tpu.memory_space<vmem_shared>>
        tpu.wait_dma2 semaphore(%run_scoped3A : memref<!tpu.dma_semaphore, #tpu.memory_space<semaphore_mem>>) src(%dma_wait3A_71 : memref<1000x128xf32, #tpu.memory_space<vmem_shared>>) dst(%dma_wait3A_69 : memref<1000x128xf32, #tpu.memory_space<hbm>>)
        tpu.yield
      }) : () -> ()
    } else {
    }
    return
  }
}

#map = affine_map<(d0, d1) -> (0, 0)>
#map1 = affine_map<(d0, d1) -> (0)>
#map2 = affine_map<(d0, d1) -> (0, 0, 0)>
module attributes {stable_mosaic.version = 14 : i64} {
  func.func @_sc_body(%arg0: i32, %arg1: i32, %arg2: memref<10000x128xf32, #tpu.memory_space<hbm>>, %arg3: memref<320000x64xf32, #tpu.memory_space<hbm>>, %arg4: memref<320000xi32, #tpu.memory_space<hbm>>, %arg5: memref<320000xi32, #tpu.memory_space<hbm>>, %arg6: memref<2x64xf32, #tpu.memory_space<hbm>>, %arg7: memref<2x10000x128xf32, #tpu.memory_space<hbm>>, %arg8: memref<80xi32, #tpu.memory_space<vmem>>, %arg9: memref<80xi32, #tpu.memory_space<vmem>>, %arg10: memref<80x64xf32, #tpu.memory_space<vmem>>, %arg11: memref<80x128xf32, #tpu.memory_space<vmem>>, %arg12: memref<80x128xf32, #tpu.memory_space<vmem>>, %arg13: memref<40x128xf32, #tpu.memory_space<vmem>>, %arg14: memref<2x64xf32, #tpu.memory_space<vmem>>, %arg15: memref<10000x128xf32, #tpu.memory_space<vmem_shared>>, %arg16: memref<!tpu.dma_semaphore, #tpu.memory_space<semaphore_mem>>) attributes {dimension_semantics = [#tpu.dimension_semantics<core_parallel>, #tpu.dimension_semantics<subcore_parallel>], iteration_bounds = array<i64: 2, 16>, scalar_prefetch = 0 : i64, scratch_operands = 9 : i64, tpu.core_type = #tpu.core_type<sc_vector_subcore>, window_params = [{transform_indices = #map}, {transform_indices = #map}, {transform_indices = #map1}, {transform_indices = #map1}, {transform_indices = #map}, {transform_indices = #map2}]} {
    %mul3A = arith.constant 16 : i32
    %mul3A_0 = arith.muli %arg0, %mul3A : i32
    %add3A = arith.addi %mul3A_0, %arg1 : i32
    "tpu.region"() ({
      %run_scoped3A = tpu.sem_alloc : memref<!tpu.dma_semaphore, #tpu.memory_space<semaphore_mem>>
      tpu.enqueue_dma source(%arg6 : memref<2x64xf32, #tpu.memory_space<hbm>>) target(%arg14 : memref<2x64xf32, #tpu.memory_space<vmem>>) target_semaphore(%run_scoped3A : memref<!tpu.dma_semaphore, #tpu.memory_space<semaphore_mem>>)
      tpu.wait_dma2 semaphore(%run_scoped3A : memref<!tpu.dma_semaphore, #tpu.memory_space<semaphore_mem>>) src(%arg6 : memref<2x64xf32, #tpu.memory_space<hbm>>) dst(%arg14 : memref<2x64xf32, #tpu.memory_space<vmem>>)
      tpu.yield
    }) : () -> ()
    %get3A = arith.constant 0 : i32
    %get3A_1 = arith.index_cast %get3A : i32 to index
    %get3A_2 = arith.constant 0 : index
    %get3A_3 = tpu.vector_load %arg14[%get3A_1, %get3A_2] {strides = array<i32>} : memref<2x64xf32, #tpu.memory_space<vmem>>, vector<1x16xf32>,
    %get3A_4 = vector.shape_cast %get3A_3 : vector<1x16xf32> to vector<16xf32>
    %get3A_5 = arith.constant 0 : i32
    %get3A_6 = arith.index_cast %get3A_5 : i32 to index
    %get3A_7 = arith.constant 16 : index
    %get3A_8 = tpu.vector_load %arg14[%get3A_6, %get3A_7] {strides = array<i32>} : memref<2x64xf32, #tpu.memory_space<vmem>>, vector<1x16xf32>,
    %get3A_9 = vector.shape_cast %get3A_8 : vector<1x16xf32> to vector<16xf32>
    %get3A_10 = arith.constant 0 : i32
    %get3A_11 = arith.index_cast %get3A_10 : i32 to index
    %get3A_12 = arith.constant 32 : index
    %get3A_13 = tpu.vector_load %arg14[%get3A_11, %get3A_12] {strides = array<i32>} : memref<2x64xf32, #tpu.memory_space<vmem>>, vector<1x16xf32>,
    %get3A_14 = vector.shape_cast %get3A_13 : vector<1x16xf32> to vector<16xf32>
    %get3A_15 = arith.constant 0 : i32
    %get3A_16 = arith.index_cast %get3A_15 : i32 to index
    %get3A_17 = arith.constant 48 : index
    %get3A_18 = tpu.vector_load %arg14[%get3A_16, %get3A_17] {strides = array<i32>} : memref<2x64xf32, #tpu.memory_space<vmem>>, vector<1x16xf32>,
    %get3A_19 = vector.shape_cast %get3A_18 : vector<1x16xf32> to vector<16xf32>
    %get3A_20 = arith.constant 1 : i32
    %get3A_21 = arith.index_cast %get3A_20 : i32 to index
    %get3A_22 = arith.constant 0 : index
    %get3A_23 = tpu.vector_load %arg14[%get3A_21, %get3A_22] {strides = array<i32>} : memref<2x64xf32, #tpu.memory_space<vmem>>, vector<1x16xf32>,
    %get3A_24 = vector.shape_cast %get3A_23 : vector<1x16xf32> to vector<16xf32>
    %get3A_25 = arith.constant 1 : i32
    %get3A_26 = arith.index_cast %get3A_25 : i32 to index
    %get3A_27 = arith.constant 16 : index
    %get3A_28 = tpu.vector_load %arg14[%get3A_26, %get3A_27] {strides = array<i32>} : memref<2x64xf32, #tpu.memory_space<vmem>>, vector<1x16xf32>,
    %get3A_29 = vector.shape_cast %get3A_28 : vector<1x16xf32> to vector<16xf32>
    %get3A_30 = arith.constant 1 : i32
    %get3A_31 = arith.index_cast %get3A_30 : i32 to index
    %get3A_32 = arith.constant 32 : index
    %get3A_33 = tpu.vector_load %arg14[%get3A_31, %get3A_32] {strides = array<i32>} : memref<2x64xf32, #tpu.memory_space<vmem>>, vector<1x16xf32>,
    %get3A_34 = vector.shape_cast %get3A_33 : vector<1x16xf32> to vector<16xf32>
    %get3A_35 = arith.constant 1 : i32
    %get3A_36 = arith.index_cast %get3A_35 : i32 to index
    %get3A_37 = arith.constant 48 : index
    %get3A_38 = tpu.vector_load %arg14[%get3A_36, %get3A_37] {strides = array<i32>} : memref<2x64xf32, #tpu.memory_space<vmem>>, vector<1x16xf32>,
    %get3A_39 = vector.shape_cast %get3A_38 : vector<1x16xf32> to vector<16xf32>
    %broadcast_in_dim3A = arith.constant 0.000000e+00 : f32
    %broadcast_in_dim3A_40 = vector.broadcast %broadcast_in_dim3A : f32 to vector<16xf32>
    %lt3A = arith.constant 10 : i32
    %lt3A_41 = arith.cmpi slt, %arg1, %lt3A : i32
    %convert_element_type3A = arith.extui %lt3A_41 : i1 to i32
    %cond3A = arith.constant 0 : i32
    %cond3A_42 = arith.cmpi ne, %convert_element_type3A, %cond3A : i32
    scf.if %cond3A_42 {
      %scan3A_60 = arith.constant 0 : i32
      %scan3A_61 = arith.constant 0 : i32
      %scan3A_62 = arith.constant 40 : i32
      %scan3A_63 = arith.addi %scan3A_61, %scan3A_62 : i32
      %scan3A_64 = arith.constant 1 : i32
      scf.for %scan3A_72 = %scan3A_61 to %scan3A_63 step %scan3A_64  : i32 {
        %swap3A = arith.index_cast %scan3A_72 : i32 to index
        %swap3A_73 = arith.constant 0 : index
        %swap3A_74 = tpu.vector_load %arg13[%swap3A, %swap3A_73] {strides = array<i32>} : memref<40x128xf32, #tpu.memory_space<vmem>>, vector<1x16xf32>,
        %swap3A_75 = vector.shape_cast %swap3A_74 : vector<1x16xf32> to vector<16xf32>
        %swap3A_76 = vector.shape_cast %broadcast_in_dim3A_40 : vector<16xf32> to vector<1x16xf32>
        tpu.vector_store %arg13[%swap3A, %swap3A_73], %swap3A_76 {strides = array<i32>} : memref<40x128xf32, #tpu.memory_space<vmem>>, vector<1x16xf32>,
        %swap3A_77 = arith.index_cast %scan3A_72 : i32 to index
        %swap3A_78 = arith.constant 16 : index
        %swap3A_79 = tpu.vector_load %arg13[%swap3A_77, %swap3A_78] {strides = array<i32>} : memref<40x128xf32, #tpu.memory_space<vmem>>, vector<1x16xf32>,
        %swap3A_80 = vector.shape_cast %swap3A_79 : vector<1x16xf32> to vector<16xf32>
        %swap3A_81 = vector.shape_cast %broadcast_in_dim3A_40 : vector<16xf32> to vector<1x16xf32>
        tpu.vector_store %arg13[%swap3A_77, %swap3A_78], %swap3A_81 {strides = array<i32>} : memref<40x128xf32, #tpu.memory_space<vmem>>, vector<1x16xf32>,
        %swap3A_82 = arith.index_cast %scan3A_72 : i32 to index
        %swap3A_83 = arith.constant 32 : index
        %swap3A_84 = tpu.vector_load %arg13[%swap3A_82, %swap3A_83] {strides = array<i32>} : memref<40x128xf32, #tpu.memory_space<vmem>>, vector<1x16xf32>,
        %swap3A_85 = vector.shape_cast %swap3A_84 : vector<1x16xf32> to vector<16xf32>
        %swap3A_86 = vector.shape_cast %broadcast_in_dim3A_40 : vector<16xf32> to vector<1x16xf32>
        tpu.vector_store %arg13[%swap3A_82, %swap3A_83], %swap3A_86 {strides = array<i32>} : memref<40x128xf32, #tpu.memory_space<vmem>>, vector<1x16xf32>,
        %swap3A_87 = arith.index_cast %scan3A_72 : i32 to index
        %swap3A_88 = arith.constant 48 : index
        %swap3A_89 = tpu.vector_load %arg13[%swap3A_87, %swap3A_88] {strides = array<i32>} : memref<40x128xf32, #tpu.memory_space<vmem>>, vector<1x16xf32>,
        %swap3A_90 = vector.shape_cast %swap3A_89 : vector<1x16xf32> to vector<16xf32>
        %swap3A_91 = vector.shape_cast %broadcast_in_dim3A_40 : vector<16xf32> to vector<1x16xf32>
        tpu.vector_store %arg13[%swap3A_87, %swap3A_88], %swap3A_91 {strides = array<i32>} : memref<40x128xf32, #tpu.memory_space<vmem>>, vector<1x16xf32>,
        %swap3A_92 = arith.index_cast %scan3A_72 : i32 to index
        %swap3A_93 = arith.constant 64 : index
        %swap3A_94 = tpu.vector_load %arg13[%swap3A_92, %swap3A_93] {strides = array<i32>} : memref<40x128xf32, #tpu.memory_space<vmem>>, vector<1x16xf32>,
        %swap3A_95 = vector.shape_cast %swap3A_94 : vector<1x16xf32> to vector<16xf32>
        %swap3A_96 = vector.shape_cast %broadcast_in_dim3A_40 : vector<16xf32> to vector<1x16xf32>
        tpu.vector_store %arg13[%swap3A_92, %swap3A_93], %swap3A_96 {strides = array<i32>} : memref<40x128xf32, #tpu.memory_space<vmem>>, vector<1x16xf32>,
        %swap3A_97 = arith.index_cast %scan3A_72 : i32 to index
        %swap3A_98 = arith.constant 80 : index
        %swap3A_99 = tpu.vector_load %arg13[%swap3A_97, %swap3A_98] {strides = array<i32>} : memref<40x128xf32, #tpu.memory_space<vmem>>, vector<1x16xf32>,
        %swap3A_100 = vector.shape_cast %swap3A_99 : vector<1x16xf32> to vector<16xf32>
        %swap3A_101 = vector.shape_cast %broadcast_in_dim3A_40 : vector<16xf32> to vector<1x16xf32>
        tpu.vector_store %arg13[%swap3A_97, %swap3A_98], %swap3A_101 {strides = array<i32>} : memref<40x128xf32, #tpu.memory_space<vmem>>, vector<1x16xf32>,
        %swap3A_102 = arith.index_cast %scan3A_72 : i32 to index
        %swap3A_103 = arith.constant 96 : index
        %swap3A_104 = tpu.vector_load %arg13[%swap3A_102, %swap3A_103] {strides = array<i32>} : memref<40x128xf32, #tpu.memory_space<vmem>>, vector<1x16xf32>,
        %swap3A_105 = vector.shape_cast %swap3A_104 : vector<1x16xf32> to vector<16xf32>
        %swap3A_106 = vector.shape_cast %broadcast_in_dim3A_40 : vector<16xf32> to vector<1x16xf32>
        tpu.vector_store %arg13[%swap3A_102, %swap3A_103], %swap3A_106 {strides = array<i32>} : memref<40x128xf32, #tpu.memory_space<vmem>>, vector<1x16xf32>,
        %swap3A_107 = arith.index_cast %scan3A_72 : i32 to index
        %swap3A_108 = arith.constant 112 : index
        %swap3A_109 = tpu.vector_load %arg13[%swap3A_107, %swap3A_108] {strides = array<i32>} : memref<40x128xf32, #tpu.memory_space<vmem>>, vector<1x16xf32>,
        %swap3A_110 = vector.shape_cast %swap3A_109 : vector<1x16xf32> to vector<16xf32>
        %swap3A_111 = vector.shape_cast %broadcast_in_dim3A_40 : vector<16xf32> to vector<1x16xf32>
        tpu.vector_store %arg13[%swap3A_107, %swap3A_108], %swap3A_111 {strides = array<i32>} : memref<40x128xf32, #tpu.memory_space<vmem>>, vector<1x16xf32>,
      }
      %scan3A_65 = arith.constant 40 : i32
      %scan3A_66 = arith.constant 0 : i32
      %scan3A_67 = arith.constant 0 : i32
      %scan3A_68 = arith.constant 25 : i32
      %scan3A_69 = arith.addi %scan3A_67, %scan3A_68 : i32
      %scan3A_70 = arith.constant 1 : i32
      scf.for %scan3A_72 = %scan3A_67 to %scan3A_69 step %scan3A_70  : i32 {
        %mul3A_73 = arith.constant 1000 : i32
        %mul3A_74 = arith.muli %arg1, %mul3A_73 : i32
        %mul3A_75 = arith.constant 40 : i32
        %mul3A_76 = arith.muli %scan3A_72, %mul3A_75 : i32
        %add3A_77 = arith.addi %mul3A_74, %mul3A_76 : i32
        "tpu.region"() ({
          %run_scoped3A = tpu.sem_alloc : memref<!tpu.dma_semaphore, #tpu.memory_space<semaphore_mem>>
          %dma_start3A = arith.constant 0 : i32
          %dma_start3A_78 = tpu.memref_slice %arg15[%add3A_77, %dma_start3A] : memref<10000x128xf32, #tpu.memory_space<vmem_shared>> -> memref<40x128xf32, #tpu.memory_space<vmem_shared>>
          %dma_start3A_79 = arith.constant 0 : i32
          %dma_start3A_80 = tpu.memref_slice %arg15[%add3A_77, %dma_start3A_79] : memref<10000x128xf32, #tpu.memory_space<vmem_shared>> -> memref<40x128xf32, #tpu.memory_space<vmem_shared>>
          tpu.enqueue_dma source(%arg13 : memref<40x128xf32, #tpu.memory_space<vmem>>) target(%dma_start3A_80 : memref<40x128xf32, #tpu.memory_space<vmem_shared>>) target_semaphore(%run_scoped3A : memref<!tpu.dma_semaphore, #tpu.memory_space<semaphore_mem>>)
          %dma_wait3A = arith.constant 0 : i32
          %dma_wait3A_81 = tpu.memref_slice %arg15[%add3A_77, %dma_wait3A] : memref<10000x128xf32, #tpu.memory_space<vmem_shared>> -> memref<40x128xf32, #tpu.memory_space<vmem_shared>>
          %dma_wait3A_82 = arith.constant 0 : i32
          %dma_wait3A_83 = tpu.memref_slice %arg15[%add3A_77, %dma_wait3A_82] : memref<10000x128xf32, #tpu.memory_space<vmem_shared>> -> memref<40x128xf32, #tpu.memory_space<vmem_shared>>
          tpu.wait_dma2 semaphore(%run_scoped3A : memref<!tpu.dma_semaphore, #tpu.memory_space<semaphore_mem>>) src(%arg13 : memref<40x128xf32, #tpu.memory_space<vmem>>) dst(%dma_wait3A_83 : memref<40x128xf32, #tpu.memory_space<vmem_shared>>)
          tpu.yield
        }) : () -> ()
      }
      %scan3A_71 = arith.constant 25 : i32
    } else {
    }
    %scan3A = arith.constant 0 : i32
    %scan3A_43 = arith.constant 0 : i32
    %scan3A_44 = arith.constant 80 : i32
    %scan3A_45 = arith.addi %scan3A_43, %scan3A_44 : i32
    %scan3A_46 = arith.constant 1 : i32
    scf.for %scan3A_60 = %scan3A_43 to %scan3A_45 step %scan3A_46  : i32 {
      %swap3A = arith.index_cast %scan3A_60 : i32 to index
      %swap3A_61 = arith.constant 64 : index
      %swap3A_62 = tpu.vector_load %arg12[%swap3A, %swap3A_61] {strides = array<i32>} : memref<80x128xf32, #tpu.memory_space<vmem>>, vector<1x16xf32>,
      %swap3A_63 = vector.shape_cast %swap3A_62 : vector<1x16xf32> to vector<16xf32>
      %swap3A_64 = vector.shape_cast %broadcast_in_dim3A_40 : vector<16xf32> to vector<1x16xf32>
      tpu.vector_store %arg12[%swap3A, %swap3A_61], %swap3A_64 {strides = array<i32>} : memref<80x128xf32, #tpu.memory_space<vmem>>, vector<1x16xf32>,
      %swap3A_65 = arith.index_cast %scan3A_60 : i32 to index
      %swap3A_66 = arith.constant 80 : index
      %swap3A_67 = tpu.vector_load %arg12[%swap3A_65, %swap3A_66] {strides = array<i32>} : memref<80x128xf32, #tpu.memory_space<vmem>>, vector<1x16xf32>,
      %swap3A_68 = vector.shape_cast %swap3A_67 : vector<1x16xf32> to vector<16xf32>
      %swap3A_69 = vector.shape_cast %broadcast_in_dim3A_40 : vector<16xf32> to vector<1x16xf32>
      tpu.vector_store %arg12[%swap3A_65, %swap3A_66], %swap3A_69 {strides = array<i32>} : memref<80x128xf32, #tpu.memory_space<vmem>>, vector<1x16xf32>,
      %swap3A_70 = arith.index_cast %scan3A_60 : i32 to index
      %swap3A_71 = arith.constant 96 : index
      %swap3A_72 = tpu.vector_load %arg12[%swap3A_70, %swap3A_71] {strides = array<i32>} : memref<80x128xf32, #tpu.memory_space<vmem>>, vector<1x16xf32>,
      %swap3A_73 = vector.shape_cast %swap3A_72 : vector<1x16xf32> to vector<16xf32>
      %swap3A_74 = vector.shape_cast %broadcast_in_dim3A_40 : vector<16xf32> to vector<1x16xf32>
      tpu.vector_store %arg12[%swap3A_70, %swap3A_71], %swap3A_74 {strides = array<i32>} : memref<80x128xf32, #tpu.memory_space<vmem>>, vector<1x16xf32>,
      %swap3A_75 = arith.index_cast %scan3A_60 : i32 to index
      %swap3A_76 = arith.constant 112 : index
      %swap3A_77 = tpu.vector_load %arg12[%swap3A_75, %swap3A_76] {strides = array<i32>} : memref<80x128xf32, #tpu.memory_space<vmem>>, vector<1x16xf32>,
      %swap3A_78 = vector.shape_cast %swap3A_77 : vector<1x16xf32> to vector<16xf32>
      %swap3A_79 = vector.shape_cast %broadcast_in_dim3A_40 : vector<16xf32> to vector<1x16xf32>
      tpu.vector_store %arg12[%swap3A_75, %swap3A_76], %swap3A_79 {strides = array<i32>} : memref<80x128xf32, #tpu.memory_space<vmem>>, vector<1x16xf32>,
    }
    %scan3A_47 = arith.constant 80 : i32
    %barrier3A = arith.constant 0 : index
    tpu.barrier barrier_id(%barrier3A)
    %scan3A_48 = arith.constant 0 : i32
    %scan3A_49 = arith.constant 0 : i32
    %scan3A_50 = arith.constant 125 : i32
    %scan3A_51 = arith.addi %scan3A_49, %scan3A_50 : i32
    %scan3A_52 = arith.constant 1 : i32
    scf.for %scan3A_60 = %scan3A_49 to %scan3A_51 step %scan3A_52  : i32 {
      %mul3A_61 = arith.constant 10000 : i32
      %mul3A_62 = arith.muli %add3A, %mul3A_61 : i32
      %mul3A_63 = arith.constant 80 : i32
      %mul3A_64 = arith.muli %scan3A_60, %mul3A_63 : i32
      %add3A_65 = arith.addi %mul3A_62, %mul3A_64 : i32
      "tpu.region"() ({
        %run_scoped3A = tpu.sem_alloc : memref<!tpu.dma_semaphore, #tpu.memory_space<semaphore_mem>>
        %dma_start3A_76 = tpu.memref_slice %arg4[%add3A_65] : memref<320000xi32, #tpu.memory_space<hbm>> -> memref<80xi32, #tpu.memory_space<hbm>>
        %dma_start3A_77 = tpu.memref_slice %arg4[%add3A_65] : memref<320000xi32, #tpu.memory_space<hbm>> -> memref<80xi32, #tpu.memory_space<hbm>>
        tpu.enqueue_dma source(%dma_start3A_77 : memref<80xi32, #tpu.memory_space<hbm>>) target(%arg8 : memref<80xi32, #tpu.memory_space<vmem>>) target_semaphore(%run_scoped3A : memref<!tpu.dma_semaphore, #tpu.memory_space<semaphore_mem>>)
        %dma_wait3A_78 = tpu.memref_slice %arg4[%add3A_65] : memref<320000xi32, #tpu.memory_space<hbm>> -> memref<80xi32, #tpu.memory_space<hbm>>
        %dma_wait3A_79 = tpu.memref_slice %arg4[%add3A_65] : memref<320000xi32, #tpu.memory_space<hbm>> -> memref<80xi32, #tpu.memory_space<hbm>>
        tpu.wait_dma2 semaphore(%run_scoped3A : memref<!tpu.dma_semaphore, #tpu.memory_space<semaphore_mem>>) src(%dma_wait3A_79 : memref<80xi32, #tpu.memory_space<hbm>>) dst(%arg8 : memref<80xi32, #tpu.memory_space<vmem>>)
        tpu.yield
      }) : () -> ()
      "tpu.region"() ({
        %run_scoped3A = tpu.sem_alloc : memref<!tpu.dma_semaphore, #tpu.memory_space<semaphore_mem>>
        %dma_start3A_76 = tpu.memref_slice %arg5[%add3A_65] : memref<320000xi32, #tpu.memory_space<hbm>> -> memref<80xi32, #tpu.memory_space<hbm>>
        %dma_start3A_77 = tpu.memref_slice %arg5[%add3A_65] : memref<320000xi32, #tpu.memory_space<hbm>> -> memref<80xi32, #tpu.memory_space<hbm>>
        tpu.enqueue_dma source(%dma_start3A_77 : memref<80xi32, #tpu.memory_space<hbm>>) target(%arg9 : memref<80xi32, #tpu.memory_space<vmem>>) target_semaphore(%run_scoped3A : memref<!tpu.dma_semaphore, #tpu.memory_space<semaphore_mem>>)
        %dma_wait3A_78 = tpu.memref_slice %arg5[%add3A_65] : memref<320000xi32, #tpu.memory_space<hbm>> -> memref<80xi32, #tpu.memory_space<hbm>>
        %dma_wait3A_79 = tpu.memref_slice %arg5[%add3A_65] : memref<320000xi32, #tpu.memory_space<hbm>> -> memref<80xi32, #tpu.memory_space<hbm>>
        tpu.wait_dma2 semaphore(%run_scoped3A : memref<!tpu.dma_semaphore, #tpu.memory_space<semaphore_mem>>) src(%dma_wait3A_79 : memref<80xi32, #tpu.memory_space<hbm>>) dst(%arg9 : memref<80xi32, #tpu.memory_space<vmem>>)
        tpu.yield
      }) : () -> ()
      "tpu.region"() ({
        %run_scoped3A = tpu.sem_alloc : memref<!tpu.dma_semaphore, #tpu.memory_space<semaphore_mem>>
        %dma_start3A_76 = arith.constant 0 : i32
        %dma_start3A_77 = tpu.memref_slice %arg3[%add3A_65, %dma_start3A_76] : memref<320000x64xf32, #tpu.memory_space<hbm>> -> memref<80x64xf32, #tpu.memory_space<hbm>>
        %dma_start3A_78 = arith.constant 0 : i32
        %dma_start3A_79 = tpu.memref_slice %arg3[%add3A_65, %dma_start3A_78] : memref<320000x64xf32, #tpu.memory_space<hbm>> -> memref<80x64xf32, #tpu.memory_space<hbm>>
        tpu.enqueue_dma source(%dma_start3A_79 : memref<80x64xf32, #tpu.memory_space<hbm>>) target(%arg10 : memref<80x64xf32, #tpu.memory_space<vmem>>) target_semaphore(%run_scoped3A : memref<!tpu.dma_semaphore, #tpu.memory_space<semaphore_mem>>)
        %dma_wait3A_80 = arith.constant 0 : i32
        %dma_wait3A_81 = tpu.memref_slice %arg3[%add3A_65, %dma_wait3A_80] : memref<320000x64xf32, #tpu.memory_space<hbm>> -> memref<80x64xf32, #tpu.memory_space<hbm>>
        %dma_wait3A_82 = arith.constant 0 : i32
        %dma_wait3A_83 = tpu.memref_slice %arg3[%add3A_65, %dma_wait3A_82] : memref<320000x64xf32, #tpu.memory_space<hbm>> -> memref<80x64xf32, #tpu.memory_space<hbm>>
        tpu.wait_dma2 semaphore(%run_scoped3A : memref<!tpu.dma_semaphore, #tpu.memory_space<semaphore_mem>>) src(%dma_wait3A_83 : memref<80x64xf32, #tpu.memory_space<hbm>>) dst(%arg10 : memref<80x64xf32, #tpu.memory_space<vmem>>)
        tpu.yield
      }) : () -> ()
      %dma_start3A = arith.constant 0 : i32
      %dma_start3A_66 = arith.constant 0 : i32
      %dma_start3A_67 = tpu.memref_slice %arg2[%dma_start3A, %dma_start3A_66] : memref<10000x128xf32, #tpu.memory_space<hbm>> -> memref<10000x128xf32, #tpu.memory_space<hbm>>
      tpu.enqueue_indirect_dma source(%dma_start3A_67 : memref<10000x128xf32, #tpu.memory_space<hbm>>) target(%arg11 : memref<80x128xf32, #tpu.memory_space<vmem>>) offsets(%arg8 : memref<80xi32, #tpu.memory_space<vmem>>) semaphore(%arg16 : memref<!tpu.dma_semaphore, #tpu.memory_space<semaphore_mem>>)
      %dma_wait3A = arith.constant 0 : i32
      %dma_wait3A_68 = arith.constant 0 : i32
      %dma_wait3A_69 = tpu.memref_slice %arg2[%dma_wait3A, %dma_wait3A_68] : memref<10000x128xf32, #tpu.memory_space<hbm>> -> memref<10000x128xf32, #tpu.memory_space<hbm>>
      tpu.wait_indirect_dma semaphore(%arg16 : memref<!tpu.dma_semaphore, #tpu.memory_space<semaphore_mem>>) src(%dma_wait3A_69 : memref<10000x128xf32, #tpu.memory_space<hbm>>) dst(%arg11 : memref<80x128xf32, #tpu.memory_space<vmem>>)
      %scan3A_70 = arith.constant 0 : i32
      %scan3A_71 = arith.constant 0 : i32
      %scan3A_72 = arith.constant 80 : i32
      %scan3A_73 = arith.addi %scan3A_71, %scan3A_72 : i32
      %scan3A_74 = arith.constant 1 : i32
      scf.for %scan3A_76 = %scan3A_71 to %scan3A_73 step %scan3A_74  : i32 {
        %get3A_77 = arith.index_cast %scan3A_76 : i32 to index
        %get3A_78 = arith.constant 0 : index
        %get3A_79 = tpu.vector_load %arg10[%get3A_77, %get3A_78] {strides = array<i32>} : memref<80x64xf32, #tpu.memory_space<vmem>>, vector<1x16xf32>,
        %get3A_80 = vector.shape_cast %get3A_79 : vector<1x16xf32> to vector<16xf32>
        %get3A_81 = arith.index_cast %scan3A_76 : i32 to index
        %get3A_82 = arith.constant 0 : index
        %get3A_83 = tpu.vector_load %arg11[%get3A_81, %get3A_82] {strides = array<i32>} : memref<80x128xf32, #tpu.memory_space<vmem>>, vector<1x16xf32>,
        %get3A_84 = vector.shape_cast %get3A_83 : vector<1x16xf32> to vector<16xf32>
        %add3A_85 = arith.addf %get3A_80, %get3A_84 : vector<16xf32>
        %max3A = arith.constant 0.000000e+00 : f32
        %max3A_86 = vector.broadcast %max3A : f32 to vector<16xf32>
        %max3A_87 = arith.maximumf %add3A_85, %max3A_86 : vector<16xf32>
        %mul3A_88 = arith.mulf %max3A_87, %get3A_4 : vector<16xf32>
        %add3A_89 = arith.addf %mul3A_88, %get3A_24 : vector<16xf32>
        %swap3A = arith.index_cast %scan3A_76 : i32 to index
        %swap3A_90 = arith.constant 0 : index
        %swap3A_91 = tpu.vector_load %arg12[%swap3A, %swap3A_90] {strides = array<i32>} : memref<80x128xf32, #tpu.memory_space<vmem>>, vector<1x16xf32>,
        %swap3A_92 = vector.shape_cast %swap3A_91 : vector<1x16xf32> to vector<16xf32>
        %swap3A_93 = vector.shape_cast %add3A_89 : vector<16xf32> to vector<1x16xf32>
        tpu.vector_store %arg12[%swap3A, %swap3A_90], %swap3A_93 {strides = array<i32>} : memref<80x128xf32, #tpu.memory_space<vmem>>, vector<1x16xf32>,
        %get3A_94 = arith.index_cast %scan3A_76 : i32 to index
        %get3A_95 = arith.constant 16 : index
        %get3A_96 = tpu.vector_load %arg10[%get3A_94, %get3A_95] {strides = array<i32>} : memref<80x64xf32, #tpu.memory_space<vmem>>, vector<1x16xf32>,
        %get3A_97 = vector.shape_cast %get3A_96 : vector<1x16xf32> to vector<16xf32>
        %get3A_98 = arith.index_cast %scan3A_76 : i32 to index
        %get3A_99 = arith.constant 16 : index
        %get3A_100 = tpu.vector_load %arg11[%get3A_98, %get3A_99] {strides = array<i32>} : memref<80x128xf32, #tpu.memory_space<vmem>>, vector<1x16xf32>,
        %get3A_101 = vector.shape_cast %get3A_100 : vector<1x16xf32> to vector<16xf32>
        %add3A_102 = arith.addf %get3A_97, %get3A_101 : vector<16xf32>
        %max3A_103 = arith.constant 0.000000e+00 : f32
        %max3A_104 = vector.broadcast %max3A_103 : f32 to vector<16xf32>
        %max3A_105 = arith.maximumf %add3A_102, %max3A_104 : vector<16xf32>
        %mul3A_106 = arith.mulf %max3A_105, %get3A_9 : vector<16xf32>
        %add3A_107 = arith.addf %mul3A_106, %get3A_29 : vector<16xf32>
        %swap3A_108 = arith.index_cast %scan3A_76 : i32 to index
        %swap3A_109 = arith.constant 16 : index
        %swap3A_110 = tpu.vector_load %arg12[%swap3A_108, %swap3A_109] {strides = array<i32>} : memref<80x128xf32, #tpu.memory_space<vmem>>, vector<1x16xf32>,
        %swap3A_111 = vector.shape_cast %swap3A_110 : vector<1x16xf32> to vector<16xf32>
        %swap3A_112 = vector.shape_cast %add3A_107 : vector<16xf32> to vector<1x16xf32>
        tpu.vector_store %arg12[%swap3A_108, %swap3A_109], %swap3A_112 {strides = array<i32>} : memref<80x128xf32, #tpu.memory_space<vmem>>, vector<1x16xf32>,
        %get3A_113 = arith.index_cast %scan3A_76 : i32 to index
        %get3A_114 = arith.constant 32 : index
        %get3A_115 = tpu.vector_load %arg10[%get3A_113, %get3A_114] {strides = array<i32>} : memref<80x64xf32, #tpu.memory_space<vmem>>, vector<1x16xf32>,
        %get3A_116 = vector.shape_cast %get3A_115 : vector<1x16xf32> to vector<16xf32>
        %get3A_117 = arith.index_cast %scan3A_76 : i32 to index
        %get3A_118 = arith.constant 32 : index
        %get3A_119 = tpu.vector_load %arg11[%get3A_117, %get3A_118] {strides = array<i32>} : memref<80x128xf32, #tpu.memory_space<vmem>>, vector<1x16xf32>,
        %get3A_120 = vector.shape_cast %get3A_119 : vector<1x16xf32> to vector<16xf32>
        %add3A_121 = arith.addf %get3A_116, %get3A_120 : vector<16xf32>
        %max3A_122 = arith.constant 0.000000e+00 : f32
        %max3A_123 = vector.broadcast %max3A_122 : f32 to vector<16xf32>
        %max3A_124 = arith.maximumf %add3A_121, %max3A_123 : vector<16xf32>
        %mul3A_125 = arith.mulf %max3A_124, %get3A_14 : vector<16xf32>
        %add3A_126 = arith.addf %mul3A_125, %get3A_34 : vector<16xf32>
        %swap3A_127 = arith.index_cast %scan3A_76 : i32 to index
        %swap3A_128 = arith.constant 32 : index
        %swap3A_129 = tpu.vector_load %arg12[%swap3A_127, %swap3A_128] {strides = array<i32>} : memref<80x128xf32, #tpu.memory_space<vmem>>, vector<1x16xf32>,
        %swap3A_130 = vector.shape_cast %swap3A_129 : vector<1x16xf32> to vector<16xf32>
        %swap3A_131 = vector.shape_cast %add3A_126 : vector<16xf32> to vector<1x16xf32>
        tpu.vector_store %arg12[%swap3A_127, %swap3A_128], %swap3A_131 {strides = array<i32>} : memref<80x128xf32, #tpu.memory_space<vmem>>, vector<1x16xf32>,
        %get3A_132 = arith.index_cast %scan3A_76 : i32 to index
        %get3A_133 = arith.constant 48 : index
        %get3A_134 = tpu.vector_load %arg10[%get3A_132, %get3A_133] {strides = array<i32>} : memref<80x64xf32, #tpu.memory_space<vmem>>, vector<1x16xf32>,
        %get3A_135 = vector.shape_cast %get3A_134 : vector<1x16xf32> to vector<16xf32>
        %get3A_136 = arith.index_cast %scan3A_76 : i32 to index
        %get3A_137 = arith.constant 48 : index
        %get3A_138 = tpu.vector_load %arg11[%get3A_136, %get3A_137] {strides = array<i32>} : memref<80x128xf32, #tpu.memory_space<vmem>>, vector<1x16xf32>,
        %get3A_139 = vector.shape_cast %get3A_138 : vector<1x16xf32> to vector<16xf32>
        %add3A_140 = arith.addf %get3A_135, %get3A_139 : vector<16xf32>
        %max3A_141 = arith.constant 0.000000e+00 : f32
        %max3A_142 = vector.broadcast %max3A_141 : f32 to vector<16xf32>
        %max3A_143 = arith.maximumf %add3A_140, %max3A_142 : vector<16xf32>
        %mul3A_144 = arith.mulf %max3A_143, %get3A_19 : vector<16xf32>
        %add3A_145 = arith.addf %mul3A_144, %get3A_39 : vector<16xf32>
        %swap3A_146 = arith.index_cast %scan3A_76 : i32 to index
        %swap3A_147 = arith.constant 48 : index
        %swap3A_148 = tpu.vector_load %arg12[%swap3A_146, %swap3A_147] {strides = array<i32>} : memref<80x128xf32, #tpu.memory_space<vmem>>, vector<1x16xf32>,
        %swap3A_149 = vector.shape_cast %swap3A_148 : vector<1x16xf32> to vector<16xf32>
        %swap3A_150 = vector.shape_cast %add3A_145 : vector<16xf32> to vector<1x16xf32>
        tpu.vector_store %arg12[%swap3A_146, %swap3A_147], %swap3A_150 {strides = array<i32>} : memref<80x128xf32, #tpu.memory_space<vmem>>, vector<1x16xf32>,
      }
      %scan3A_75 = arith.constant 80 : i32
      "tpu.region"() ({
        %run_scoped3A = tpu.sem_alloc : memref<!tpu.dma_semaphore, #tpu.memory_space<semaphore_mem>>
        %dma_start3A_76 = arith.constant 0 : i32
        %dma_start3A_77 = arith.constant 0 : i32
        %dma_start3A_78 = tpu.memref_slice %arg15[%dma_start3A_76, %dma_start3A_77] : memref<10000x128xf32, #tpu.memory_space<vmem_shared>> -> memref<10000x128xf32, #tpu.memory_space<vmem_shared>>
        tpu.enqueue_indirect_dma source(%arg12 : memref<80x128xf32, #tpu.memory_space<vmem>>) target(%dma_start3A_78 : memref<10000x128xf32, #tpu.memory_space<vmem_shared>>) offsets(%arg9 : memref<80xi32, #tpu.memory_space<vmem>>) semaphore(%run_scoped3A : memref<!tpu.dma_semaphore, #tpu.memory_space<semaphore_mem>>) {add = true}
        %dma_wait3A_79 = arith.constant 0 : i32
        %dma_wait3A_80 = arith.constant 0 : i32
        %dma_wait3A_81 = tpu.memref_slice %arg15[%dma_wait3A_79, %dma_wait3A_80] : memref<10000x128xf32, #tpu.memory_space<vmem_shared>> -> memref<10000x128xf32, #tpu.memory_space<vmem_shared>>
        tpu.wait_indirect_dma semaphore(%run_scoped3A : memref<!tpu.dma_semaphore, #tpu.memory_space<semaphore_mem>>) src(%arg12 : memref<80x128xf32, #tpu.memory_space<vmem>>) dst(%dma_wait3A_81 : memref<10000x128xf32, #tpu.memory_space<vmem_shared>>)
        tpu.yield
      }) : () -> ()
    }
    %scan3A_53 = arith.constant 125 : i32
    %barrier3A_54 = arith.constant 0 : index
    tpu.barrier barrier_id(%barrier3A_54)
    %lt3A_55 = arith.constant 10 : i32
    %lt3A_56 = arith.cmpi slt, %arg1, %lt3A_55 : i32
    %convert_element_type3A_57 = arith.extui %lt3A_56 : i1 to i32
    %cond3A_58 = arith.constant 0 : i32
    %cond3A_59 = arith.cmpi ne, %convert_element_type3A_57, %cond3A_58 : i32
    scf.if %cond3A_59 {
      %mul3A_60 = arith.constant 1000 : i32
      %mul3A_61 = arith.muli %arg1, %mul3A_60 : i32
      %mul3A_62 = arith.constant 1000 : i32
      %mul3A_63 = arith.muli %arg1, %mul3A_62 : i32
      "tpu.region"() ({
        %run_scoped3A = tpu.sem_alloc : memref<!tpu.dma_semaphore, #tpu.memory_space<semaphore_mem>>
        %dma_start3A = arith.constant 0 : i32
        %dma_start3A_64 = tpu.memref_slice %arg7[%arg0, %mul3A_63, %dma_start3A] : memref<2x10000x128xf32, #tpu.memory_space<hbm>> -> memref<1x1000x128xf32, #tpu.memory_space<hbm>>
        %dma_start3A_65 = tpu.memref_squeeze %dma_start3A_64 : memref<1x1000x128xf32, #tpu.memory_space<hbm>> -> memref<1000x128xf32, #tpu.memory_space<hbm>>
        %dma_start3A_66 = arith.constant 0 : i32
        %dma_start3A_67 = tpu.memref_slice %arg15[%mul3A_61, %dma_start3A_66] : memref<10000x128xf32, #tpu.memory_space<vmem_shared>> -> memref<1000x128xf32, #tpu.memory_space<vmem_shared>>
        tpu.enqueue_dma source(%dma_start3A_67 : memref<1000x128xf32, #tpu.memory_space<vmem_shared>>) target(%dma_start3A_65 : memref<1000x128xf32, #tpu.memory_space<hbm>>) target_semaphore(%run_scoped3A : memref<!tpu.dma_semaphore, #tpu.memory_space<semaphore_mem>>)
        %dma_wait3A = arith.constant 0 : i32
        %dma_wait3A_68 = tpu.memref_slice %arg7[%arg0, %mul3A_63, %dma_wait3A] : memref<2x10000x128xf32, #tpu.memory_space<hbm>> -> memref<1x1000x128xf32, #tpu.memory_space<hbm>>
        %dma_wait3A_69 = tpu.memref_squeeze %dma_wait3A_68 : memref<1x1000x128xf32, #tpu.memory_space<hbm>> -> memref<1000x128xf32, #tpu.memory_space<hbm>>
        %dma_wait3A_70 = arith.constant 0 : i32
        %dma_wait3A_71 = tpu.memref_slice %arg15[%mul3A_61, %dma_wait3A_70] : memref<10000x128xf32, #tpu.memory_space<vmem_shared>> -> memref<1000x128xf32, #tpu.memory_space<vmem_shared>>
        tpu.wait_dma2 semaphore(%run_scoped3A : memref<!tpu.dma_semaphore, #tpu.memory_space<semaphore_mem>>) src(%dma_wait3A_71 : memref<1000x128xf32, #tpu.memory_space<vmem_shared>>) dst(%dma_wait3A_69 : memref<1000x128xf32, #tpu.memory_space<hbm>>)
        tpu.yield
      }) : () -> ()
    } else {
    }
    return
  }
}

module attributes {stable_mosaic.version = 14 : i64} {
  func.func @_q_body(%arg0: i32, %arg1: memref<4000x16xf32, #tpu.memory_space<vmem>>, %arg2: memref<16x32xf32, #tpu.memory_space<vmem>>, %arg3: memref<1x32xf32, #tpu.memory_space<vmem>>, %arg4: memref<32x192xf32, #tpu.memory_space<vmem>>, %arg5: memref<1x192xf32, #tpu.memory_space<vmem>>, %arg6: memref<4000x64xf32, #tpu.memory_space<vmem>>, %arg7: memref<4000x64xf32, #tpu.memory_space<vmem>>, %arg8: memref<4000x64xf32, #tpu.memory_space<vmem>>) attributes {dimension_semantics = [#tpu.dimension_semantics<arbitrary>], iteration_bounds = array<i64: 80>, scalar_prefetch = 0 : i64, scratch_operands = 0 : i64, tpu.core_type = #tpu.core_type<tc>, window_params = [{transform_indices = @transform_0, window_bounds = array<i64: 4000, 16>}, {pipeline_mode = #tpu.pipeline_mode<synchronous>, transform_indices = @transform_1, window_bounds = array<i64: 16, 32>}, {pipeline_mode = #tpu.pipeline_mode<synchronous>, transform_indices = @transform_2, window_bounds = array<i64: 1, 32>}, {pipeline_mode = #tpu.pipeline_mode<synchronous>, transform_indices = @transform_3, window_bounds = array<i64: 32, 192>}, {pipeline_mode = #tpu.pipeline_mode<synchronous>, transform_indices = @transform_4, window_bounds = array<i64: 1, 192>}, {transform_indices = @transform_5, window_bounds = array<i64: 4000, 64>}, {transform_indices = @transform_6, window_bounds = array<i64: 4000, 64>}, {transform_indices = @transform_7, window_bounds = array<i64: 4000, 64>}]} {
    %get3A = arith.constant 0 : index
    %get3A_0 = arith.constant 0 : index
    %get3A_1 = vector.load %arg1[%get3A, %get3A_0] : memref<4000x16xf32, #tpu.memory_space<vmem>>, vector<4000x16xf32>
    %get3A_2 = arith.constant 0 : index
    %get3A_3 = arith.constant 0 : index
    %get3A_4 = vector.load %arg2[%get3A_2, %get3A_3] : memref<16x32xf32, #tpu.memory_space<vmem>>, vector<16x32xf32>
    %dot_general3A = arith.constant dense<0.000000e+00> : vector<4000x32xf32>
    %dot_general3A_5 = tpu.matmul %get3A_1, %get3A_4, %dot_general3A {dimension_numbers = #tpu.dot_dimension_numbers<[1], [0], [0], [1], [0, 0, 1, 1], [], []>, transpose_lhs_hint = false} : vector<4000x16xf32>, vector<16x32xf32>, vector<4000x32xf32> -> vector<4000x32xf32>
    %get3A_6 = arith.constant 0 : index
    %get3A_7 = arith.constant 0 : index
    %get3A_8 = vector.load %arg3[%get3A_6, %get3A_7] : memref<1x32xf32, #tpu.memory_space<vmem>>, vector<1x32xf32>
    %add3A = vector.broadcast %get3A_8 : vector<1x32xf32> to vector<4000x32xf32>
    %add3A_9 = arith.addf %dot_general3A_5, %add3A : vector<4000x32xf32>
    %get3A_10 = arith.constant 0 : index
    %get3A_11 = arith.constant 0 : index
    %get3A_12 = vector.load %arg4[%get3A_10, %get3A_11] : memref<32x192xf32, #tpu.memory_space<vmem>>, vector<32x192xf32>
    %dot_general3A_13 = arith.constant dense<0.000000e+00> : vector<4000x192xf32>
    %dot_general3A_14 = tpu.matmul %add3A_9, %get3A_12, %dot_general3A_13 {dimension_numbers = #tpu.dot_dimension_numbers<[1], [0], [0], [1], [0, 0, 1, 1], [], []>, transpose_lhs_hint = false} : vector<4000x32xf32>, vector<32x192xf32>, vector<4000x192xf32> -> vector<4000x192xf32>
    %get3A_15 = arith.constant 0 : index
    %get3A_16 = arith.constant 0 : index
    %get3A_17 = vector.load %arg5[%get3A_15, %get3A_16] : memref<1x192xf32, #tpu.memory_space<vmem>>, vector<1x192xf32>
    %add3A_18 = vector.broadcast %get3A_17 : vector<1x192xf32> to vector<4000x192xf32>
    %add3A_19 = arith.addf %dot_general3A_14, %add3A_18 : vector<4000x192xf32>
    %slice3A = vector.extract_strided_slice %add3A_19 {offsets = [0, 0], sizes = [4000, 64], strides = [1, 1]} : vector<4000x192xf32> to vector<4000x64xf32>
    %swap3A = arith.constant 0 : index
    %swap3A_20 = arith.constant 0 : index
    %swap3A_21 = vector.load %arg6[%swap3A, %swap3A_20] : memref<4000x64xf32, #tpu.memory_space<vmem>>, vector<4000x64xf32>
    tpu.vector_store %arg6[%swap3A, %swap3A_20], %slice3A {strides = array<i32>} : memref<4000x64xf32, #tpu.memory_space<vmem>>, vector<4000x64xf32>,
    %slice3A_22 = vector.extract_strided_slice %add3A_19 {offsets = [0, 64], sizes = [4000, 64], strides = [1, 1]} : vector<4000x192xf32> to vector<4000x64xf32>
    %swap3A_23 = arith.constant 0 : index
    %swap3A_24 = arith.constant 0 : index
    %swap3A_25 = vector.load %arg7[%swap3A_23, %swap3A_24] : memref<4000x64xf32, #tpu.memory_space<vmem>>, vector<4000x64xf32>
    tpu.vector_store %arg7[%swap3A_23, %swap3A_24], %slice3A_22 {strides = array<i32>} : memref<4000x64xf32, #tpu.memory_space<vmem>>, vector<4000x64xf32>,
    %slice3A_26 = vector.extract_strided_slice %add3A_19 {offsets = [0, 128], sizes = [4000, 64], strides = [1, 1]} : vector<4000x192xf32> to vector<4000x64xf32>
    %swap3A_27 = arith.constant 0 : index
    %swap3A_28 = arith.constant 0 : index
    %swap3A_29 = vector.load %arg8[%swap3A_27, %swap3A_28] : memref<4000x64xf32, #tpu.memory_space<vmem>>, vector<4000x64xf32>
    tpu.vector_store %arg8[%swap3A_27, %swap3A_28], %slice3A_26 {strides = array<i32>} : memref<4000x64xf32, #tpu.memory_space<vmem>>, vector<4000x64xf32>,
    return
  }
  func.func @transform_0(%arg0: i32) -> (i32, i32) {
    %c0_i32 = arith.constant 0 : i32
    %c0_i32_0 = arith.constant 0 : i32
    return %arg0, %c0_i32 : i32, i32
  }
  func.func @transform_1(%arg0: i32) -> (i32, i32) {
    %c0_i32 = arith.constant 0 : i32
    %c0_i32_0 = arith.constant 0 : i32
    %c0_i32_1 = arith.constant 0 : i32
    return %c0_i32, %c0_i32_0 : i32, i32
  }
  func.func @transform_2(%arg0: i32) -> (i32, i32) {
    %c0_i32 = arith.constant 0 : i32
    %c0_i32_0 = arith.constant 0 : i32
    %c0_i32_1 = arith.constant 0 : i32
    return %c0_i32, %c0_i32_0 : i32, i32
  }
  func.func @transform_3(%arg0: i32) -> (i32, i32) {
    %c0_i32 = arith.constant 0 : i32
    %c0_i32_0 = arith.constant 0 : i32
    %c0_i32_1 = arith.constant 0 : i32
    return %c0_i32, %c0_i32_0 : i32, i32
  }
  func.func @transform_4(%arg0: i32) -> (i32, i32) {
    %c0_i32 = arith.constant 0 : i32
    %c0_i32_0 = arith.constant 0 : i32
    %c0_i32_1 = arith.constant 0 : i32
    return %c0_i32, %c0_i32_0 : i32, i32
  }
  func.func @transform_5(%arg0: i32) -> (i32, i32) {
    %c0_i32 = arith.constant 0 : i32
    %c0_i32_0 = arith.constant 0 : i32
    return %arg0, %c0_i32 : i32, i32
  }
  func.func @transform_6(%arg0: i32) -> (i32, i32) {
    %c0_i32 = arith.constant 0 : i32
    %c0_i32_0 = arith.constant 0 : i32
    return %arg0, %c0_i32 : i32, i32
  }
  func.func @transform_7(%arg0: i32) -> (i32, i32) {
    %c0_i32 = arith.constant 0 : i32
    %c0_i32_0 = arith.constant 0 : i32
    return %arg0, %c0_i32 : i32, i32
  }
}

module attributes {stable_mosaic.version = 14 : i64} {
  func.func @_embed_body(%arg0: i32, %arg1: memref<1000x128xf32, #tpu.memory_space<vmem>>, %arg2: memref<128x64xf32, #tpu.memory_space<vmem>>, %arg3: memref<1x64xf32, #tpu.memory_space<vmem>>, %arg4: memref<64x64xf32, #tpu.memory_space<vmem>>, %arg5: memref<1000x64xf32, #tpu.memory_space<vmem>>, %arg6: memref<1000x128xf32, #tpu.memory_space<vmem>>) attributes {dimension_semantics = [#tpu.dimension_semantics<arbitrary>], iteration_bounds = array<i64: 10>, scalar_prefetch = 0 : i64, scratch_operands = 0 : i64, tpu.core_type = #tpu.core_type<tc>, window_params = [{transform_indices = @transform_0, window_bounds = array<i64: 1000, 128>}, {pipeline_mode = #tpu.pipeline_mode<synchronous>, transform_indices = @transform_1, window_bounds = array<i64: 128, 64>}, {pipeline_mode = #tpu.pipeline_mode<synchronous>, transform_indices = @transform_2, window_bounds = array<i64: 1, 64>}, {pipeline_mode = #tpu.pipeline_mode<synchronous>, transform_indices = @transform_3, window_bounds = array<i64: 64, 64>}, {transform_indices = @transform_4, window_bounds = array<i64: 1000, 64>}, {transform_indices = @transform_5, window_bounds = array<i64: 1000, 128>}]} {
    %get3A = arith.constant 0 : index
    %get3A_0 = arith.constant 0 : index
    %get3A_1 = vector.load %arg1[%get3A, %get3A_0] : memref<1000x128xf32, #tpu.memory_space<vmem>>, vector<1000x128xf32>
    %get3A_2 = arith.constant 0 : index
    %get3A_3 = arith.constant 0 : index
    %get3A_4 = vector.load %arg2[%get3A_2, %get3A_3] : memref<128x64xf32, #tpu.memory_space<vmem>>, vector<128x64xf32>
    %dot_general3A = arith.constant dense<0.000000e+00> : vector<1000x64xf32>
    %dot_general3A_5 = tpu.matmul %get3A_1, %get3A_4, %dot_general3A {dimension_numbers = #tpu.dot_dimension_numbers<[1], [0], [0], [1], [0, 0, 1, 1], [], []>, transpose_lhs_hint = false} : vector<1000x128xf32>, vector<128x64xf32>, vector<1000x64xf32> -> vector<1000x64xf32>
    %get3A_6 = arith.constant 0 : index
    %get3A_7 = arith.constant 0 : index
    %get3A_8 = vector.load %arg3[%get3A_6, %get3A_7] : memref<1x64xf32, #tpu.memory_space<vmem>>, vector<1x64xf32>
    %add3A = vector.broadcast %get3A_8 : vector<1x64xf32> to vector<1000x64xf32>
    %add3A_9 = arith.addf %dot_general3A_5, %add3A : vector<1000x64xf32>
    %swap3A = arith.constant 0 : index
    %swap3A_10 = arith.constant 0 : index
    %swap3A_11 = vector.load %arg5[%swap3A, %swap3A_10] : memref<1000x64xf32, #tpu.memory_space<vmem>>, vector<1000x64xf32>
    tpu.vector_store %arg5[%swap3A, %swap3A_10], %add3A_9 {strides = array<i32>} : memref<1000x64xf32, #tpu.memory_space<vmem>>, vector<1000x64xf32>,
    %get3A_12 = arith.constant 0 : index
    %get3A_13 = arith.constant 0 : index
    %get3A_14 = vector.load %arg4[%get3A_12, %get3A_13] : memref<64x64xf32, #tpu.memory_space<vmem>>, vector<64x64xf32>
    %dot_general3A_15 = arith.constant dense<0.000000e+00> : vector<1000x64xf32>
    %dot_general3A_16 = tpu.matmul %add3A_9, %get3A_14, %dot_general3A_15 {dimension_numbers = #tpu.dot_dimension_numbers<[1], [0], [0], [1], [0, 0, 1, 1], [], []>, transpose_lhs_hint = false} : vector<1000x64xf32>, vector<64x64xf32>, vector<1000x64xf32> -> vector<1000x64xf32>
    %broadcast_in_dim3A = arith.constant 0.000000e+00 : f32
    %broadcast_in_dim3A_17 = vector.broadcast %broadcast_in_dim3A : f32 to vector<1000x64xf32>
    %concatenate3A = tpu.concatenate %dot_general3A_16, %broadcast_in_dim3A_17 in 1 : vector<1000x64xf32>, vector<1000x64xf32> -> vector<1000x128xf32>
    %swap3A_18 = arith.constant 0 : index
    %swap3A_19 = arith.constant 0 : index
    %swap3A_20 = vector.load %arg6[%swap3A_18, %swap3A_19] : memref<1000x128xf32, #tpu.memory_space<vmem>>, vector<1000x128xf32>
    tpu.vector_store %arg6[%swap3A_18, %swap3A_19], %concatenate3A {strides = array<i32>} : memref<1000x128xf32, #tpu.memory_space<vmem>>, vector<1000x128xf32>,
    return
  }
  func.func @transform_0(%arg0: i32) -> (i32, i32) {
    %c0_i32 = arith.constant 0 : i32
    %c0_i32_0 = arith.constant 0 : i32
    return %arg0, %c0_i32 : i32, i32
  }
  func.func @transform_1(%arg0: i32) -> (i32, i32) {
    %c0_i32 = arith.constant 0 : i32
    %c0_i32_0 = arith.constant 0 : i32
    %c0_i32_1 = arith.constant 0 : i32
    return %c0_i32, %c0_i32_0 : i32, i32
  }
  func.func @transform_2(%arg0: i32) -> (i32, i32) {
    %c0_i32 = arith.constant 0 : i32
    %c0_i32_0 = arith.constant 0 : i32
    %c0_i32_1 = arith.constant 0 : i32
    return %c0_i32, %c0_i32_0 : i32, i32
  }
  func.func @transform_3(%arg0: i32) -> (i32, i32) {
    %c0_i32 = arith.constant 0 : i32
    %c0_i32_0 = arith.constant 0 : i32
    %c0_i32_1 = arith.constant 0 : i32
    return %c0_i32, %c0_i32_0 : i32, i32
  }
  func.func @transform_4(%arg0: i32) -> (i32, i32) {
    %c0_i32 = arith.constant 0 : i32
    %c0_i32_0 = arith.constant 0 : i32
    return %arg0, %c0_i32 : i32, i32
  }
  func.func @transform_5(%arg0: i32) -> (i32, i32) {
    %c0_i32 = arith.constant 0 : i32
    %c0_i32_0 = arith.constant 0 : i32
    return %arg0, %c0_i32 : i32, i32
  }
}

module attributes {stable_mosaic.version = 14 : i64} {
  func.func @_upd_body(%arg0: i32, %arg1: memref<1000x64xf32, #tpu.memory_space<vmem>>, %arg2: memref<2x1000x128xf32, #tpu.memory_space<vmem>>, %arg3: memref<64x64xf32, #tpu.memory_space<vmem>>, %arg4: memref<64x64xf32, #tpu.memory_space<vmem>>, %arg5: memref<1x64xf32, #tpu.memory_space<vmem>>, %arg6: memref<1x64xf32, #tpu.memory_space<vmem>>, %arg7: memref<1x64xf32, #tpu.memory_space<vmem>>, %arg8: memref<64x64xf32, #tpu.memory_space<vmem>>, %arg9: memref<1000x64xf32, #tpu.memory_space<vmem>>, %arg10: memref<1000x128xf32, #tpu.memory_space<vmem>>) attributes {dimension_semantics = [#tpu.dimension_semantics<arbitrary>], iteration_bounds = array<i64: 10>, scalar_prefetch = 0 : i64, scratch_operands = 0 : i64, tpu.core_type = #tpu.core_type<tc>, window_params = [{transform_indices = @transform_0, window_bounds = array<i64: 1000, 64>}, {transform_indices = @transform_1, window_bounds = array<i64: 2, 1000, 128>}, {pipeline_mode = #tpu.pipeline_mode<synchronous>, transform_indices = @transform_2, window_bounds = array<i64: 64, 64>}, {pipeline_mode = #tpu.pipeline_mode<synchronous>, transform_indices = @transform_3, window_bounds = array<i64: 64, 64>}, {pipeline_mode = #tpu.pipeline_mode<synchronous>, transform_indices = @transform_4, window_bounds = array<i64: 1, 64>}, {pipeline_mode = #tpu.pipeline_mode<synchronous>, transform_indices = @transform_5, window_bounds = array<i64: 1, 64>}, {pipeline_mode = #tpu.pipeline_mode<synchronous>, transform_indices = @transform_6, window_bounds = array<i64: 1, 64>}, {pipeline_mode = #tpu.pipeline_mode<synchronous>, transform_indices = @transform_7, window_bounds = array<i64: 64, 64>}, {transform_indices = @transform_8, window_bounds = array<i64: 1000, 64>}, {transform_indices = @transform_9, window_bounds = array<i64: 1000, 128>}]} {
    %get3A = arith.constant 0 : index
    %get3A_0 = arith.constant 0 : index
    %get3A_1 = arith.constant 0 : index
    %get3A_2 = vector.load %arg2[%get3A, %get3A_0, %get3A_1] : memref<2x1000x128xf32, #tpu.memory_space<vmem>>, vector<1x1000x128xf32>
    %get3A_3 = vector.shape_cast %get3A_2 : vector<1x1000x128xf32> to vector<1000x128xf32>
    %slice3A = vector.extract_strided_slice %get3A_3 {offsets = [0, 0], sizes = [1000, 64], strides = [1, 1]} : vector<1000x128xf32> to vector<1000x64xf32>
    %get3A_4 = arith.constant 1 : index
    %get3A_5 = arith.constant 0 : index
    %get3A_6 = arith.constant 0 : index
    %get3A_7 = vector.load %arg2[%get3A_4, %get3A_5, %get3A_6] : memref<2x1000x128xf32, #tpu.memory_space<vmem>>, vector<1x1000x128xf32>
    %get3A_8 = vector.shape_cast %get3A_7 : vector<1x1000x128xf32> to vector<1000x128xf32>
    %slice3A_9 = vector.extract_strided_slice %get3A_8 {offsets = [0, 0], sizes = [1000, 64], strides = [1, 1]} : vector<1000x128xf32> to vector<1000x64xf32>
    %add3A = arith.addf %slice3A, %slice3A_9 : vector<1000x64xf32>
    %get3A_10 = arith.constant 0 : index
    %get3A_11 = arith.constant 0 : index
    %get3A_12 = vector.load %arg1[%get3A_10, %get3A_11] : memref<1000x64xf32, #tpu.memory_space<vmem>>, vector<1000x64xf32>
    %get3A_13 = arith.constant 0 : index
    %get3A_14 = arith.constant 0 : index
    %get3A_15 = vector.load %arg3[%get3A_13, %get3A_14] : memref<64x64xf32, #tpu.memory_space<vmem>>, vector<64x64xf32>
    %dot_general3A = arith.constant dense<0.000000e+00> : vector<1000x64xf32>
    %dot_general3A_16 = tpu.matmul %get3A_12, %get3A_15, %dot_general3A {dimension_numbers = #tpu.dot_dimension_numbers<[1], [0], [0], [1], [0, 0, 1, 1], [], []>, transpose_lhs_hint = false} : vector<1000x64xf32>, vector<64x64xf32>, vector<1000x64xf32> -> vector<1000x64xf32>
    %get3A_17 = arith.constant 0 : index
    %get3A_18 = arith.constant 0 : index
    %get3A_19 = vector.load %arg4[%get3A_17, %get3A_18] : memref<64x64xf32, #tpu.memory_space<vmem>>, vector<64x64xf32>
    %dot_general3A_20 = arith.constant dense<0.000000e+00> : vector<1000x64xf32>
    %dot_general3A_21 = tpu.matmul %add3A, %get3A_19, %dot_general3A_20 {dimension_numbers = #tpu.dot_dimension_numbers<[1], [0], [0], [1], [0, 0, 1, 1], [], []>, transpose_lhs_hint = false} : vector<1000x64xf32>, vector<64x64xf32>, vector<1000x64xf32> -> vector<1000x64xf32>
    %add3A_22 = arith.addf %dot_general3A_16, %dot_general3A_21 : vector<1000x64xf32>
    %get3A_23 = arith.constant 0 : index
    %get3A_24 = arith.constant 0 : index
    %get3A_25 = vector.load %arg5[%get3A_23, %get3A_24] : memref<1x64xf32, #tpu.memory_space<vmem>>, vector<1x64xf32>
    %add3A_26 = vector.broadcast %get3A_25 : vector<1x64xf32> to vector<1000x64xf32>
    %add3A_27 = arith.addf %add3A_22, %add3A_26 : vector<1000x64xf32>
    %max3A = arith.constant 0.000000e+00 : f32
    %max3A_28 = vector.broadcast %max3A : f32 to vector<1000x64xf32>
    %max3A_29 = arith.maximumf %add3A_27, %max3A_28 : vector<1000x64xf32>
    %get3A_30 = arith.constant 0 : index
    %get3A_31 = arith.constant 0 : index
    %get3A_32 = vector.load %arg6[%get3A_30, %get3A_31] : memref<1x64xf32, #tpu.memory_space<vmem>>, vector<1x64xf32>
    %mul3A = vector.broadcast %get3A_32 : vector<1x64xf32> to vector<1000x64xf32>
    %mul3A_33 = arith.mulf %max3A_29, %mul3A : vector<1000x64xf32>
    %get3A_34 = arith.constant 0 : index
    %get3A_35 = arith.constant 0 : index
    %get3A_36 = vector.load %arg7[%get3A_34, %get3A_35] : memref<1x64xf32, #tpu.memory_space<vmem>>, vector<1x64xf32>
    %add3A_37 = vector.broadcast %get3A_36 : vector<1x64xf32> to vector<1000x64xf32>
    %add3A_38 = arith.addf %mul3A_33, %add3A_37 : vector<1000x64xf32>
    %swap3A = arith.constant 0 : index
    %swap3A_39 = arith.constant 0 : index
    %swap3A_40 = vector.load %arg9[%swap3A, %swap3A_39] : memref<1000x64xf32, #tpu.memory_space<vmem>>, vector<1000x64xf32>
    tpu.vector_store %arg9[%swap3A, %swap3A_39], %add3A_38 {strides = array<i32>} : memref<1000x64xf32, #tpu.memory_space<vmem>>, vector<1000x64xf32>,
    %get3A_41 = arith.constant 0 : index
    %get3A_42 = arith.constant 0 : index
    %get3A_43 = vector.load %arg8[%get3A_41, %get3A_42] : memref<64x64xf32, #tpu.memory_space<vmem>>, vector<64x64xf32>
    %dot_general3A_44 = arith.constant dense<0.000000e+00> : vector<1000x64xf32>
    %dot_general3A_45 = tpu.matmul %add3A_38, %get3A_43, %dot_general3A_44 {dimension_numbers = #tpu.dot_dimension_numbers<[1], [0], [0], [1], [0, 0, 1, 1], [], []>, transpose_lhs_hint = false} : vector<1000x64xf32>, vector<64x64xf32>, vector<1000x64xf32> -> vector<1000x64xf32>
    %broadcast_in_dim3A = arith.constant 0.000000e+00 : f32
    %broadcast_in_dim3A_46 = vector.broadcast %broadcast_in_dim3A : f32 to vector<1000x64xf32>
    %concatenate3A = tpu.concatenate %dot_general3A_45, %broadcast_in_dim3A_46 in 1 : vector<1000x64xf32>, vector<1000x64xf32> -> vector<1000x128xf32>
    %swap3A_47 = arith.constant 0 : index
    %swap3A_48 = arith.constant 0 : index
    %swap3A_49 = vector.load %arg10[%swap3A_47, %swap3A_48] : memref<1000x128xf32, #tpu.memory_space<vmem>>, vector<1000x128xf32>
    tpu.vector_store %arg10[%swap3A_47, %swap3A_48], %concatenate3A {strides = array<i32>} : memref<1000x128xf32, #tpu.memory_space<vmem>>, vector<1000x128xf32>,
    return
  }
  func.func @transform_0(%arg0: i32) -> (i32, i32) {
    %c0_i32 = arith.constant 0 : i32
    %c0_i32_0 = arith.constant 0 : i32
    return %arg0, %c0_i32 : i32, i32
  }
  func.func @transform_1(%arg0: i32) -> (i32, i32, i32) {
    %c0_i32 = arith.constant 0 : i32
    %c0_i32_0 = arith.constant 0 : i32
    %c0_i32_1 = arith.constant 0 : i32
    return %c0_i32, %arg0, %c0_i32_0 : i32, i32, i32
  }
  func.func @transform_2(%arg0: i32) -> (i32, i32) {
    %c0_i32 = arith.constant 0 : i32
    %c0_i32_0 = arith.constant 0 : i32
    %c0_i32_1 = arith.constant 0 : i32
    return %c0_i32, %c0_i32_0 : i32, i32
  }
  func.func @transform_3(%arg0: i32) -> (i32, i32) {
    %c0_i32 = arith.constant 0 : i32
    %c0_i32_0 = arith.constant 0 : i32
    %c0_i32_1 = arith.constant 0 : i32
    return %c0_i32, %c0_i32_0 : i32, i32
  }
  func.func @transform_4(%arg0: i32) -> (i32, i32) {
    %c0_i32 = arith.constant 0 : i32
    %c0_i32_0 = arith.constant 0 : i32
    %c0_i32_1 = arith.constant 0 : i32
    return %c0_i32, %c0_i32_0 : i32, i32
  }
  func.func @transform_5(%arg0: i32) -> (i32, i32) {
    %c0_i32 = arith.constant 0 : i32
    %c0_i32_0 = arith.constant 0 : i32
    %c0_i32_1 = arith.constant 0 : i32
    return %c0_i32, %c0_i32_0 : i32, i32
  }
  func.func @transform_6(%arg0: i32) -> (i32, i32) {
    %c0_i32 = arith.constant 0 : i32
    %c0_i32_0 = arith.constant 0 : i32
    %c0_i32_1 = arith.constant 0 : i32
    return %c0_i32, %c0_i32_0 : i32, i32
  }
  func.func @transform_7(%arg0: i32) -> (i32, i32) {
    %c0_i32 = arith.constant 0 : i32
    %c0_i32_0 = arith.constant 0 : i32
    %c0_i32_1 = arith.constant 0 : i32
    return %c0_i32, %c0_i32_0 : i32, i32
  }
  func.func @transform_8(%arg0: i32) -> (i32, i32) {
    %c0_i32 = arith.constant 0 : i32
    %c0_i32_0 = arith.constant 0 : i32
    return %arg0, %c0_i32 : i32, i32
  }
  func.func @transform_9(%arg0: i32) -> (i32, i32) {
    %c0_i32 = arith.constant 0 : i32
    %c0_i32_0 = arith.constant 0 : i32
    return %arg0, %c0_i32 : i32, i32
  }
}

module attributes {stable_mosaic.version = 14 : i64} {
  func.func @_upd_body(%arg0: i32, %arg1: memref<1000x64xf32, #tpu.memory_space<vmem>>, %arg2: memref<2x1000x128xf32, #tpu.memory_space<vmem>>, %arg3: memref<64x64xf32, #tpu.memory_space<vmem>>, %arg4: memref<64x64xf32, #tpu.memory_space<vmem>>, %arg5: memref<1x64xf32, #tpu.memory_space<vmem>>, %arg6: memref<1x64xf32, #tpu.memory_space<vmem>>, %arg7: memref<1x64xf32, #tpu.memory_space<vmem>>, %arg8: memref<64x64xf32, #tpu.memory_space<vmem>>, %arg9: memref<1000x64xf32, #tpu.memory_space<vmem>>, %arg10: memref<1000x128xf32, #tpu.memory_space<vmem>>) attributes {dimension_semantics = [#tpu.dimension_semantics<arbitrary>], iteration_bounds = array<i64: 10>, scalar_prefetch = 0 : i64, scratch_operands = 0 : i64, tpu.core_type = #tpu.core_type<tc>, window_params = [{transform_indices = @transform_0, window_bounds = array<i64: 1000, 64>}, {transform_indices = @transform_1, window_bounds = array<i64: 2, 1000, 128>}, {pipeline_mode = #tpu.pipeline_mode<synchronous>, transform_indices = @transform_2, window_bounds = array<i64: 64, 64>}, {pipeline_mode = #tpu.pipeline_mode<synchronous>, transform_indices = @transform_3, window_bounds = array<i64: 64, 64>}, {pipeline_mode = #tpu.pipeline_mode<synchronous>, transform_indices = @transform_4, window_bounds = array<i64: 1, 64>}, {pipeline_mode = #tpu.pipeline_mode<synchronous>, transform_indices = @transform_5, window_bounds = array<i64: 1, 64>}, {pipeline_mode = #tpu.pipeline_mode<synchronous>, transform_indices = @transform_6, window_bounds = array<i64: 1, 64>}, {pipeline_mode = #tpu.pipeline_mode<synchronous>, transform_indices = @transform_7, window_bounds = array<i64: 64, 64>}, {transform_indices = @transform_8, window_bounds = array<i64: 1000, 64>}, {transform_indices = @transform_9, window_bounds = array<i64: 1000, 128>}]} {
    %get3A = arith.constant 0 : index
    %get3A_0 = arith.constant 0 : index
    %get3A_1 = arith.constant 0 : index
    %get3A_2 = vector.load %arg2[%get3A, %get3A_0, %get3A_1] : memref<2x1000x128xf32, #tpu.memory_space<vmem>>, vector<1x1000x128xf32>
    %get3A_3 = vector.shape_cast %get3A_2 : vector<1x1000x128xf32> to vector<1000x128xf32>
    %slice3A = vector.extract_strided_slice %get3A_3 {offsets = [0, 0], sizes = [1000, 64], strides = [1, 1]} : vector<1000x128xf32> to vector<1000x64xf32>
    %get3A_4 = arith.constant 1 : index
    %get3A_5 = arith.constant 0 : index
    %get3A_6 = arith.constant 0 : index
    %get3A_7 = vector.load %arg2[%get3A_4, %get3A_5, %get3A_6] : memref<2x1000x128xf32, #tpu.memory_space<vmem>>, vector<1x1000x128xf32>
    %get3A_8 = vector.shape_cast %get3A_7 : vector<1x1000x128xf32> to vector<1000x128xf32>
    %slice3A_9 = vector.extract_strided_slice %get3A_8 {offsets = [0, 0], sizes = [1000, 64], strides = [1, 1]} : vector<1000x128xf32> to vector<1000x64xf32>
    %add3A = arith.addf %slice3A, %slice3A_9 : vector<1000x64xf32>
    %get3A_10 = arith.constant 0 : index
    %get3A_11 = arith.constant 0 : index
    %get3A_12 = vector.load %arg1[%get3A_10, %get3A_11] : memref<1000x64xf32, #tpu.memory_space<vmem>>, vector<1000x64xf32>
    %get3A_13 = arith.constant 0 : index
    %get3A_14 = arith.constant 0 : index
    %get3A_15 = vector.load %arg3[%get3A_13, %get3A_14] : memref<64x64xf32, #tpu.memory_space<vmem>>, vector<64x64xf32>
    %dot_general3A = arith.constant dense<0.000000e+00> : vector<1000x64xf32>
    %dot_general3A_16 = tpu.matmul %get3A_12, %get3A_15, %dot_general3A {dimension_numbers = #tpu.dot_dimension_numbers<[1], [0], [0], [1], [0, 0, 1, 1], [], []>, transpose_lhs_hint = false} : vector<1000x64xf32>, vector<64x64xf32>, vector<1000x64xf32> -> vector<1000x64xf32>
    %get3A_17 = arith.constant 0 : index
    %get3A_18 = arith.constant 0 : index
    %get3A_19 = vector.load %arg4[%get3A_17, %get3A_18] : memref<64x64xf32, #tpu.memory_space<vmem>>, vector<64x64xf32>
    %dot_general3A_20 = arith.constant dense<0.000000e+00> : vector<1000x64xf32>
    %dot_general3A_21 = tpu.matmul %add3A, %get3A_19, %dot_general3A_20 {dimension_numbers = #tpu.dot_dimension_numbers<[1], [0], [0], [1], [0, 0, 1, 1], [], []>, transpose_lhs_hint = false} : vector<1000x64xf32>, vector<64x64xf32>, vector<1000x64xf32> -> vector<1000x64xf32>
    %add3A_22 = arith.addf %dot_general3A_16, %dot_general3A_21 : vector<1000x64xf32>
    %get3A_23 = arith.constant 0 : index
    %get3A_24 = arith.constant 0 : index
    %get3A_25 = vector.load %arg5[%get3A_23, %get3A_24] : memref<1x64xf32, #tpu.memory_space<vmem>>, vector<1x64xf32>
    %add3A_26 = vector.broadcast %get3A_25 : vector<1x64xf32> to vector<1000x64xf32>
    %add3A_27 = arith.addf %add3A_22, %add3A_26 : vector<1000x64xf32>
    %max3A = arith.constant 0.000000e+00 : f32
    %max3A_28 = vector.broadcast %max3A : f32 to vector<1000x64xf32>
    %max3A_29 = arith.maximumf %add3A_27, %max3A_28 : vector<1000x64xf32>
    %get3A_30 = arith.constant 0 : index
    %get3A_31 = arith.constant 0 : index
    %get3A_32 = vector.load %arg6[%get3A_30, %get3A_31] : memref<1x64xf32, #tpu.memory_space<vmem>>, vector<1x64xf32>
    %mul3A = vector.broadcast %get3A_32 : vector<1x64xf32> to vector<1000x64xf32>
    %mul3A_33 = arith.mulf %max3A_29, %mul3A : vector<1000x64xf32>
    %get3A_34 = arith.constant 0 : index
    %get3A_35 = arith.constant 0 : index
    %get3A_36 = vector.load %arg7[%get3A_34, %get3A_35] : memref<1x64xf32, #tpu.memory_space<vmem>>, vector<1x64xf32>
    %add3A_37 = vector.broadcast %get3A_36 : vector<1x64xf32> to vector<1000x64xf32>
    %add3A_38 = arith.addf %mul3A_33, %add3A_37 : vector<1000x64xf32>
    %swap3A = arith.constant 0 : index
    %swap3A_39 = arith.constant 0 : index
    %swap3A_40 = vector.load %arg9[%swap3A, %swap3A_39] : memref<1000x64xf32, #tpu.memory_space<vmem>>, vector<1000x64xf32>
    tpu.vector_store %arg9[%swap3A, %swap3A_39], %add3A_38 {strides = array<i32>} : memref<1000x64xf32, #tpu.memory_space<vmem>>, vector<1000x64xf32>,
    %get3A_41 = arith.constant 0 : index
    %get3A_42 = arith.constant 0 : index
    %get3A_43 = vector.load %arg8[%get3A_41, %get3A_42] : memref<64x64xf32, #tpu.memory_space<vmem>>, vector<64x64xf32>
    %dot_general3A_44 = arith.constant dense<0.000000e+00> : vector<1000x64xf32>
    %dot_general3A_45 = tpu.matmul %add3A_38, %get3A_43, %dot_general3A_44 {dimension_numbers = #tpu.dot_dimension_numbers<[1], [0], [0], [1], [0, 0, 1, 1], [], []>, transpose_lhs_hint = false} : vector<1000x64xf32>, vector<64x64xf32>, vector<1000x64xf32> -> vector<1000x64xf32>
    %broadcast_in_dim3A = arith.constant 0.000000e+00 : f32
    %broadcast_in_dim3A_46 = vector.broadcast %broadcast_in_dim3A : f32 to vector<1000x64xf32>
    %concatenate3A = tpu.concatenate %dot_general3A_45, %broadcast_in_dim3A_46 in 1 : vector<1000x64xf32>, vector<1000x64xf32> -> vector<1000x128xf32>
    %swap3A_47 = arith.constant 0 : index
    %swap3A_48 = arith.constant 0 : index
    %swap3A_49 = vector.load %arg10[%swap3A_47, %swap3A_48] : memref<1000x128xf32, #tpu.memory_space<vmem>>, vector<1000x128xf32>
    tpu.vector_store %arg10[%swap3A_47, %swap3A_48], %concatenate3A {strides = array<i32>} : memref<1000x128xf32, #tpu.memory_space<vmem>>, vector<1000x128xf32>,
    return
  }
  func.func @transform_0(%arg0: i32) -> (i32, i32) {
    %c0_i32 = arith.constant 0 : i32
    %c0_i32_0 = arith.constant 0 : i32
    return %arg0, %c0_i32 : i32, i32
  }
  func.func @transform_1(%arg0: i32) -> (i32, i32, i32) {
    %c0_i32 = arith.constant 0 : i32
    %c0_i32_0 = arith.constant 0 : i32
    %c0_i32_1 = arith.constant 0 : i32
    return %c0_i32, %arg0, %c0_i32_0 : i32, i32, i32
  }
  func.func @transform_2(%arg0: i32) -> (i32, i32) {
    %c0_i32 = arith.constant 0 : i32
    %c0_i32_0 = arith.constant 0 : i32
    %c0_i32_1 = arith.constant 0 : i32
    return %c0_i32, %c0_i32_0 : i32, i32
  }
  func.func @transform_3(%arg0: i32) -> (i32, i32) {
    %c0_i32 = arith.constant 0 : i32
    %c0_i32_0 = arith.constant 0 : i32
    %c0_i32_1 = arith.constant 0 : i32
    return %c0_i32, %c0_i32_0 : i32, i32
  }
  func.func @transform_4(%arg0: i32) -> (i32, i32) {
    %c0_i32 = arith.constant 0 : i32
    %c0_i32_0 = arith.constant 0 : i32
    %c0_i32_1 = arith.constant 0 : i32
    return %c0_i32, %c0_i32_0 : i32, i32
  }
  func.func @transform_5(%arg0: i32) -> (i32, i32) {
    %c0_i32 = arith.constant 0 : i32
    %c0_i32_0 = arith.constant 0 : i32
    %c0_i32_1 = arith.constant 0 : i32
    return %c0_i32, %c0_i32_0 : i32, i32
  }
  func.func @transform_6(%arg0: i32) -> (i32, i32) {
    %c0_i32 = arith.constant 0 : i32
    %c0_i32_0 = arith.constant 0 : i32
    %c0_i32_1 = arith.constant 0 : i32
    return %c0_i32, %c0_i32_0 : i32, i32
  }
  func.func @transform_7(%arg0: i32) -> (i32, i32) {
    %c0_i32 = arith.constant 0 : i32
    %c0_i32_0 = arith.constant 0 : i32
    %c0_i32_1 = arith.constant 0 : i32
    return %c0_i32, %c0_i32_0 : i32, i32
  }
  func.func @transform_8(%arg0: i32) -> (i32, i32) {
    %c0_i32 = arith.constant 0 : i32
    %c0_i32_0 = arith.constant 0 : i32
    return %arg0, %c0_i32 : i32, i32
  }
  func.func @transform_9(%arg0: i32) -> (i32, i32) {
    %c0_i32 = arith.constant 0 : i32
    %c0_i32_0 = arith.constant 0 : i32
    return %arg0, %c0_i32 : i32, i32
  }
}

module attributes {stable_mosaic.version = 14 : i64} {
  func.func @_pool_body(%arg0: memref<10000x64xf32, #tpu.memory_space<vmem>>, %arg1: memref<8x1250xi32, #tpu.memory_space<vmem>>, %arg2: memref<64x64xf32, #tpu.memory_space<vmem>>, %arg3: memref<1x64xf32, #tpu.memory_space<vmem>>, %arg4: memref<64x1xf32, #tpu.memory_space<vmem>>, %arg5: memref<1x1xf32, #tpu.memory_space<vmem>>, %arg6: memref<64x1xf32, #tpu.memory_space<vmem>>) attributes {dimension_semantics = [], scalar_prefetch = 0 : i64, scratch_operands = 0 : i64, tpu.core_type = #tpu.core_type<tc>} {
    %broadcast_in_dim3A = arith.constant 0.000000e+00 : f32
    %broadcast_in_dim3A_0 = vector.broadcast %broadcast_in_dim3A : f32 to vector<64x64xf32>
    %get3A = arith.constant 0 : index
    %get3A_1 = arith.constant 0 : index
    %get3A_2 = vector.load %arg1[%get3A, %get3A_1] : memref<8x1250xi32, #tpu.memory_space<vmem>>, vector<1x1250xi32>
    %get3A_3 = vector.shape_cast %get3A_2 : vector<1x1250xi32> to vector<1250xi32>
    %reshape3A = vector.shape_cast %get3A_3 : vector<1250xi32> to vector<1x1250xi32>
    %iota3A = tpu.iota {dimensions = array<i32: 0>} : vector<64x1250xi32>
    %eq3A = vector.broadcast %reshape3A : vector<1x1250xi32> to vector<64x1250xi32>
    %eq3A_4 = arith.cmpi eq, %iota3A, %eq3A : vector<64x1250xi32>
    %convert_element_type3A = arith.extui %eq3A_4 : vector<64x1250xi1> to vector<64x1250xi32>
    %convert_element_type3A_5 = arith.sitofp %convert_element_type3A : vector<64x1250xi32> to vector<64x1250xf32>
    %get3A_6 = arith.constant 0 : index
    %get3A_7 = arith.constant 0 : index
    %get3A_8 = vector.load %arg0[%get3A_6, %get3A_7] : memref<10000x64xf32, #tpu.memory_space<vmem>>, vector<1250x64xf32>
    %dot_general3A = arith.constant dense<0.000000e+00> : vector<64x64xf32>
    %dot_general3A_9 = tpu.matmul %convert_element_type3A_5, %get3A_8, %dot_general3A {dimension_numbers = #tpu.dot_dimension_numbers<[1], [0], [0], [1], [0, 0, 1, 1], [], []>, precision = #tpu.contract_precision<fp32>, transpose_lhs_hint = false} : vector<64x1250xf32>, vector<1250x64xf32>, vector<64x64xf32> -> vector<64x64xf32>
    %add3A = arith.addf %broadcast_in_dim3A_0, %dot_general3A_9 : vector<64x64xf32>
    %get3A_10 = arith.constant 1 : index
    %get3A_11 = arith.constant 0 : index
    %get3A_12 = vector.load %arg1[%get3A_10, %get3A_11] : memref<8x1250xi32, #tpu.memory_space<vmem>>, vector<1x1250xi32>
    %get3A_13 = vector.shape_cast %get3A_12 : vector<1x1250xi32> to vector<1250xi32>
    %reshape3A_14 = vector.shape_cast %get3A_13 : vector<1250xi32> to vector<1x1250xi32>
    %iota3A_15 = tpu.iota {dimensions = array<i32: 0>} : vector<64x1250xi32>
    %eq3A_16 = vector.broadcast %reshape3A_14 : vector<1x1250xi32> to vector<64x1250xi32>
    %eq3A_17 = arith.cmpi eq, %iota3A_15, %eq3A_16 : vector<64x1250xi32>
    %convert_element_type3A_18 = arith.extui %eq3A_17 : vector<64x1250xi1> to vector<64x1250xi32>
    %convert_element_type3A_19 = arith.sitofp %convert_element_type3A_18 : vector<64x1250xi32> to vector<64x1250xf32>
    %get3A_20 = arith.constant 1250 : index
    %get3A_21 = arith.constant 0 : index
    %get3A_22 = vector.load %arg0[%get3A_20, %get3A_21] : memref<10000x64xf32, #tpu.memory_space<vmem>>, vector<1250x64xf32>
    %dot_general3A_23 = arith.constant dense<0.000000e+00> : vector<64x64xf32>
    %dot_general3A_24 = tpu.matmul %convert_element_type3A_19, %get3A_22, %dot_general3A_23 {dimension_numbers = #tpu.dot_dimension_numbers<[1], [0], [0], [1], [0, 0, 1, 1], [], []>, precision = #tpu.contract_precision<fp32>, transpose_lhs_hint = false} : vector<64x1250xf32>, vector<1250x64xf32>, vector<64x64xf32> -> vector<64x64xf32>
    %add3A_25 = arith.addf %add3A, %dot_general3A_24 : vector<64x64xf32>
    %get3A_26 = arith.constant 2 : index
    %get3A_27 = arith.constant 0 : index
    %get3A_28 = vector.load %arg1[%get3A_26, %get3A_27] : memref<8x1250xi32, #tpu.memory_space<vmem>>, vector<1x1250xi32>
    %get3A_29 = vector.shape_cast %get3A_28 : vector<1x1250xi32> to vector<1250xi32>
    %reshape3A_30 = vector.shape_cast %get3A_29 : vector<1250xi32> to vector<1x1250xi32>
    %iota3A_31 = tpu.iota {dimensions = array<i32: 0>} : vector<64x1250xi32>
    %eq3A_32 = vector.broadcast %reshape3A_30 : vector<1x1250xi32> to vector<64x1250xi32>
    %eq3A_33 = arith.cmpi eq, %iota3A_31, %eq3A_32 : vector<64x1250xi32>
    %convert_element_type3A_34 = arith.extui %eq3A_33 : vector<64x1250xi1> to vector<64x1250xi32>
    %convert_element_type3A_35 = arith.sitofp %convert_element_type3A_34 : vector<64x1250xi32> to vector<64x1250xf32>
    %get3A_36 = arith.constant 2500 : index
    %get3A_37 = arith.constant 0 : index
    %get3A_38 = vector.load %arg0[%get3A_36, %get3A_37] : memref<10000x64xf32, #tpu.memory_space<vmem>>, vector<1250x64xf32>
    %dot_general3A_39 = arith.constant dense<0.000000e+00> : vector<64x64xf32>
    %dot_general3A_40 = tpu.matmul %convert_element_type3A_35, %get3A_38, %dot_general3A_39 {dimension_numbers = #tpu.dot_dimension_numbers<[1], [0], [0], [1], [0, 0, 1, 1], [], []>, precision = #tpu.contract_precision<fp32>, transpose_lhs_hint = false} : vector<64x1250xf32>, vector<1250x64xf32>, vector<64x64xf32> -> vector<64x64xf32>
    %add3A_41 = arith.addf %add3A_25, %dot_general3A_40 : vector<64x64xf32>
    %get3A_42 = arith.constant 3 : index
    %get3A_43 = arith.constant 0 : index
    %get3A_44 = vector.load %arg1[%get3A_42, %get3A_43] : memref<8x1250xi32, #tpu.memory_space<vmem>>, vector<1x1250xi32>
    %get3A_45 = vector.shape_cast %get3A_44 : vector<1x1250xi32> to vector<1250xi32>
    %reshape3A_46 = vector.shape_cast %get3A_45 : vector<1250xi32> to vector<1x1250xi32>
    %iota3A_47 = tpu.iota {dimensions = array<i32: 0>} : vector<64x1250xi32>
    %eq3A_48 = vector.broadcast %reshape3A_46 : vector<1x1250xi32> to vector<64x1250xi32>
    %eq3A_49 = arith.cmpi eq, %iota3A_47, %eq3A_48 : vector<64x1250xi32>
    %convert_element_type3A_50 = arith.extui %eq3A_49 : vector<64x1250xi1> to vector<64x1250xi32>
    %convert_element_type3A_51 = arith.sitofp %convert_element_type3A_50 : vector<64x1250xi32> to vector<64x1250xf32>
    %get3A_52 = arith.constant 3750 : index
    %get3A_53 = arith.constant 0 : index
    %get3A_54 = vector.load %arg0[%get3A_52, %get3A_53] : memref<10000x64xf32, #tpu.memory_space<vmem>>, vector<1250x64xf32>
    %dot_general3A_55 = arith.constant dense<0.000000e+00> : vector<64x64xf32>
    %dot_general3A_56 = tpu.matmul %convert_element_type3A_51, %get3A_54, %dot_general3A_55 {dimension_numbers = #tpu.dot_dimension_numbers<[1], [0], [0], [1], [0, 0, 1, 1], [], []>, precision = #tpu.contract_precision<fp32>, transpose_lhs_hint = false} : vector<64x1250xf32>, vector<1250x64xf32>, vector<64x64xf32> -> vector<64x64xf32>
    %add3A_57 = arith.addf %add3A_41, %dot_general3A_56 : vector<64x64xf32>
    %get3A_58 = arith.constant 4 : index
    %get3A_59 = arith.constant 0 : index
    %get3A_60 = vector.load %arg1[%get3A_58, %get3A_59] : memref<8x1250xi32, #tpu.memory_space<vmem>>, vector<1x1250xi32>
    %get3A_61 = vector.shape_cast %get3A_60 : vector<1x1250xi32> to vector<1250xi32>
    %reshape3A_62 = vector.shape_cast %get3A_61 : vector<1250xi32> to vector<1x1250xi32>
    %iota3A_63 = tpu.iota {dimensions = array<i32: 0>} : vector<64x1250xi32>
    %eq3A_64 = vector.broadcast %reshape3A_62 : vector<1x1250xi32> to vector<64x1250xi32>
    %eq3A_65 = arith.cmpi eq, %iota3A_63, %eq3A_64 : vector<64x1250xi32>
    %convert_element_type3A_66 = arith.extui %eq3A_65 : vector<64x1250xi1> to vector<64x1250xi32>
    %convert_element_type3A_67 = arith.sitofp %convert_element_type3A_66 : vector<64x1250xi32> to vector<64x1250xf32>
    %get3A_68 = arith.constant 5000 : index
    %get3A_69 = arith.constant 0 : index
    %get3A_70 = vector.load %arg0[%get3A_68, %get3A_69] : memref<10000x64xf32, #tpu.memory_space<vmem>>, vector<1250x64xf32>
    %dot_general3A_71 = arith.constant dense<0.000000e+00> : vector<64x64xf32>
    %dot_general3A_72 = tpu.matmul %convert_element_type3A_67, %get3A_70, %dot_general3A_71 {dimension_numbers = #tpu.dot_dimension_numbers<[1], [0], [0], [1], [0, 0, 1, 1], [], []>, precision = #tpu.contract_precision<fp32>, transpose_lhs_hint = false} : vector<64x1250xf32>, vector<1250x64xf32>, vector<64x64xf32> -> vector<64x64xf32>
    %add3A_73 = arith.addf %add3A_57, %dot_general3A_72 : vector<64x64xf32>
    %get3A_74 = arith.constant 5 : index
    %get3A_75 = arith.constant 0 : index
    %get3A_76 = vector.load %arg1[%get3A_74, %get3A_75] : memref<8x1250xi32, #tpu.memory_space<vmem>>, vector<1x1250xi32>
    %get3A_77 = vector.shape_cast %get3A_76 : vector<1x1250xi32> to vector<1250xi32>
    %reshape3A_78 = vector.shape_cast %get3A_77 : vector<1250xi32> to vector<1x1250xi32>
    %iota3A_79 = tpu.iota {dimensions = array<i32: 0>} : vector<64x1250xi32>
    %eq3A_80 = vector.broadcast %reshape3A_78 : vector<1x1250xi32> to vector<64x1250xi32>
    %eq3A_81 = arith.cmpi eq, %iota3A_79, %eq3A_80 : vector<64x1250xi32>
    %convert_element_type3A_82 = arith.extui %eq3A_81 : vector<64x1250xi1> to vector<64x1250xi32>
    %convert_element_type3A_83 = arith.sitofp %convert_element_type3A_82 : vector<64x1250xi32> to vector<64x1250xf32>
    %get3A_84 = arith.constant 6250 : index
    %get3A_85 = arith.constant 0 : index
    %get3A_86 = vector.load %arg0[%get3A_84, %get3A_85] : memref<10000x64xf32, #tpu.memory_space<vmem>>, vector<1250x64xf32>
    %dot_general3A_87 = arith.constant dense<0.000000e+00> : vector<64x64xf32>
    %dot_general3A_88 = tpu.matmul %convert_element_type3A_83, %get3A_86, %dot_general3A_87 {dimension_numbers = #tpu.dot_dimension_numbers<[1], [0], [0], [1], [0, 0, 1, 1], [], []>, precision = #tpu.contract_precision<fp32>, transpose_lhs_hint = false} : vector<64x1250xf32>, vector<1250x64xf32>, vector<64x64xf32> -> vector<64x64xf32>
    %add3A_89 = arith.addf %add3A_73, %dot_general3A_88 : vector<64x64xf32>
    %get3A_90 = arith.constant 6 : index
    %get3A_91 = arith.constant 0 : index
    %get3A_92 = vector.load %arg1[%get3A_90, %get3A_91] : memref<8x1250xi32, #tpu.memory_space<vmem>>, vector<1x1250xi32>
    %get3A_93 = vector.shape_cast %get3A_92 : vector<1x1250xi32> to vector<1250xi32>
    %reshape3A_94 = vector.shape_cast %get3A_93 : vector<1250xi32> to vector<1x1250xi32>
    %iota3A_95 = tpu.iota {dimensions = array<i32: 0>} : vector<64x1250xi32>
    %eq3A_96 = vector.broadcast %reshape3A_94 : vector<1x1250xi32> to vector<64x1250xi32>
    %eq3A_97 = arith.cmpi eq, %iota3A_95, %eq3A_96 : vector<64x1250xi32>
    %convert_element_type3A_98 = arith.extui %eq3A_97 : vector<64x1250xi1> to vector<64x1250xi32>
    %convert_element_type3A_99 = arith.sitofp %convert_element_type3A_98 : vector<64x1250xi32> to vector<64x1250xf32>
    %get3A_100 = arith.constant 7500 : index
    %get3A_101 = arith.constant 0 : index
    %get3A_102 = vector.load %arg0[%get3A_100, %get3A_101] : memref<10000x64xf32, #tpu.memory_space<vmem>>, vector<1250x64xf32>
    %dot_general3A_103 = arith.constant dense<0.000000e+00> : vector<64x64xf32>
    %dot_general3A_104 = tpu.matmul %convert_element_type3A_99, %get3A_102, %dot_general3A_103 {dimension_numbers = #tpu.dot_dimension_numbers<[1], [0], [0], [1], [0, 0, 1, 1], [], []>, precision = #tpu.contract_precision<fp32>, transpose_lhs_hint = false} : vector<64x1250xf32>, vector<1250x64xf32>, vector<64x64xf32> -> vector<64x64xf32>
    %add3A_105 = arith.addf %add3A_89, %dot_general3A_104 : vector<64x64xf32>
    %get3A_106 = arith.constant 7 : index
    %get3A_107 = arith.constant 0 : index
    %get3A_108 = vector.load %arg1[%get3A_106, %get3A_107] : memref<8x1250xi32, #tpu.memory_space<vmem>>, vector<1x1250xi32>
    %get3A_109 = vector.shape_cast %get3A_108 : vector<1x1250xi32> to vector<1250xi32>
    %reshape3A_110 = vector.shape_cast %get3A_109 : vector<1250xi32> to vector<1x1250xi32>
    %iota3A_111 = tpu.iota {dimensions = array<i32: 0>} : vector<64x1250xi32>
    %eq3A_112 = vector.broadcast %reshape3A_110 : vector<1x1250xi32> to vector<64x1250xi32>
    %eq3A_113 = arith.cmpi eq, %iota3A_111, %eq3A_112 : vector<64x1250xi32>
    %convert_element_type3A_114 = arith.extui %eq3A_113 : vector<64x1250xi1> to vector<64x1250xi32>
    %convert_element_type3A_115 = arith.sitofp %convert_element_type3A_114 : vector<64x1250xi32> to vector<64x1250xf32>
    %get3A_116 = arith.constant 8750 : index
    %get3A_117 = arith.constant 0 : index
    %get3A_118 = vector.load %arg0[%get3A_116, %get3A_117] : memref<10000x64xf32, #tpu.memory_space<vmem>>, vector<1250x64xf32>
    %dot_general3A_119 = arith.constant dense<0.000000e+00> : vector<64x64xf32>
    %dot_general3A_120 = tpu.matmul %convert_element_type3A_115, %get3A_118, %dot_general3A_119 {dimension_numbers = #tpu.dot_dimension_numbers<[1], [0], [0], [1], [0, 0, 1, 1], [], []>, precision = #tpu.contract_precision<fp32>, transpose_lhs_hint = false} : vector<64x1250xf32>, vector<1250x64xf32>, vector<64x64xf32> -> vector<64x64xf32>
    %add3A_121 = arith.addf %add3A_105, %dot_general3A_120 : vector<64x64xf32>
    %get3A_122 = arith.constant 0 : index
    %get3A_123 = arith.constant 0 : index
    %get3A_124 = vector.load %arg2[%get3A_122, %get3A_123] : memref<64x64xf32, #tpu.memory_space<vmem>>, vector<64x64xf32>
    %dot_general3A_125 = arith.constant dense<0.000000e+00> : vector<64x64xf32>
    %dot_general3A_126 = tpu.matmul %add3A_121, %get3A_124, %dot_general3A_125 {dimension_numbers = #tpu.dot_dimension_numbers<[1], [0], [0], [1], [0, 0, 1, 1], [], []>, transpose_lhs_hint = false} : vector<64x64xf32>, vector<64x64xf32>, vector<64x64xf32> -> vector<64x64xf32>
    %get3A_127 = arith.constant 0 : index
    %get3A_128 = arith.constant 0 : index
    %get3A_129 = vector.load %arg3[%get3A_127, %get3A_128] : memref<1x64xf32, #tpu.memory_space<vmem>>, vector<1x64xf32>
    %add3A_130 = vector.broadcast %get3A_129 : vector<1x64xf32> to vector<64x64xf32>
    %add3A_131 = arith.addf %dot_general3A_126, %add3A_130 : vector<64x64xf32>
    %max3A = arith.constant 0.000000e+00 : f32
    %max3A_132 = vector.broadcast %max3A : f32 to vector<64x64xf32>
    %max3A_133 = arith.maximumf %add3A_131, %max3A_132 : vector<64x64xf32>
    %get3A_134 = arith.constant 0 : index
    %get3A_135 = arith.constant 0 : index
    %get3A_136 = vector.load %arg4[%get3A_134, %get3A_135] : memref<64x1xf32, #tpu.memory_space<vmem>>, vector<64x1xf32>
    %dot_general3A_137 = arith.constant dense<0.000000e+00> : vector<64x1xf32>
    %dot_general3A_138 = tpu.matmul %max3A_133, %get3A_136, %dot_general3A_137 {dimension_numbers = #tpu.dot_dimension_numbers<[1], [0], [0], [1], [0, 0, 1, 1], [], []>, transpose_lhs_hint = false} : vector<64x64xf32>, vector<64x1xf32>, vector<64x1xf32> -> vector<64x1xf32>
    %get3A_139 = arith.constant 0 : index
    %get3A_140 = arith.constant 0 : index
    %get3A_141 = vector.load %arg5[%get3A_139, %get3A_140] : memref<1x1xf32, #tpu.memory_space<vmem>>, vector<1x1xf32>
    %add3A_142 = vector.broadcast %get3A_141 : vector<1x1xf32> to vector<64x1xf32>
    %add3A_143 = arith.addf %dot_general3A_138, %add3A_142 : vector<64x1xf32>
    %swap3A = arith.constant 0 : index
    %swap3A_144 = arith.constant 0 : index
    %swap3A_145 = vector.load %arg6[%swap3A, %swap3A_144] : memref<64x1xf32, #tpu.memory_space<vmem>>, vector<64x1xf32>
    tpu.vector_store %arg6[%swap3A, %swap3A_144], %add3A_143 {strides = array<i32>} : memref<64x1xf32, #tpu.memory_space<vmem>>, vector<64x1xf32>,
    return
  }
}

</mosaic_0001>

<sc_bundles>
// kernel: kernel.11.cloned.1.call-start
scs
__scs_entry_jumppad:
0x0: {  	(pc) =	sbr.rel $0x88, $3  }
0x1: {  	(tag) =	ssettag $0x0;
	lr =	simm.s32 $0x1  }
0x2: {  	[smem:$0x3F7D] =	sst lr;
	_ =	strace $0xD0000000  }
0x3: {  	_ = 	snop  }
0x4: {  	_ = 	snop  }
0x5: {  	_ = 	snop  }
0x6: {  	_ = 	snop  }
0x7: {  	_ = 	snop  }
__scs_overlays_trampoline_lowered:
0x8: {  	[smem:$0x3F8C] =	sst s0  }
0x9: {  	[smem:$0x3F8D] =	sst s1  }
0xa: {  	[smem:$0x3F8E] =	sst s2  }
0xb: {  	[smem:$0x3F8F] =	sst s3  }
0xc: {  	[smem:$0x3F90] =	sst s4  }
0xd: {  	[smem:$0x3F91] =	sst s5  }
0xe: {  	[smem:$0x3F92] =	sst s6  }
0xf: {  	[smem:$0x3F93] =	sst s7  }
0x10: {  	[smem:$0x3F94] =	sst s8  }
0x11: {  	[smem:$0x3F95] =	sst s9;
	s0 =	simm.s32 @!p0 $0x0  }
0x12: {  	s1 =	sld [smem:$0x3F7B];
	s0 =	simm.s32 @p0 $0x1  }
0x13: {  	[smem:$0x3F96] =	sst s0;
	s0 =	simm.s32 @!p1 $0x0  }
0x14: {  	s2 =	sld [smem:$0x3F7A];
	s0 =	simm.s32 @p1 $0x1  }
0x15: {  	[smem:$0x3F97] =	sst s0;
	s0 =	simm.s32 @!p2 $0x0  }
0x16: {  	s3 =	sld [smem:$0x3FDB];
	s0 =	simm.s32 @p2 $0x1  }
0x17: {  	s4 =	simm.s32 $0x1BF5;
	[smem:$0x3F99] =	sst s0  }
0x18: {  	s0 =	sld [smem:$0x3F7C];
	_ =	swait.ge [sflag:s4], $0x0  }
0x19: {  	s7 =	sld [smem:$0x3F7D]  }
0x1a: {  	s8 =	sadd.s32 $0xFFFFE003, lr  }
0x1b: {  	s9 =	sadd.s32 $0xFFFFFEF7, lr;
	s5 =	simm.s32 $0xFFFFFFFF;
	p2 =	slt.u32 s8, $0xFFFFF086  }
0x1c: {  	p1 =	slt.u32 s9, $0xF7A;
	s5 =	simm.s32 @!p2 $0x0  }
0x1d: {  	s5 =	simm.s32 @p1 $0x1;
	p0 =	seq.s32 s7, s2  }
0x1e: {  	s7 =	smul.u32 @!p0 $0xF7A, s2;
	p2 =	seq.s32 @!p0 s5, $0x0  }
0x1f: {  	s9 =	smul.u32 $0xF7A, s1;
	s8 =	simm.s32 @!p0 $0x1BF5;
	p2 =	por !p2, p0  }
0x20: {  	[sflag:s8] =	ssyncset.s32 @!p0 $0xFFFFF086;
	s6 =	sadd.s32 @!p0 s3, s7;
	s7 =	simm.s32 @!p0 $0x108  }
0x21: {  	s3 =	sadd.s32 s3, s9;
	s6 =	sadd.s32 @!p0 $0x88, s6;
	s7 =	simm.s32 @p2 $0x1082  }
0x22: {  	[simem:s7], [sflag:s8] =	dma.local @!p0 [hbm:s6], $0xF7A  }
0x23: {  	s9 =	sor.u32 $0xD0000000, s2;
	s6 =	simm.s32 $0x108;
	_ =	swait.ge @!p0 [sflag:s8], $0x0  }
0x24: {  	s3 =	sadd.s32 $0x88, s3;
	s6 =	simm.s32 @!p1 $0x1082;
	[sflag:s4] =	ssyncset.s32 $0xFFFFF086  }
0x25: {  	[simem:s6], [sflag:s4] =	dma.local [hbm:s3], $0xF7A  }
0x26: {  	[smem:$0x3F7D] =	sst s1;
	(tag) =	ssettag s2;
	_ =	strace s9  }
0x27: {  	s1 =	sld [smem:$0x3F8D]  }
0x28: {  	s2 =	sld [smem:$0x3F8E]  }
0x29: {  	s4 =	sld [smem:$0x3F90]  }
0x2a: {  	p0 =	seq.s32 s5, $0x0;
	s5 =	sld [smem:$0x3F91]  }
0x2b: {  	s6 =	sld [smem:$0x3F92]  }
0x2c: {  	s7 =	sld [smem:$0x3F93]  }
0x2d: {  	s3 =	simm.s32 $0x108;
	s8 =	sld [smem:$0x3F94]  }
0x2e: {  	s3 =	simm.s32 @!p0 $0x1082;
	s9 =	sld [smem:$0x3F95]  }
0x2f: {  	lr =	sadd.s32 s0, s3;
	s0 =	sld [smem:$0x3F8C]  }
0x30: {  	s3 =	sld [smem:$0x3F8F]  }
0x31: {  	[smem:$0x3F98] =	sst s10  }
0x32: {  	s10 =	sld [smem:$0x3F96];
	_ =	sdelay $0x3  }
0x33: {  	p0 =	seq.s32 s10, $0x1;
	s10 =	sld [smem:$0x3F98];
	_ =	sdelay $0x3  }
0x34: {  	[smem:$0x3F98] =	sst s10  }
0x35: {  	s10 =	sld [smem:$0x3F97];
	_ =	sdelay $0x3  }
0x36: {  	p1 =	seq.s32 s10, $0x1;
	s10 =	sld [smem:$0x3F98];
	_ =	sdelay $0x3  }
0x37: {  	[smem:$0x3F98] =	sst s10  }
0x38: {  	s10 =	sld [smem:$0x3F99]  }
0x39: {  	_ = 	snop;
	(pc) =	sbr.ind lr, $3  }
0x3a: {  	_ = 	snop  }
0x3b: {  	_ = 	snop  }
0x3c: {  	p2 =	seq.s32 s10, $0x1;
	s10 =	sld [smem:$0x3F98]  }
0x3d: {  	_ =	shalt  }
0x3e: {  	_ =	shalt  }
0x3f: {  	_ =	shalt  }
0x40: {  	_ =	shalt  }
0x41: {  	_ =	shalt  }
0x42: {  	_ =	shalt  }
0x43: {  	_ =	shalt  }
0x44: {  	_ =	shalt  }
0x45: {  	_ =	shalt  }
0x46: {  	_ =	shalt  }
0x47: {  	_ =	shalt  }
0x48: {  	_ =	shalt  }
0x49: {  	_ =	shalt  }
0x4a: {  	_ =	shalt  }
0x4b: {  	_ =	shalt  }
0x4c: {  	_ =	shalt  }
0x4d: {  	_ =	shalt  }
0x4e: {  	_ =	shalt  }
0x4f: {  	_ =	shalt  }
0x50: {  	_ =	shalt  }
0x51: {  	_ =	shalt  }
0x52: {  	_ =	shalt  }
0x53: {  	_ =	shalt  }
0x54: {  	_ =	shalt  }
0x55: {  	_ =	shalt  }
0x56: {  	_ =	shalt  }
0x57: {  	_ =	shalt  }
0x58: {  	_ =	shalt  }
0x59: {  	_ =	shalt  }
0x5a: {  	_ =	shalt  }
0x5b: {  	_ =	shalt  }
0x5c: {  	_ =	shalt  }
0x5d: {  	_ =	shalt  }
0x5e: {  	_ =	shalt  }
0x5f: {  	_ =	shalt  }
0x60: {  	_ =	shalt  }
0x61: {  	_ =	shalt  }
0x62: {  	_ =	shalt  }
0x63: {  	_ =	shalt  }
0x64: {  	_ =	shalt  }
0x65: {  	_ =	shalt  }
0x66: {  	_ =	shalt  }
0x67: {  	_ =	shalt  }
0x68: {  	_ =	shalt  }
0x69: {  	_ =	shalt  }
0x6a: {  	_ =	shalt  }
0x6b: {  	_ =	shalt  }
0x6c: {  	_ =	shalt  }
0x6d: {  	_ =	shalt  }
0x6e: {  	_ =	shalt  }
0x6f: {  	_ =	shalt  }
0x70: {  	_ =	shalt  }
0x71: {  	_ =	shalt  }
0x72: {  	_ =	shalt  }
0x73: {  	_ =	shalt  }
0x74: {  	_ =	shalt  }
0x75: {  	_ =	shalt  }
0x76: {  	_ =	shalt  }
0x77: {  	_ =	shalt  }
0x78: {  	_ =	shalt  }
0x79: {  	_ =	shalt  }
0x7a: {  	_ =	shalt  }
0x7b: {  	_ =	shalt  }
0x7c: {  	_ =	shalt  }
0x7d: {  	_ =	shalt  }
0x7e: {  	_ =	shalt  }
0x7f: {  	_ =	shalt  }
0x80: {  	_ =	shalt  }
0x81: {  	_ =	shalt  }
0x82: {  	_ =	shalt  }
0x83: {  	_ =	shalt  }
0x84: {  	_ =	shalt  }
0x85: {  	_ =	shalt  }
0x86: {  	_ =	shalt  }
0x87: {  	_ =	shalt  }
.Lfunc_end0:
.L_simem_size_0:
called_computation_lowered:
.L_overlay_start_0:
0x88: {  	s2 =	sld [smem:$0x3FD9]  }
0x89: {  	s3 =	sld [smem:$0x3FFE];
	_ =	sdelay $0x1  }
0x8a: {  	s1 =	srdreg.scid  }
0x8b: {  	s0 =	sand.u32 $0x1, s1  }
0x8c: {  	s16 =	sshll.u32 s0, $0xA;
	s2 =	sadd.s32 s3, s2  }
0x8d: {  	s2 =	sadd.s32 s2, s16  }
0x8e: {  	[smem:$0x3FA4] =	sst s2  }
0x8f: {  	_ = 	snop  }
0x90: {  	(tm) =	ssettm $0x1  }
0x91: {  	s17 =	sld [smem:$0x3FFB];
	_ =	sdelay $0x3  }
0x92: {  	_ =	strace s17  }
0x93: {  	s2 =	sld [smem:$0x3FFC];
	_ =	sdelay $0x3  }
0x94: {  	_ =	strace s2  }
0x95: {  	s2 =	sld [smem:$0x3FFD];
	_ =	sdelay $0x3  }
0x96: {  	_ =	strace s2  }
0x97: {  	_ =	strace $0x8FFFFFFF  }
0x98: {  	s18 =	sld [smem:$0x3FDB];
	_ =	sdelay $0x1  }
0x99: {  	s19 =	simm.s32 $_scs_section_size  }
0x9a: {  	s4 =	simm.s32 $_size__tile_overlayer_lowered;
	s5 =	simm.s32 $_tile_overlayer_lowered  }
0x9b: {  	s22 =	simm.s32 $0x1BFF;
	s21 =	sshll.u32 s5, $0x1;
	s2 =	sadd.s32 s19, s18  }
0x9c: {  	s6 =	simm.s32 $0x0;
	s20 =	sshll.u32 s4, $0x1;
	s4 =	sadd.s32 s21, s2  }
0x9d: {  	[timem:s6], [sflag:s22] =	dma.local [hbm:s4], s20  }
0x9e: {  	_ =	swait.ge [sflag:s22], s20  }
0x9f: {  	s3 =	ssub.s32 $0x0, s20;
	[sflag:s22] =	ssyncset.done $0x0  }
0xa0: {  	[sflag:s22] =	ssyncadd.s32 s3;
	_ =	sdelay $0x1  }
0xa1: {  	s23 =	simm.s32 $0x1B8B  }
0xa2: {  	_ =	swait.ge [sflag:s23], $0x1  }
0xa3: {  	[sflag:s23] =	ssyncset.done $0x0  }
0xa4: {  	s25 =	simm.s32 $0x1B8E;
	s24 =	sld [smem:$0x3FFE];
	[sflag:s23] =	ssyncadd.s32 $0xFFFFFFFF  }
0xa5: {  	s26 =	simm.s32 $execute0_lowered;
	[smem:$0x3FD2] =	sst s25  }
0xa6: {  	s4 =	sshll.u32 s26, $0x1;
	_ =	strace $0x80000046;
	[dreg:$0x1] =	wrdreg $0xFFFFFFFF  }
0xa7: {  	s28 =	simm.s32 $_size_execute0_lowered;
	s2 =	sadd.s32 s2, s4;
	[dreg:$0x0] =	wrdreg $0x0  }
0xa8: {  	s4 =	sshll.u32 s28, $0x1;
	[dreg:$0x2] =	wrdreg s2  }
0xa9: {  	[dreg:$0x3] =	wrdreg s4  }
0xaa: {  	[dreg:$0x4] =	wrdreg $0xC0  }
0xab: {  	_ =	task [dreg:s6], $0x5FFFF  }
0xac: {  	[dreg:$0x1] =	wrdreg $0xFFFFFFFF  }
0xad: {  	[dreg:$0x0] =	wrdreg $0x60  }
0xae: {  	[dreg:$0x2] =	wrdreg s24  }
0xaf: {  	[dreg:$0x3] =	wrdreg $0x8E000  }
0xb0: {  	[dreg:$0x4] =	wrdreg $0x9  }
0xb1: {  	_ =	task.clear_ibuf [dreg:s6], $0x5FFFF;
	_ =	strace $0x90000046  }
0xb2: {  	s29 =	simm.s32 $0x9;
	_ =	strace $0x80000048  }
0xb3: {  	_ =	swait.ge [sflag:s29], $0x1  }
0xb4: {  	[sflag:s29] =	ssyncadd.s32 $0xFFFFFFFF  }
0xb5: {  	_ =	strace $0x90000048  }
0xb6: {  	_ =	sfence  }
0xb7: {  	s30 =	sld [smem:$0x0];
	_ =	sdelay $0x2  }
0xb8: {  	s31 =	sshll.u32 s1, $0xD;
	s1 =	sshrl.u32 s1, $0x2  }
0xb9: {  	s3 =	sand.u32 $0x4000, s31;
	s1 =	sadd.s32 s1, s30  }
0xba: {  	s0 =	sor.u32 s3, s0;
	s1 =	sshll.u32 s1, $0x11  }
0xbb: {  	s0 =	sor.u32 s1, s0  }
0xbc: {  	s0 =	sadd.s32 $0x8F2B, s0  }
0xbd: {  	[sflag:s0] =	ssyncadd.remote.s32 $0x1  }
0xbe: {  	_ =	sfence.sel $0xFFFF  }
0xbf: {  	[dreg:$0x0] =	wrdreg $0xFFFFFFFF;
	(pc) =	sbr.abs _section_cstart, $3  }
0xc0: {  	[dreg:$0x1] =	wrdreg $0xFFFFFFFF  }
0xc1: {  	_ =	task.clear_ibuf [dreg:s6], $0x2FFFF;
	_ =	strace $0x9FFFFFFF  }
0xc2: {  	(tm) =	ssettm $0x7FFFFFFF  }
0xc3: {  	_ =	shalt  }
tec
execute0_lowered:
.L_overlay_start_1:
0x0: {  	(tag) =	ssettag $0x1  }
0x1: {  	s9 =	rddreg [dreg:$0x0]  }
0x2: {  	s1 =	rddreg [dreg:$0x1]  }
0x3: {  	s0 =	rddreg [dreg:$0x2];
	s2 =	simm.s32 $0x0;
	s3 =	srdreg.scid  }
0x4: {  	s14 =	simm.s32 $0x2;
	s15 =	simm.s32 $0x7900;
	s16 =	simm.s32 $0x80  }
0x5: {  	s17 =	simm.s32 $0x100;
	s18 =	simm.s32 $0x50;
	s19 =	simm.s32 $0x2900  }
0x6: {  	s20 =	simm.s32 $0x1;
	s21 =	simm.s32 $0x5100;
	s22 =	simm.s32 $0x0  }
0x7: {  	[smem:$0x7FF] =	sst s2;
	s10 =	sand.u32 $0x1, s3;
	s4 =	sadd.s32 $0x4FD800, s9  }
0x8: {  	s5 =	sadd.s32 $0x54BC00, s9;
	s6 =	sadd.s32 $0x11400, s9;
	s7 =	sadd.s32 $0x7600, s9  }
0x9: {  	s3 =	stileid.u32;
	s8 =	sadd.s32 $0x4FD600, s9;
	s11 =	smul.u32 $0x138800, s10  }
0xa: {  	_ =	strace $0x80000047;
	s12 =	smul.u32 $0x1F400, s3;
	s29 =	ssub.s32 $0x2, s10  }
0xb: {  	s13 =	smul.u32 $0x7D000, s3;
	s10 =	sshll.u32 s10, $0x4;
	p0 =	sgt.u32 s3, $0x9  }
0xc: {  	s30 =	sshrl.u32 s29, $0x1;
	s31 =	sor.u32 s3, s10;
	s11 =	sadd.s32 s12, s11  }
0xd: {  	s12 =	ssub.s32 s29, s30;
	s13 =	sshrl.u32 s13, $0x2;
	s11 =	sshrl.u32 s11, $0x3  }
0xe: {  	s12 =	smax.u32 s12, $0x1;
	s11 =	sadd.s32 s11, s9;
	s9 =	smul.u32 $0x2710, s31  }
0xf: {  	v0 =	vimm.f32 $0.0e+00;
	s10 =	sadd.s32 $0x1B200, s11;
	s11 =	sadd.s32 s13, s1;
	s13 =	simm.s32 $0x8D00  }
.LBB2_1:
0x10: {  	[tilespmem:s13], [sflag:$0x2] =	stream.linear.gather [hbm4b:s8+s2], $0x100, $0x38;
	[tilespmem:$0x1C680] =	vst v63  }
0x11: {  	_ =	swait.ge [sflag:s14], $0x100  }
0x12: {  	[sflag:s14] =	ssyncset.done $0x0  }
0x13: {  	[sflag:s14] =	ssyncadd.s32 $0xFFFFFF00  }
0x14: {  	v1 =	vld [tilespmem:$0x8D00]  }
0x15: {  	v2 =	vld [tilespmem:$0x8D10]  }
0x16: {  	v4 =	vld [tilespmem:$0x8D30]  }
.Ltmp0:
0x17: {  	v7 =	vld [tilespmem:$0x8DA0];
	(pc) =	sbr.rel @p0 .LBB2_7-.Ltmp0, $4  }
0x18: {  	v3 =	vld [tilespmem:$0x8D20]  }
0x19: {  	v8 =	vld [tilespmem:$0x8DB0]  }
0x1a: {  	v5 =	vld [tilespmem:$0x8D80]  }
0x1b: {  	v6 =	vld [tilespmem:$0x8D90]  }
0x1c: {  	s23 =	sshra.s32 s2, $0x2;
	s24 =	sadd.s32 $0x200, s2  }
.LBB2_3:
0x1d: {  	p1 =	sne.s32 s24, $0x4E00;
	[tilespmem:s23+$0x7970] =	vst v0  }
0x1e: {  	[tilespmem:s23+$0x7900] =	vst v0  }
0x1f: {  	[tilespmem:s23+$0x7910] =	vst v0  }
.Ltmp1:
0x20: {  	[tilespmem:s23+$0x7920] =	vst v0;
	(pc) =	sbr.rel @p1 .LBB2_3-.Ltmp1, $4  }
0x21: {  	[tilespmem:s23+$0x7930] =	vst v0  }
0x22: {  	[tilespmem:s23+$0x7940] =	vst v0  }
0x23: {  	[tilespmem:s23+$0x7950] =	vst v0  }
0x24: {  	[tilespmem:s23+$0x7960] =	vst v0;
	s23 =	sshra.s32 s24, $0x2;
	s24 =	sadd.s32 $0x200, s24  }
0x25: {  	[tilespmem:s23+$0x7970] =	vst v0  }
0x26: {  	[tilespmem:s23+$0x7900] =	vst v0  }
0x27: {  	[tilespmem:s23+$0x7910] =	vst v0  }
0x28: {  	[tilespmem:s23+$0x7920] =	vst v0  }
0x29: {  	[tilespmem:s23+$0x7930] =	vst v0  }
0x2a: {  	[tilespmem:s23+$0x7940] =	vst v0  }
0x2b: {  	[tilespmem:s23+$0x7950] =	vst v0  }
0x2c: {  	[tilespmem:s23+$0x7960] =	vst v0;
	s31 =	sadd.s32 $0x0, s11  }
0x2d: {  	[spmem:s31] =	stream.linear.scatter [tilespmem:s15], [sflag:$0x2], $0x1400, $0x38;
	[tilespmem:$0x1C680] =	vst v63  }
0x2e: {  	s23 =	simm.s32 $0x5000;
	_ =	swait.ge [sflag:s14], $0x1400  }
.LBB2_5:
0x2f: {  	s24 =	sshra.s32 s23, $0x2;
	[sflag:s14] =	ssyncset.done $0x0;
	p1 =	sne.s32 s23, $0x78000  }
.Ltmp2:
0x30: {  	s24 =	sadd.s32 s24, s11;
	[sflag:s14] =	ssyncadd.s32 $0xFFFFEC00;
	(pc) =	sbr.rel @p1 .LBB2_5-.Ltmp2, $3  }
0x31: {  	[spmem:s24] =	stream.linear.scatter [tilespmem:s15], [sflag:$0x2], $0x1400, $0x38;
	[tilespmem:$0x1C680] =	vst v63  }
0x32: {  	s23 =	sadd.s32 $0x5000, s23;
	_ =	sdelay $0x1  }
0x33: {  	_ =	swait.ge [sflag:s14], $0x1400  }
0x34: {  	[sflag:s14] =	ssyncset.done $0x0  }
0x35: {  	[sflag:s14] =	ssyncadd.s32 $0xFFFFEC00  }
.LBB2_7:
0x36: {  	s24 =	simm.s32 $0x200;
	s23 =	simm.s32 $0x0  }
.LBB2_8:
0x37: {  	p1 =	sne.s32 s24, $0x9E00;
	[tilespmem:s23+$0x5170] =	vst v0;
	s25 =	smov.u32 s24;
	s24 =	sadd.s32 $0x200, s24  }
.Ltmp3:
0x38: {  	[tilespmem:s23+$0x5160] =	vst v0;
	(pc) =	sbr.rel @p1 .LBB2_8-.Ltmp3, $3  }
0x39: {  	[tilespmem:s23+$0x5140] =	vst v0  }
0x3a: {  	[tilespmem:s23+$0x5150] =	vst v0;
	_ =	sdelay $0x1  }
0x3b: {  	s23 =	sshra.s32 s25, $0x2  }
0x3c: {  	[tilespmem:s23+$0x5170] =	vst v0  }
0x3d: {  	[tilespmem:s23+$0x5160] =	vst v0  }
0x3e: {  	[tilespmem:s23+$0x5140] =	vst v0  }
0x3f: {  	[tilespmem:s23+$0x5150] =	vst v0  }
0x40: {  	s23 =	simm.s32 $0x0;
	s24 =	simm.s32 $0x0;
	[bflag:$0x0] =	sbarrier.arrive $0xFFFF  }
.LBB2_10:
0x41: {  	s25 =	smul.u32 $0x50, s24;
	_ =	sdelay $0x1  }
0x42: {  	s25 =	sadd.s32 s9, s25  }
0x43: {  	s26 =	sshrl.u32 s25, $0x3  }
0x44: {  	s28 =	sadd.s32 s6, s26  }
0x45: {  	[tilespmem:s23], [sflag:$0x2] =	stream.linear.gather [hbm4b:s28+s23], $0x50, $0x38;
	[tilespmem:$0x1C680] =	vst v63  }
0x46: {  	_ =	swait.ge [sflag:s14], $0x50  }
0x47: {  	[sflag:s14] =	ssyncset.done $0x0  }
0x48: {  	s26 =	sadd.s32 s7, s26;
	[sflag:s14] =	ssyncadd.s32 $0xFFFFFFB0  }
0x49: {  	[tilespmem:s16], [sflag:$0x2] =	stream.linear.gather [hbm4b:s26+s23], $0x50, $0x38;
	[tilespmem:$0x1C680] =	vst v63  }
0x4a: {  	_ =	swait.ge [sflag:s14], $0x50  }
0x4b: {  	s25 =	sshll.u32 s25, $0x4;
	[sflag:s14] =	ssyncset.done $0x0  }
0x4c: {  	s25 =	sadd.s32 s5, s25;
	[sflag:s14] =	ssyncadd.s32 $0xFFFFFFB0  }
0x4d: {  	[tilespmem:s17], [sflag:$0x2] =	stream.linear.gather [hbm4b:s25+s23], $0x2800, $0x38;
	[tilespmem:$0x1C680] =	vst v63  }
0x4e: {  	_ =	swait.ge [sflag:s14], $0x2800  }
0x4f: {  	[sflag:s14] =	ssyncset.done $0x0  }
0x50: {  	[sflag:s14] =	ssyncadd.s32 $0xFFFFD800  }
0x51: {  	[tilespmem:s19], [sflag:$0x1] =	stream.indirect.gather [hbm4b:s4+s18], $0x80, s23, s18, $0xb8;
	[tilespmem:$0x1C680] =	vst v63  }
0x52: {  	_ =	swait.ge [sflag:s20], $0x2800  }
0x53: {  	[sflag:s20] =	ssyncset.done $0x0  }
0x54: {  	s26 =	simm.s32 $0x0;
	[sflag:s20] =	ssyncadd.s32 $0xFFFFD800  }
0x55: {  	v9 =	vld [tilespmem:s26+$0x130]  }
0x56: {  	v10 =	vld [tilespmem:s26+$0x2930]  }
0x57: {  	v11 =	vld [tilespmem:s26+$0x100]  }
0x58: {  	v12 =	vld [tilespmem:s26+$0x2900]  }
0x59: {  	v13 =	vld [tilespmem:s26+$0x110]  }
0x5a: {  	v14 =	vld [tilespmem:s26+$0x2910]  }
0x5b: {  	v15 =	vld [tilespmem:s26+$0x120];
	v9 =	vadd.f32 v10, v9  }
0x5c: {  	s25 =	simm.s32 $0x80;
	v16 =	vld [tilespmem:s26+$0x2920]  }
0x5d: {  	v17 =	vld [tilespmem:s25+$0x130];
	v9 =	vmax.f32 v9, $0.0e+00  }
0x5e: {  	v18 =	vld [tilespmem:s25+$0x2930];
	v10 =	vadd.f32 v12, v11;
	v9 =	vmul.f32 v9, v4  }
0x5f: {  	v19 =	vld [tilespmem:s25+$0x100]  }
0x60: {  	v20 =	vld [tilespmem:s25+$0x2900];
	v12 =	vadd.f32 v14, v13;
	v11 =	vmax.f32 v10, $0.0e+00;
	v9 =	vadd.f32 v9, v8  }
0x61: {  	v10 =	vld [tilespmem:s25+$0x110];
	v13 =	vmul.f32 v11, v1  }
0x62: {  	v14 =	vadd.f32 v16, v15;
	v11 =	vld [tilespmem:s25+$0x2910];
	[tilespmem:s26+$0x5130] =	vst v9;
	v9 =	vmax.f32 v12, $0.0e+00  }
0x63: {  	v13 =	vadd.f32 v13, v5;
	v15 =	vmul.f32 v9, v2  }
0x64: {  	v17 =	vadd.f32 v18, v17;
	v14 =	vmax.f32 v14, $0.0e+00;
	v9 =	vld [tilespmem:s25+$0x120]  }
0x65: {  	s28 =	simm.s32 $0x100;
	v16 =	vmul.f32 v14, v3;
	v12 =	vld [tilespmem:s25+$0x2920];
	[tilespmem:s26+$0x5100] =	vst v13;
	v15 =	vadd.f32 v15, v6  }
0x66: {  	s29 =	simm.s32 $0x600;
	v17 =	vmax.f32 v17, $0.0e+00;
	v14 =	vadd.f32 v20, v19;
	v13 =	vld [tilespmem:s28+$0x130]  }
.LBB2_11:
0x67: {  	p1 =	sne.s32 s29, $0x9E00;
	v18 =	vld [tilespmem:s28+$0x2930];
	v17 =	vmul.f32 v17, v4;
	[tilespmem:s26+$0x5110] =	vst v15;
	v15 =	vadd.f32 v16, v7  }
0x68: {  	v19 =	vld [tilespmem:s28+$0x100];
	v14 =	vmax.f32 v14, $0.0e+00;
	v11 =	vadd.f32 v11, v10  }
0x69: {  	v20 =	vld [tilespmem:s28+$0x2900];
	v14 =	vmul.f32 v14, v1;
	v16 =	vadd.f32 v17, v8;
	[tilespmem:s26+$0x5120] =	vst v15;
	s26 =	smov.u32 s25;
	s25 =	smov.u32 s28  }
.Ltmp4:
0x6a: {  	v10 =	vld [tilespmem:s25+$0x110];
	v15 =	vmax.f32 v11, $0.0e+00;
	v12 =	vadd.f32 v12, v9;
	(pc) =	sbr.rel @p1 .LBB2_11-.Ltmp4, $4  }
0x6b: {  	v11 =	vld [tilespmem:s25+$0x2910];
	v14 =	vadd.f32 v14, v5;
	v15 =	vmul.f32 v15, v2;
	[tilespmem:s26+$0x5130] =	vst v16  }
0x6c: {  	v9 =	vld [tilespmem:s25+$0x120];
	v17 =	vadd.f32 v18, v13;
	v13 =	vmax.f32 v12, $0.0e+00  }
0x6d: {  	s28 =	sshra.s32 s29, $0x2;
	v12 =	vld [tilespmem:s25+$0x2920];
	[tilespmem:s26+$0x5100] =	vst v14;
	v15 =	vadd.f32 v15, v6;
	v16 =	vmul.f32 v13, v3  }
0x6e: {  	s29 =	sadd.s32 $0x200, s29;
	v13 =	vld [tilespmem:s28+$0x130];
	v14 =	vadd.f32 v20, v19;
	v17 =	vmax.f32 v17, $0.0e+00  }
0x6f: {  	v18 =	vld [tilespmem:s28+$0x2930];
	[tilespmem:s26+$0x5110] =	vst v15;
	v53 =	vadd.f32 v16, v7;
	v17 =	vmul.f32 v17, v4  }
0x70: {  	v54 =	vld [tilespmem:s28+$0x100]  }
0x71: {  	v19 =	vld [tilespmem:s28+$0x2900];
	[tilespmem:s26+$0x5120] =	vst v53;
	v55 =	vadd.f32 v17, v8  }
0x72: {  	v56 =	vld [tilespmem:s28+$0x110]  }
0x73: {  	v10 =	vadd.f32 v11, v10;
	v20 =	vld [tilespmem:s28+$0x2910];
	[tilespmem:s25+$0x5130] =	vst v55  }
0x74: {  	v11 =	vmax.f32 v14, $0.0e+00;
	v57 =	vld [tilespmem:s28+$0x120]  }
0x75: {  	v11 =	vmul.f32 v11, v1;
	v10 =	vmax.f32 v10, $0.0e+00;
	v15 =	vld [tilespmem:s28+$0x2920]  }
0x76: {  	v9 =	vadd.f32 v12, v9;
	v10 =	vmul.f32 v10, v2  }
0x77: {  	v11 =	vadd.f32 v11, v5;
	v58 =	vadd.f32 v18, v13  }
0x78: {  	v9 =	vmax.f32 v9, $0.0e+00;
	v10 =	vadd.f32 v10, v6;
	v59 =	vadd.f32 v19, v54  }
0x79: {  	v9 =	vmul.f32 v9, v3;
	v12 =	vmax.f32 v58, $0.0e+00;
	v60 =	vadd.f32 v20, v56  }
0x7a: {  	v12 =	vmul.f32 v12, v4;
	v13 =	vmax.f32 v59, $0.0e+00;
	v14 =	vadd.f32 v15, v57  }
0x7b: {  	[tilespmem:s25+$0x5100] =	vst v11;
	v9 =	vadd.f32 v9, v7;
	v11 =	vmul.f32 v13, v1;
	v61 =	vmax.f32 v60, $0.0e+00  }
0x7c: {  	[tilespmem:s25+$0x5110] =	vst v10;
	v10 =	vadd.f32 v12, v8;
	v62 =	vmul.f32 v61, v2;
	v63 =	vmax.f32 v14, $0.0e+00  }
0x7d: {  	[tilespmem:s25+$0x5120] =	vst v9;
	v9 =	vadd.f32 v11, v5;
	v11 =	vmul.f32 v63, v3  }
0x7e: {  	[tilespmem:s28+$0x5130] =	vst v10;
	v10 =	vadd.f32 v62, v6  }
0x7f: {  	s24 =	sadd.s32 $0x1, s24;
	[tilespmem:s28+$0x5100] =	vst v9;
	v9 =	vadd.f32 v11, v7  }
0x80: {  	p1 =	sne.s32 s24, $0x7D;
	[tilespmem:s28+$0x5110] =	vst v10  }
.Ltmp5:
0x81: {  	[tilespmem:s28+$0x5120] =	vst v9;
	(pc) =	sbr.rel @p1 .LBB2_10-.Ltmp5, $4  }
0x82: {  	[spmem:s1] =	stream.indirect.scatter.add.f32 [tilespmem:s21], [sflag:$0x2], $0x80, s16, s18, $0xb8;
	[tilespmem:$0x1C680] =	vst v63  }
0x83: {  	_ =	swait.ge [sflag:s14], $0x2800  }
0x84: {  	[sflag:s14] =	ssyncset.done $0x0  }
0x85: {  	[sflag:s14] =	ssyncadd.s32 $0xFFFFD800  }
0x86: {  	s23 =	sshll.u32 @!p0 s3, $0x6;
	[bflag:$0x0] =	sbarrier.arrive $0xFFFF;
	s22 =	sadd.s32 $0x1, s22  }
0x87: {  	s24 =	sshrl.u32 @!p0 s11, $0x3;
	s23 =	sor.u32 @!p0 $0x1C02, s23;
	p1 =	sne.s32 s22, s12  }
0x88: {  	[hbm:s10], [sflag:s23] =	dma.local @!p0 [spmem:s24], $0x3E80  }
.Ltmp6:
0x89: {  	_ = 	snop;
	(pc) =	sbr.rel @p1 .LBB2_1-.Ltmp6, $4  }
0x8a: {  	s23 =	simm.s32 @!p0 $0x2  }
0x8b: {  	_ =	swait.ge @!p0 [sflag:s23], $0x3E80  }
0x8c: {  	[sflag:s23] =	ssyncset.done @!p0 $0x0  }
0x8d: {  	[sflag:s23] =	ssyncadd.s32 @!p0 $0xFFFFC180  }
0x8e: {  	_ =	sfence.sel $0x180000  }
0x8f: {  	[bflag:$0x0] =	sbarrier.arrive $0xFFFF  }
0x90: {  	p0 =	sne.s32 s3, $0x0;
	_ =	strace $0x90000047  }
0x91: {  	s0 =	sadd.s32 @!p0 $0x100000, s0;
	[bflag:$0x2] =	sbarrier.arrive $0xFFFF  }
0x92: {  	[sflag:s0] =	ssyncadd.tile.s32 @!p0 $0x1;
	_ =	shalt  }
.Lfunc_end2:
_tile_overlayer_lowered:
.L_overlay_start_2:
0x93: {  	(tag) =	ssettag $0x2  }
0x94: {  	s0 =	rddreg [dreg:$0x0];
	s2 =	stileid.u32  }
0x95: {  	s1 =	rddreg [dreg:$0x1];
	p0 =	sne.s32 s2, $0x0  }
0x96: {  	s3 =	rddreg [dreg:$0x2];
	[bflag:$0x3] =	sbarrier.arrive $0xFFFF;
	s2 =	simm.s32 @!p0 $0x1C02  }
0x97: {  	[timem:s3], [sflag:s2] =	dma.local @!p0 [hbm:s0], s1  }
0x98: {  	s0 =	simm.s32 @!p0 $0x2  }
0x99: {  	_ =	swait.ge @!p0 [sflag:s0], s1  }
0x9a: {  	s1 =	ssub.s32 @!p0 $0x0, s1;
	[sflag:s0] =	ssyncset.done @!p0 $0x0  }
0x9b: {  	[sflag:s0] =	ssyncadd.s32 @!p0 s1  }
0x9c: {  	[bflag:$0x3] =	sbarrier.arrive $0xFFFF  }
0x9d: {  	_ =	shalt  }

// kernel: kernel.14.cloned.1.call-start
scs
__scs_entry_jumppad:
0x0: {  	(pc) =	sbr.rel $0x88, $3  }
0x1: {  	(tag) =	ssettag $0x0;
	lr =	simm.s32 $0x1  }
0x2: {  	[smem:$0x3F7D] =	sst lr;
	_ =	strace $0xD0000000  }
0x3: {  	_ = 	snop  }
0x4: {  	_ = 	snop  }
0x5: {  	_ = 	snop  }
0x6: {  	_ = 	snop  }
0x7: {  	_ = 	snop  }
__scs_overlays_trampoline_lowered:
0x8: {  	[smem:$0x3F8C] =	sst s0  }
0x9: {  	[smem:$0x3F8D] =	sst s1  }
0xa: {  	[smem:$0x3F8E] =	sst s2  }
0xb: {  	[smem:$0x3F8F] =	sst s3  }
0xc: {  	[smem:$0x3F90] =	sst s4  }
0xd: {  	[smem:$0x3F91] =	sst s5  }
0xe: {  	[smem:$0x3F92] =	sst s6  }
0xf: {  	[smem:$0x3F93] =	sst s7  }
0x10: {  	[smem:$0x3F94] =	sst s8  }
0x11: {  	[smem:$0x3F95] =	sst s9;
	s0 =	simm.s32 @!p0 $0x0  }
0x12: {  	s1 =	sld [smem:$0x3F7B];
	s0 =	simm.s32 @p0 $0x1  }
0x13: {  	[smem:$0x3F96] =	sst s0;
	s0 =	simm.s32 @!p1 $0x0  }
0x14: {  	s2 =	sld [smem:$0x3F7A];
	s0 =	simm.s32 @p1 $0x1  }
0x15: {  	[smem:$0x3F97] =	sst s0;
	s0 =	simm.s32 @!p2 $0x0  }
0x16: {  	s3 =	sld [smem:$0x3FDB];
	s0 =	simm.s32 @p2 $0x1  }
0x17: {  	s4 =	simm.s32 $0x1BF5;
	[smem:$0x3F99] =	sst s0  }
0x18: {  	s0 =	sld [smem:$0x3F7C];
	_ =	swait.ge [sflag:s4], $0x0  }
0x19: {  	s7 =	sld [smem:$0x3F7D]  }
0x1a: {  	s8 =	sadd.s32 $0xFFFFE003, lr  }
0x1b: {  	s9 =	sadd.s32 $0xFFFFFEF7, lr;
	s5 =	simm.s32 $0xFFFFFFFF;
	p2 =	slt.u32 s8, $0xFFFFF086  }
0x1c: {  	p1 =	slt.u32 s9, $0xF7A;
	s5 =	simm.s32 @!p2 $0x0  }
0x1d: {  	s5 =	simm.s32 @p1 $0x1;
	p0 =	seq.s32 s7, s2  }
0x1e: {  	s7 =	smul.u32 @!p0 $0xF7A, s2;
	p2 =	seq.s32 @!p0 s5, $0x0  }
0x1f: {  	s9 =	smul.u32 $0xF7A, s1;
	s8 =	simm.s32 @!p0 $0x1BF5;
	p2 =	por !p2, p0  }
0x20: {  	[sflag:s8] =	ssyncset.s32 @!p0 $0xFFFFF086;
	s6 =	sadd.s32 @!p0 s3, s7;
	s7 =	simm.s32 @!p0 $0x108  }
0x21: {  	s3 =	sadd.s32 s3, s9;
	s6 =	sadd.s32 @!p0 $0x88, s6;
	s7 =	simm.s32 @p2 $0x1082  }
0x22: {  	[simem:s7], [sflag:s8] =	dma.local @!p0 [hbm:s6], $0xF7A  }
0x23: {  	s9 =	sor.u32 $0xD0000000, s2;
	s6 =	simm.s32 $0x108;
	_ =	swait.ge @!p0 [sflag:s8], $0x0  }
0x24: {  	s3 =	sadd.s32 $0x88, s3;
	s6 =	simm.s32 @!p1 $0x1082;
	[sflag:s4] =	ssyncset.s32 $0xFFFFF086  }
0x25: {  	[simem:s6], [sflag:s4] =	dma.local [hbm:s3], $0xF7A  }
0x26: {  	[smem:$0x3F7D] =	sst s1;
	(tag) =	ssettag s2;
	_ =	strace s9  }
0x27: {  	s1 =	sld [smem:$0x3F8D]  }
0x28: {  	s2 =	sld [smem:$0x3F8E]  }
0x29: {  	s4 =	sld [smem:$0x3F90]  }
0x2a: {  	p0 =	seq.s32 s5, $0x0;
	s5 =	sld [smem:$0x3F91]  }
0x2b: {  	s6 =	sld [smem:$0x3F92]  }
0x2c: {  	s7 =	sld [smem:$0x3F93]  }
0x2d: {  	s3 =	simm.s32 $0x108;
	s8 =	sld [smem:$0x3F94]  }
0x2e: {  	s3 =	simm.s32 @!p0 $0x1082;
	s9 =	sld [smem:$0x3F95]  }
0x2f: {  	lr =	sadd.s32 s0, s3;
	s0 =	sld [smem:$0x3F8C]  }
0x30: {  	s3 =	sld [smem:$0x3F8F]  }
0x31: {  	[smem:$0x3F98] =	sst s10  }
0x32: {  	s10 =	sld [smem:$0x3F96];
	_ =	sdelay $0x3  }
0x33: {  	p0 =	seq.s32 s10, $0x1;
	s10 =	sld [smem:$0x3F98];
	_ =	sdelay $0x3  }
0x34: {  	[smem:$0x3F98] =	sst s10  }
0x35: {  	s10 =	sld [smem:$0x3F97];
	_ =	sdelay $0x3  }
0x36: {  	p1 =	seq.s32 s10, $0x1;
	s10 =	sld [smem:$0x3F98];
	_ =	sdelay $0x3  }
0x37: {  	[smem:$0x3F98] =	sst s10  }
0x38: {  	s10 =	sld [smem:$0x3F99]  }
0x39: {  	_ = 	snop;
	(pc) =	sbr.ind lr, $3  }
0x3a: {  	_ = 	snop  }
0x3b: {  	_ = 	snop  }
0x3c: {  	p2 =	seq.s32 s10, $0x1;
	s10 =	sld [smem:$0x3F98]  }
0x3d: {  	_ =	shalt  }
0x3e: {  	_ =	shalt  }
0x3f: {  	_ =	shalt  }
0x40: {  	_ =	shalt  }
0x41: {  	_ =	shalt  }
0x42: {  	_ =	shalt  }
0x43: {  	_ =	shalt  }
0x44: {  	_ =	shalt  }
0x45: {  	_ =	shalt  }
0x46: {  	_ =	shalt  }
0x47: {  	_ =	shalt  }
0x48: {  	_ =	shalt  }
0x49: {  	_ =	shalt  }
0x4a: {  	_ =	shalt  }
0x4b: {  	_ =	shalt  }
0x4c: {  	_ =	shalt  }
0x4d: {  	_ =	shalt  }
0x4e: {  	_ =	shalt  }
0x4f: {  	_ =	shalt  }
0x50: {  	_ =	shalt  }
0x51: {  	_ =	shalt  }
0x52: {  	_ =	shalt  }
0x53: {  	_ =	shalt  }
0x54: {  	_ =	shalt  }
0x55: {  	_ =	shalt  }
0x56: {  	_ =	shalt  }
0x57: {  	_ =	shalt  }
0x58: {  	_ =	shalt  }
0x59: {  	_ =	shalt  }
0x5a: {  	_ =	shalt  }
0x5b: {  	_ =	shalt  }
0x5c: {  	_ =	shalt  }
0x5d: {  	_ =	shalt  }
0x5e: {  	_ =	shalt  }
0x5f: {  	_ =	shalt  }
0x60: {  	_ =	shalt  }
0x61: {  	_ =	shalt  }
0x62: {  	_ =	shalt  }
0x63: {  	_ =	shalt  }
0x64: {  	_ =	shalt  }
0x65: {  	_ =	shalt  }
0x66: {  	_ =	shalt  }
0x67: {  	_ =	shalt  }
0x68: {  	_ =	shalt  }
0x69: {  	_ =	shalt  }
0x6a: {  	_ =	shalt  }
0x6b: {  	_ =	shalt  }
0x6c: {  	_ =	shalt  }
0x6d: {  	_ =	shalt  }
0x6e: {  	_ =	shalt  }
0x6f: {  	_ =	shalt  }
0x70: {  	_ =	shalt  }
0x71: {  	_ =	shalt  }
0x72: {  	_ =	shalt  }
0x73: {  	_ =	shalt  }
0x74: {  	_ =	shalt  }
0x75: {  	_ =	shalt  }
0x76: {  	_ =	shalt  }
0x77: {  	_ =	shalt  }
0x78: {  	_ =	shalt  }
0x79: {  	_ =	shalt  }
0x7a: {  	_ =	shalt  }
0x7b: {  	_ =	shalt  }
0x7c: {  	_ =	shalt  }
0x7d: {  	_ =	shalt  }
0x7e: {  	_ =	shalt  }
0x7f: {  	_ =	shalt  }
0x80: {  	_ =	shalt  }
0x81: {  	_ =	shalt  }
0x82: {  	_ =	shalt  }
0x83: {  	_ =	shalt  }
0x84: {  	_ =	shalt  }
0x85: {  	_ =	shalt  }
0x86: {  	_ =	shalt  }
0x87: {  	_ =	shalt  }
.Lfunc_end0:
.L_simem_size_0:
called_computation.1_lowered:
.L_overlay_start_0:
0x88: {  	s2 =	sld [smem:$0x3FD9]  }
0x89: {  	s3 =	sld [smem:$0x3FFE];
	_ =	sdelay $0x1  }
0x8a: {  	s1 =	srdreg.scid  }
0x8b: {  	s0 =	sand.u32 $0x1, s1  }
0x8c: {  	s16 =	sshll.u32 s0, $0xA;
	s2 =	sadd.s32 s3, s2  }
0x8d: {  	s2 =	sadd.s32 s2, s16  }
0x8e: {  	[smem:$0x3FA4] =	sst s2  }
0x8f: {  	_ = 	snop  }
0x90: {  	(tm) =	ssettm $0x1  }
0x91: {  	s17 =	sld [smem:$0x3FFB];
	_ =	sdelay $0x3  }
0x92: {  	_ =	strace s17  }
0x93: {  	s2 =	sld [smem:$0x3FFC];
	_ =	sdelay $0x3  }
0x94: {  	_ =	strace s2  }
0x95: {  	s2 =	sld [smem:$0x3FFD];
	_ =	sdelay $0x3  }
0x96: {  	_ =	strace s2  }
0x97: {  	_ =	strace $0x8FFFFFFF  }
0x98: {  	s18 =	sld [smem:$0x3FDB];
	_ =	sdelay $0x1  }
0x99: {  	s19 =	simm.s32 $_scs_section_size  }
0x9a: {  	s4 =	simm.s32 $_size__tile_overlayer_lowered;
	s5 =	simm.s32 $_tile_overlayer_lowered  }
0x9b: {  	s22 =	simm.s32 $0x1BFF;
	s21 =	sshll.u32 s5, $0x1;
	s2 =	sadd.s32 s19, s18  }
0x9c: {  	s6 =	simm.s32 $0x0;
	s20 =	sshll.u32 s4, $0x1;
	s4 =	sadd.s32 s21, s2  }
0x9d: {  	[timem:s6], [sflag:s22] =	dma.local [hbm:s4], s20  }
0x9e: {  	_ =	swait.ge [sflag:s22], s20  }
0x9f: {  	s3 =	ssub.s32 $0x0, s20;
	[sflag:s22] =	ssyncset.done $0x0  }
0xa0: {  	[sflag:s22] =	ssyncadd.s32 s3;
	_ =	sdelay $0x1  }
0xa1: {  	s23 =	simm.s32 $0x1B8B  }
0xa2: {  	_ =	swait.ge [sflag:s23], $0x1  }
0xa3: {  	[sflag:s23] =	ssyncset.done $0x0  }
0xa4: {  	s25 =	simm.s32 $0x1B8E;
	s24 =	sld [smem:$0x3FFE];
	[sflag:s23] =	ssyncadd.s32 $0xFFFFFFFF  }
0xa5: {  	s26 =	simm.s32 $execute0_lowered;
	[smem:$0x3FD2] =	sst s25  }
0xa6: {  	s4 =	sshll.u32 s26, $0x1;
	_ =	strace $0x80000049;
	[dreg:$0x1] =	wrdreg $0xFFFFFFFF  }
0xa7: {  	s28 =	simm.s32 $_size_execute0_lowered;
	s2 =	sadd.s32 s2, s4;
	[dreg:$0x0] =	wrdreg $0x0  }
0xa8: {  	s4 =	sshll.u32 s28, $0x1;
	[dreg:$0x2] =	wrdreg s2  }
0xa9: {  	[dreg:$0x3] =	wrdreg s4  }
0xaa: {  	[dreg:$0x4] =	wrdreg $0xC0  }
0xab: {  	_ =	task [dreg:s6], $0x5FFFF  }
0xac: {  	[dreg:$0x1] =	wrdreg $0xFFFFFFFF  }
0xad: {  	[dreg:$0x0] =	wrdreg $0x60  }
0xae: {  	[dreg:$0x2] =	wrdreg s24  }
0xaf: {  	[dreg:$0x3] =	wrdreg $0x8E000  }
0xb0: {  	[dreg:$0x4] =	wrdreg $0x9  }
0xb1: {  	_ =	task.clear_ibuf [dreg:s6], $0x5FFFF;
	_ =	strace $0x90000049  }
0xb2: {  	s29 =	simm.s32 $0x9;
	_ =	strace $0x8000004B  }
0xb3: {  	_ =	swait.ge [sflag:s29], $0x1  }
0xb4: {  	[sflag:s29] =	ssyncadd.s32 $0xFFFFFFFF  }
0xb5: {  	_ =	strace $0x9000004B  }
0xb6: {  	_ =	sfence  }
0xb7: {  	s30 =	sld [smem:$0x0];
	_ =	sdelay $0x2  }
0xb8: {  	s31 =	sshll.u32 s1, $0xD;
	s1 =	sshrl.u32 s1, $0x2  }
0xb9: {  	s3 =	sand.u32 $0x4000, s31;
	s1 =	sadd.s32 s1, s30  }
0xba: {  	s0 =	sor.u32 s3, s0;
	s1 =	sshll.u32 s1, $0x11  }
0xbb: {  	s0 =	sor.u32 s1, s0  }
0xbc: {  	s0 =	sadd.s32 $0x8F2B, s0  }
0xbd: {  	[sflag:s0] =	ssyncadd.remote.s32 $0x1  }
0xbe: {  	_ =	sfence.sel $0xFFFF  }
0xbf: {  	[dreg:$0x0] =	wrdreg $0xFFFFFFFF;
	(pc) =	sbr.abs _section_cstart, $3  }
0xc0: {  	[dreg:$0x1] =	wrdreg $0xFFFFFFFF  }
0xc1: {  	_ =	task.clear_ibuf [dreg:s6], $0x2FFFF;
	_ =	strace $0x9FFFFFFF  }
0xc2: {  	(tm) =	ssettm $0x7FFFFFFF  }
0xc3: {  	_ =	shalt  }
tec
execute0_lowered:
.L_overlay_start_1:
0x0: {  	(tag) =	ssettag $0x1  }
0x1: {  	s9 =	rddreg [dreg:$0x0]  }
0x2: {  	s1 =	rddreg [dreg:$0x1]  }
0x3: {  	s0 =	rddreg [dreg:$0x2];
	s3 =	simm.s32 $0x0;
	s2 =	srdreg.scid  }
0x4: {  	s14 =	simm.s32 $0x2;
	s15 =	simm.s32 $0x7900;
	s16 =	simm.s32 $0x80  }
0x5: {  	s17 =	simm.s32 $0x100;
	s18 =	simm.s32 $0x50;
	s19 =	simm.s32 $0x2900  }
0x6: {  	s20 =	simm.s32 $0x1;
	s21 =	simm.s32 $0x5100;
	s22 =	simm.s32 $0x0  }
0x7: {  	[smem:$0x7FF] =	sst s3;
	s10 =	sand.u32 $0x1, s2;
	s2 =	stileid.u32  }
0x8: {  	s4 =	sadd.s32 $0x1B200, s9;
	s5 =	sadd.s32 $0xA2DC00, s9;
	s6 =	sadd.s32 $0x11400, s9  }
0x9: {  	s7 =	sadd.s32 $0x7600, s9;
	s8 =	sadd.s32 $0x69400, s9;
	s11 =	smul.u32 $0x138800, s10  }
0xa: {  	_ =	strace $0x8000004A;
	s12 =	smul.u32 $0x1F400, s2;
	s29 =	ssub.s32 $0x2, s10  }
0xb: {  	s13 =	smul.u32 $0x7D000, s2;
	s10 =	sshll.u32 s10, $0x4;
	p0 =	sgt.u32 s2, $0x9  }
0xc: {  	s30 =	sshrl.u32 s29, $0x1;
	s31 =	sor.u32 s2, s10;
	s11 =	sadd.s32 s12, s11  }
0xd: {  	s12 =	ssub.s32 s29, s30;
	s13 =	sshrl.u32 s13, $0x2;
	s11 =	sshrl.u32 s11, $0x3  }
0xe: {  	s12 =	smax.u32 s12, $0x1;
	s11 =	sadd.s32 s11, s9;
	s9 =	smul.u32 $0x2710, s31  }
0xf: {  	v0 =	vimm.f32 $0.0e+00;
	s10 =	sadd.s32 $0x90800, s11;
	s11 =	sadd.s32 s13, s1;
	s13 =	simm.s32 $0x8D00  }
.LBB2_1:
0x10: {  	[tilespmem:s13], [sflag:$0x2] =	stream.linear.gather [hbm4b:s8+s3], $0x100, $0x38;
	[tilespmem:$0x1C680] =	vst v63  }
0x11: {  	_ =	swait.ge [sflag:s14], $0x100  }
0x12: {  	[sflag:s14] =	ssyncset.done $0x0  }
0x13: {  	[sflag:s14] =	ssyncadd.s32 $0xFFFFFF00  }
0x14: {  	v1 =	vld [tilespmem:$0x8D00]  }
0x15: {  	v2 =	vld [tilespmem:$0x8D10]  }
0x16: {  	v4 =	vld [tilespmem:$0x8D30]  }
.Ltmp0:
0x17: {  	v7 =	vld [tilespmem:$0x8DA0];
	(pc) =	sbr.rel @p0 .LBB2_7-.Ltmp0, $4  }
0x18: {  	v3 =	vld [tilespmem:$0x8D20]  }
0x19: {  	v8 =	vld [tilespmem:$0x8DB0]  }
0x1a: {  	v5 =	vld [tilespmem:$0x8D80]  }
0x1b: {  	v6 =	vld [tilespmem:$0x8D90]  }
0x1c: {  	s23 =	sshra.s32 s3, $0x2;
	s24 =	sadd.s32 $0x200, s3  }
.LBB2_3:
0x1d: {  	p1 =	sne.s32 s24, $0x4E00;
	[tilespmem:s23+$0x7970] =	vst v0  }
0x1e: {  	[tilespmem:s23+$0x7900] =	vst v0  }
0x1f: {  	[tilespmem:s23+$0x7910] =	vst v0  }
.Ltmp1:
0x20: {  	[tilespmem:s23+$0x7920] =	vst v0;
	(pc) =	sbr.rel @p1 .LBB2_3-.Ltmp1, $4  }
0x21: {  	[tilespmem:s23+$0x7930] =	vst v0  }
0x22: {  	[tilespmem:s23+$0x7940] =	vst v0  }
0x23: {  	[tilespmem:s23+$0x7950] =	vst v0  }
0x24: {  	[tilespmem:s23+$0x7960] =	vst v0;
	s23 =	sshra.s32 s24, $0x2;
	s24 =	sadd.s32 $0x200, s24  }
0x25: {  	[tilespmem:s23+$0x7970] =	vst v0  }
0x26: {  	[tilespmem:s23+$0x7900] =	vst v0  }
0x27: {  	[tilespmem:s23+$0x7910] =	vst v0  }
0x28: {  	[tilespmem:s23+$0x7920] =	vst v0  }
0x29: {  	[tilespmem:s23+$0x7930] =	vst v0  }
0x2a: {  	[tilespmem:s23+$0x7940] =	vst v0  }
0x2b: {  	[tilespmem:s23+$0x7950] =	vst v0  }
0x2c: {  	[tilespmem:s23+$0x7960] =	vst v0;
	s31 =	sadd.s32 $0x0, s11  }
0x2d: {  	[spmem:s31] =	stream.linear.scatter [tilespmem:s15], [sflag:$0x2], $0x1400, $0x38;
	[tilespmem:$0x1C680] =	vst v63  }
0x2e: {  	s23 =	simm.s32 $0x5000;
	_ =	swait.ge [sflag:s14], $0x1400  }
.LBB2_5:
0x2f: {  	s24 =	sshra.s32 s23, $0x2;
	[sflag:s14] =	ssyncset.done $0x0;
	p1 =	sne.s32 s23, $0x78000  }
.Ltmp2:
0x30: {  	s24 =	sadd.s32 s24, s11;
	[sflag:s14] =	ssyncadd.s32 $0xFFFFEC00;
	(pc) =	sbr.rel @p1 .LBB2_5-.Ltmp2, $3  }
0x31: {  	[spmem:s24] =	stream.linear.scatter [tilespmem:s15], [sflag:$0x2], $0x1400, $0x38;
	[tilespmem:$0x1C680] =	vst v63  }
0x32: {  	s23 =	sadd.s32 $0x5000, s23;
	_ =	sdelay $0x1  }
0x33: {  	_ =	swait.ge [sflag:s14], $0x1400  }
0x34: {  	[sflag:s14] =	ssyncset.done $0x0  }
0x35: {  	[sflag:s14] =	ssyncadd.s32 $0xFFFFEC00  }
.LBB2_7:
0x36: {  	s24 =	simm.s32 $0x200;
	s23 =	simm.s32 $0x0  }
.LBB2_8:
0x37: {  	p1 =	sne.s32 s24, $0x9E00;
	[tilespmem:s23+$0x5170] =	vst v0;
	s25 =	smov.u32 s24;
	s24 =	sadd.s32 $0x200, s24  }
.Ltmp3:
0x38: {  	[tilespmem:s23+$0x5160] =	vst v0;
	(pc) =	sbr.rel @p1 .LBB2_8-.Ltmp3, $3  }
0x39: {  	[tilespmem:s23+$0x5140] =	vst v0  }
0x3a: {  	[tilespmem:s23+$0x5150] =	vst v0;
	_ =	sdelay $0x1  }
0x3b: {  	s23 =	sshra.s32 s25, $0x2  }
0x3c: {  	[tilespmem:s23+$0x5170] =	vst v0  }
0x3d: {  	[tilespmem:s23+$0x5160] =	vst v0  }
0x3e: {  	[tilespmem:s23+$0x5140] =	vst v0  }
0x3f: {  	[tilespmem:s23+$0x5150] =	vst v0  }
0x40: {  	s23 =	simm.s32 $0x0;
	s24 =	simm.s32 $0x0;
	[bflag:$0x0] =	sbarrier.arrive $0xFFFF  }
.LBB2_10:
0x41: {  	s25 =	smul.u32 $0x50, s24;
	_ =	sdelay $0x1  }
0x42: {  	s25 =	sadd.s32 s9, s25  }
0x43: {  	s26 =	sshrl.u32 s25, $0x3  }
0x44: {  	s28 =	sadd.s32 s6, s26  }
0x45: {  	[tilespmem:s23], [sflag:$0x2] =	stream.linear.gather [hbm4b:s28+s23], $0x50, $0x38;
	[tilespmem:$0x1C680] =	vst v63  }
0x46: {  	_ =	swait.ge [sflag:s14], $0x50  }
0x47: {  	[sflag:s14] =	ssyncset.done $0x0  }
0x48: {  	s26 =	sadd.s32 s7, s26;
	[sflag:s14] =	ssyncadd.s32 $0xFFFFFFB0  }
0x49: {  	[tilespmem:s16], [sflag:$0x2] =	stream.linear.gather [hbm4b:s26+s23], $0x50, $0x38;
	[tilespmem:$0x1C680] =	vst v63  }
0x4a: {  	_ =	swait.ge [sflag:s14], $0x50  }
0x4b: {  	s25 =	sshll.u32 s25, $0x4;
	[sflag:s14] =	ssyncset.done $0x0  }
0x4c: {  	s25 =	sadd.s32 s5, s25;
	[sflag:s14] =	ssyncadd.s32 $0xFFFFFFB0  }
0x4d: {  	[tilespmem:s17], [sflag:$0x2] =	stream.linear.gather [hbm4b:s25+s23], $0x2800, $0x38;
	[tilespmem:$0x1C680] =	vst v63  }
0x4e: {  	_ =	swait.ge [sflag:s14], $0x2800  }
0x4f: {  	[sflag:s14] =	ssyncset.done $0x0  }
0x50: {  	[sflag:s14] =	ssyncadd.s32 $0xFFFFD800  }
0x51: {  	[tilespmem:s19], [sflag:$0x1] =	stream.indirect.gather [hbm4b:s4+s18], $0x80, s23, s18, $0xb8;
	[tilespmem:$0x1C680] =	vst v63  }
0x52: {  	_ =	swait.ge [sflag:s20], $0x2800  }
0x53: {  	[sflag:s20] =	ssyncset.done $0x0  }
0x54: {  	s26 =	simm.s32 $0x0;
	[sflag:s20] =	ssyncadd.s32 $0xFFFFD800  }
0x55: {  	v9 =	vld [tilespmem:s26+$0x130]  }
0x56: {  	v10 =	vld [tilespmem:s26+$0x2930]  }
0x57: {  	v11 =	vld [tilespmem:s26+$0x100]  }
0x58: {  	v12 =	vld [tilespmem:s26+$0x2900]  }
0x59: {  	v13 =	vld [tilespmem:s26+$0x110]  }
0x5a: {  	v14 =	vld [tilespmem:s26+$0x2910]  }
0x5b: {  	v15 =	vld [tilespmem:s26+$0x120];
	v9 =	vadd.f32 v10, v9  }
0x5c: {  	s25 =	simm.s32 $0x80;
	v16 =	vld [tilespmem:s26+$0x2920]  }
0x5d: {  	v17 =	vld [tilespmem:s25+$0x130];
	v9 =	vmax.f32 v9, $0.0e+00  }
0x5e: {  	v18 =	vld [tilespmem:s25+$0x2930];
	v10 =	vadd.f32 v12, v11;
	v9 =	vmul.f32 v9, v4  }
0x5f: {  	v19 =	vld [tilespmem:s25+$0x100]  }
0x60: {  	v20 =	vld [tilespmem:s25+$0x2900];
	v12 =	vadd.f32 v14, v13;
	v11 =	vmax.f32 v10, $0.0e+00;
	v9 =	vadd.f32 v9, v8  }
0x61: {  	v10 =	vld [tilespmem:s25+$0x110];
	v13 =	vmul.f32 v11, v1  }
0x62: {  	v14 =	vadd.f32 v16, v15;
	v11 =	vld [tilespmem:s25+$0x2910];
	[tilespmem:s26+$0x5130] =	vst v9;
	v9 =	vmax.f32 v12, $0.0e+00  }
0x63: {  	v13 =	vadd.f32 v13, v5;
	v15 =	vmul.f32 v9, v2  }
0x64: {  	v17 =	vadd.f32 v18, v17;
	v14 =	vmax.f32 v14, $0.0e+00;
	v9 =	vld [tilespmem:s25+$0x120]  }
0x65: {  	s28 =	simm.s32 $0x100;
	v16 =	vmul.f32 v14, v3;
	v12 =	vld [tilespmem:s25+$0x2920];
	[tilespmem:s26+$0x5100] =	vst v13;
	v15 =	vadd.f32 v15, v6  }
0x66: {  	s29 =	simm.s32 $0x600;
	v17 =	vmax.f32 v17, $0.0e+00;
	v14 =	vadd.f32 v20, v19;
	v13 =	vld [tilespmem:s28+$0x130]  }
.LBB2_11:
0x67: {  	p1 =	sne.s32 s29, $0x9E00;
	v18 =	vld [tilespmem:s28+$0x2930];
	v17 =	vmul.f32 v17, v4;
	[tilespmem:s26+$0x5110] =	vst v15;
	v15 =	vadd.f32 v16, v7  }
0x68: {  	v19 =	vld [tilespmem:s28+$0x100];
	v14 =	vmax.f32 v14, $0.0e+00;
	v11 =	vadd.f32 v11, v10  }
0x69: {  	v20 =	vld [tilespmem:s28+$0x2900];
	v14 =	vmul.f32 v14, v1;
	v16 =	vadd.f32 v17, v8;
	[tilespmem:s26+$0x5120] =	vst v15;
	s26 =	smov.u32 s25;
	s25 =	smov.u32 s28  }
.Ltmp4:
0x6a: {  	v10 =	vld [tilespmem:s25+$0x110];
	v15 =	vmax.f32 v11, $0.0e+00;
	v12 =	vadd.f32 v12, v9;
	(pc) =	sbr.rel @p1 .LBB2_11-.Ltmp4, $4  }
0x6b: {  	v11 =	vld [tilespmem:s25+$0x2910];
	v14 =	vadd.f32 v14, v5;
	v15 =	vmul.f32 v15, v2;
	[tilespmem:s26+$0x5130] =	vst v16  }
0x6c: {  	v9 =	vld [tilespmem:s25+$0x120];
	v17 =	vadd.f32 v18, v13;
	v13 =	vmax.f32 v12, $0.0e+00  }
0x6d: {  	s28 =	sshra.s32 s29, $0x2;
	v12 =	vld [tilespmem:s25+$0x2920];
	[tilespmem:s26+$0x5100] =	vst v14;
	v15 =	vadd.f32 v15, v6;
	v16 =	vmul.f32 v13, v3  }
0x6e: {  	s29 =	sadd.s32 $0x200, s29;
	v13 =	vld [tilespmem:s28+$0x130];
	v14 =	vadd.f32 v20, v19;
	v17 =	vmax.f32 v17, $0.0e+00  }
0x6f: {  	v18 =	vld [tilespmem:s28+$0x2930];
	[tilespmem:s26+$0x5110] =	vst v15;
	v53 =	vadd.f32 v16, v7;
	v17 =	vmul.f32 v17, v4  }
0x70: {  	v54 =	vld [tilespmem:s28+$0x100]  }
0x71: {  	v19 =	vld [tilespmem:s28+$0x2900];
	[tilespmem:s26+$0x5120] =	vst v53;
	v55 =	vadd.f32 v17, v8  }
0x72: {  	v56 =	vld [tilespmem:s28+$0x110]  }
0x73: {  	v10 =	vadd.f32 v11, v10;
	v20 =	vld [tilespmem:s28+$0x2910];
	[tilespmem:s25+$0x5130] =	vst v55  }
0x74: {  	v11 =	vmax.f32 v14, $0.0e+00;
	v57 =	vld [tilespmem:s28+$0x120]  }
0x75: {  	v11 =	vmul.f32 v11, v1;
	v10 =	vmax.f32 v10, $0.0e+00;
	v15 =	vld [tilespmem:s28+$0x2920]  }
0x76: {  	v9 =	vadd.f32 v12, v9;
	v10 =	vmul.f32 v10, v2  }
0x77: {  	v11 =	vadd.f32 v11, v5;
	v58 =	vadd.f32 v18, v13  }
0x78: {  	v9 =	vmax.f32 v9, $0.0e+00;
	v10 =	vadd.f32 v10, v6;
	v59 =	vadd.f32 v19, v54  }
0x79: {  	v9 =	vmul.f32 v9, v3;
	v12 =	vmax.f32 v58, $0.0e+00;
	v60 =	vadd.f32 v20, v56  }
0x7a: {  	v12 =	vmul.f32 v12, v4;
	v13 =	vmax.f32 v59, $0.0e+00;
	v14 =	vadd.f32 v15, v57  }
0x7b: {  	[tilespmem:s25+$0x5100] =	vst v11;
	v9 =	vadd.f32 v9, v7;
	v11 =	vmul.f32 v13, v1;
	v61 =	vmax.f32 v60, $0.0e+00  }
0x7c: {  	[tilespmem:s25+$0x5110] =	vst v10;
	v10 =	vadd.f32 v12, v8;
	v62 =	vmul.f32 v61, v2;
	v63 =	vmax.f32 v14, $0.0e+00  }
0x7d: {  	[tilespmem:s25+$0x5120] =	vst v9;
	v9 =	vadd.f32 v11, v5;
	v11 =	vmul.f32 v63, v3  }
0x7e: {  	[tilespmem:s28+$0x5130] =	vst v10;
	v10 =	vadd.f32 v62, v6  }
0x7f: {  	s24 =	sadd.s32 $0x1, s24;
	[tilespmem:s28+$0x5100] =	vst v9;
	v9 =	vadd.f32 v11, v7  }
0x80: {  	p1 =	sne.s32 s24, $0x7D;
	[tilespmem:s28+$0x5110] =	vst v10  }
.Ltmp5:
0x81: {  	[tilespmem:s28+$0x5120] =	vst v9;
	(pc) =	sbr.rel @p1 .LBB2_10-.Ltmp5, $4  }
0x82: {  	[spmem:s1] =	stream.indirect.scatter.add.f32 [tilespmem:s21], [sflag:$0x2], $0x80, s16, s18, $0xb8;
	[tilespmem:$0x1C680] =	vst v63  }
0x83: {  	_ =	swait.ge [sflag:s14], $0x2800  }
0x84: {  	[sflag:s14] =	ssyncset.done $0x0  }
0x85: {  	[sflag:s14] =	ssyncadd.s32 $0xFFFFD800  }
0x86: {  	s23 =	sshll.u32 @!p0 s2, $0x6;
	[bflag:$0x0] =	sbarrier.arrive $0xFFFF;
	s22 =	sadd.s32 $0x1, s22  }
0x87: {  	s24 =	sshrl.u32 @!p0 s11, $0x3;
	s23 =	sor.u32 @!p0 $0x1C02, s23;
	p1 =	sne.s32 s22, s12  }
0x88: {  	[hbm:s10], [sflag:s23] =	dma.local @!p0 [spmem:s24], $0x3E80  }
.Ltmp6:
0x89: {  	_ = 	snop;
	(pc) =	sbr.rel @p1 .LBB2_1-.Ltmp6, $4  }
0x8a: {  	s23 =	simm.s32 @!p0 $0x2  }
0x8b: {  	_ =	swait.ge @!p0 [sflag:s23], $0x3E80  }
0x8c: {  	[sflag:s23] =	ssyncset.done @!p0 $0x0  }
0x8d: {  	[sflag:s23] =	ssyncadd.s32 @!p0 $0xFFFFC180  }
0x8e: {  	_ =	sfence.sel $0x180000  }
0x8f: {  	[bflag:$0x0] =	sbarrier.arrive $0xFFFF  }
0x90: {  	p0 =	sne.s32 s2, $0x0;
	_ =	strace $0x9000004A  }
0x91: {  	s0 =	sadd.s32 @!p0 $0x100000, s0;
	[bflag:$0x2] =	sbarrier.arrive $0xFFFF  }
0x92: {  	[sflag:s0] =	ssyncadd.tile.s32 @!p0 $0x1;
	_ =	shalt  }
.Lfunc_end2:
_tile_overlayer_lowered:
.L_overlay_start_2:
0x93: {  	(tag) =	ssettag $0x2  }
0x94: {  	s0 =	rddreg [dreg:$0x0];
	s2 =	stileid.u32  }
0x95: {  	s1 =	rddreg [dreg:$0x1];
	p0 =	sne.s32 s2, $0x0  }
0x96: {  	s3 =	rddreg [dreg:$0x2];
	[bflag:$0x3] =	sbarrier.arrive $0xFFFF;
	s2 =	simm.s32 @!p0 $0x1C02  }
0x97: {  	[timem:s3], [sflag:s2] =	dma.local @!p0 [hbm:s0], s1  }
0x98: {  	s0 =	simm.s32 @!p0 $0x2  }
0x99: {  	_ =	swait.ge @!p0 [sflag:s0], s1  }
0x9a: {  	s1 =	ssub.s32 @!p0 $0x0, s1;
	[sflag:s0] =	ssyncset.done @!p0 $0x0  }
0x9b: {  	[sflag:s0] =	ssyncadd.s32 @!p0 s1  }
0x9c: {  	[bflag:$0x3] =	sbarrier.arrive $0xFFFF  }
0x9d: {  	_ =	shalt  }

// kernel: kernel.17.cloned.1.call-start
scs
__scs_entry_jumppad:
0x0: {  	(pc) =	sbr.rel $0x88, $3  }
0x1: {  	(tag) =	ssettag $0x0;
	lr =	simm.s32 $0x1  }
0x2: {  	[smem:$0x3F7D] =	sst lr;
	_ =	strace $0xD0000000  }
0x3: {  	_ = 	snop  }
0x4: {  	_ = 	snop  }
0x5: {  	_ = 	snop  }
0x6: {  	_ = 	snop  }
0x7: {  	_ = 	snop  }
__scs_overlays_trampoline_lowered:
0x8: {  	[smem:$0x3F8C] =	sst s0  }
0x9: {  	[smem:$0x3F8D] =	sst s1  }
0xa: {  	[smem:$0x3F8E] =	sst s2  }
0xb: {  	[smem:$0x3F8F] =	sst s3  }
0xc: {  	[smem:$0x3F90] =	sst s4  }
0xd: {  	[smem:$0x3F91] =	sst s5  }
0xe: {  	[smem:$0x3F92] =	sst s6  }
0xf: {  	[smem:$0x3F93] =	sst s7  }
0x10: {  	[smem:$0x3F94] =	sst s8  }
0x11: {  	[smem:$0x3F95] =	sst s9;
	s0 =	simm.s32 @!p0 $0x0  }
0x12: {  	s1 =	sld [smem:$0x3F7B];
	s0 =	simm.s32 @p0 $0x1  }
0x13: {  	[smem:$0x3F96] =	sst s0;
	s0 =	simm.s32 @!p1 $0x0  }
0x14: {  	s2 =	sld [smem:$0x3F7A];
	s0 =	simm.s32 @p1 $0x1  }
0x15: {  	[smem:$0x3F97] =	sst s0;
	s0 =	simm.s32 @!p2 $0x0  }
0x16: {  	s3 =	sld [smem:$0x3FDB];
	s0 =	simm.s32 @p2 $0x1  }
0x17: {  	s4 =	simm.s32 $0x1BF5;
	[smem:$0x3F99] =	sst s0  }
0x18: {  	s0 =	sld [smem:$0x3F7C];
	_ =	swait.ge [sflag:s4], $0x0  }
0x19: {  	s7 =	sld [smem:$0x3F7D]  }
0x1a: {  	s8 =	sadd.s32 $0xFFFFE003, lr  }
0x1b: {  	s9 =	sadd.s32 $0xFFFFFEF7, lr;
	s5 =	simm.s32 $0xFFFFFFFF;
	p2 =	slt.u32 s8, $0xFFFFF086  }
0x1c: {  	p1 =	slt.u32 s9, $0xF7A;
	s5 =	simm.s32 @!p2 $0x0  }
0x1d: {  	s5 =	simm.s32 @p1 $0x1;
	p0 =	seq.s32 s7, s2  }
0x1e: {  	s7 =	smul.u32 @!p0 $0xF7A, s2;
	p2 =	seq.s32 @!p0 s5, $0x0  }
0x1f: {  	s9 =	smul.u32 $0xF7A, s1;
	s8 =	simm.s32 @!p0 $0x1BF5;
	p2 =	por !p2, p0  }
0x20: {  	[sflag:s8] =	ssyncset.s32 @!p0 $0xFFFFF086;
	s6 =	sadd.s32 @!p0 s3, s7;
	s7 =	simm.s32 @!p0 $0x108  }
0x21: {  	s3 =	sadd.s32 s3, s9;
	s6 =	sadd.s32 @!p0 $0x88, s6;
	s7 =	simm.s32 @p2 $0x1082  }
0x22: {  	[simem:s7], [sflag:s8] =	dma.local @!p0 [hbm:s6], $0xF7A  }
0x23: {  	s9 =	sor.u32 $0xD0000000, s2;
	s6 =	simm.s32 $0x108;
	_ =	swait.ge @!p0 [sflag:s8], $0x0  }
0x24: {  	s3 =	sadd.s32 $0x88, s3;
	s6 =	simm.s32 @!p1 $0x1082;
	[sflag:s4] =	ssyncset.s32 $0xFFFFF086  }
0x25: {  	[simem:s6], [sflag:s4] =	dma.local [hbm:s3], $0xF7A  }
0x26: {  	[smem:$0x3F7D] =	sst s1;
	(tag) =	ssettag s2;
	_ =	strace s9  }
0x27: {  	s1 =	sld [smem:$0x3F8D]  }
0x28: {  	s2 =	sld [smem:$0x3F8E]  }
0x29: {  	s4 =	sld [smem:$0x3F90]  }
0x2a: {  	p0 =	seq.s32 s5, $0x0;
	s5 =	sld [smem:$0x3F91]  }
0x2b: {  	s6 =	sld [smem:$0x3F92]  }
0x2c: {  	s7 =	sld [smem:$0x3F93]  }
0x2d: {  	s3 =	simm.s32 $0x108;
	s8 =	sld [smem:$0x3F94]  }
0x2e: {  	s3 =	simm.s32 @!p0 $0x1082;
	s9 =	sld [smem:$0x3F95]  }
0x2f: {  	lr =	sadd.s32 s0, s3;
	s0 =	sld [smem:$0x3F8C]  }
0x30: {  	s3 =	sld [smem:$0x3F8F]  }
0x31: {  	[smem:$0x3F98] =	sst s10  }
0x32: {  	s10 =	sld [smem:$0x3F96];
	_ =	sdelay $0x3  }
0x33: {  	p0 =	seq.s32 s10, $0x1;
	s10 =	sld [smem:$0x3F98];
	_ =	sdelay $0x3  }
0x34: {  	[smem:$0x3F98] =	sst s10  }
0x35: {  	s10 =	sld [smem:$0x3F97];
	_ =	sdelay $0x3  }
0x36: {  	p1 =	seq.s32 s10, $0x1;
	s10 =	sld [smem:$0x3F98];
	_ =	sdelay $0x3  }
0x37: {  	[smem:$0x3F98] =	sst s10  }
0x38: {  	s10 =	sld [smem:$0x3F99]  }
0x39: {  	_ = 	snop;
	(pc) =	sbr.ind lr, $3  }
0x3a: {  	_ = 	snop  }
0x3b: {  	_ = 	snop  }
0x3c: {  	p2 =	seq.s32 s10, $0x1;
	s10 =	sld [smem:$0x3F98]  }
0x3d: {  	_ =	shalt  }
0x3e: {  	_ =	shalt  }
0x3f: {  	_ =	shalt  }
0x40: {  	_ =	shalt  }
0x41: {  	_ =	shalt  }
0x42: {  	_ =	shalt  }
0x43: {  	_ =	shalt  }
0x44: {  	_ =	shalt  }
0x45: {  	_ =	shalt  }
0x46: {  	_ =	shalt  }
0x47: {  	_ =	shalt  }
0x48: {  	_ =	shalt  }
0x49: {  	_ =	shalt  }
0x4a: {  	_ =	shalt  }
0x4b: {  	_ =	shalt  }
0x4c: {  	_ =	shalt  }
0x4d: {  	_ =	shalt  }
0x4e: {  	_ =	shalt  }
0x4f: {  	_ =	shalt  }
0x50: {  	_ =	shalt  }
0x51: {  	_ =	shalt  }
0x52: {  	_ =	shalt  }
0x53: {  	_ =	shalt  }
0x54: {  	_ =	shalt  }
0x55: {  	_ =	shalt  }
0x56: {  	_ =	shalt  }
0x57: {  	_ =	shalt  }
0x58: {  	_ =	shalt  }
0x59: {  	_ =	shalt  }
0x5a: {  	_ =	shalt  }
0x5b: {  	_ =	shalt  }
0x5c: {  	_ =	shalt  }
0x5d: {  	_ =	shalt  }
0x5e: {  	_ =	shalt  }
0x5f: {  	_ =	shalt  }
0x60: {  	_ =	shalt  }
0x61: {  	_ =	shalt  }
0x62: {  	_ =	shalt  }
0x63: {  	_ =	shalt  }
0x64: {  	_ =	shalt  }
0x65: {  	_ =	shalt  }
0x66: {  	_ =	shalt  }
0x67: {  	_ =	shalt  }
0x68: {  	_ =	shalt  }
0x69: {  	_ =	shalt  }
0x6a: {  	_ =	shalt  }
0x6b: {  	_ =	shalt  }
0x6c: {  	_ =	shalt  }
0x6d: {  	_ =	shalt  }
0x6e: {  	_ =	shalt  }
0x6f: {  	_ =	shalt  }
0x70: {  	_ =	shalt  }
0x71: {  	_ =	shalt  }
0x72: {  	_ =	shalt  }
0x73: {  	_ =	shalt  }
0x74: {  	_ =	shalt  }
0x75: {  	_ =	shalt  }
0x76: {  	_ =	shalt  }
0x77: {  	_ =	shalt  }
0x78: {  	_ =	shalt  }
0x79: {  	_ =	shalt  }
0x7a: {  	_ =	shalt  }
0x7b: {  	_ =	shalt  }
0x7c: {  	_ =	shalt  }
0x7d: {  	_ =	shalt  }
0x7e: {  	_ =	shalt  }
0x7f: {  	_ =	shalt  }
0x80: {  	_ =	shalt  }
0x81: {  	_ =	shalt  }
0x82: {  	_ =	shalt  }
0x83: {  	_ =	shalt  }
0x84: {  	_ =	shalt  }
0x85: {  	_ =	shalt  }
0x86: {  	_ =	shalt  }
0x87: {  	_ =	shalt  }
.Lfunc_end0:
.L_simem_size_0:
called_computation.2_lowered:
.L_overlay_start_0:
0x88: {  	s2 =	sld [smem:$0x3FD9]  }
0x89: {  	s3 =	sld [smem:$0x3FFE];
	_ =	sdelay $0x1  }
0x8a: {  	s1 =	srdreg.scid  }
0x8b: {  	s0 =	sand.u32 $0x1, s1  }
0x8c: {  	s16 =	sshll.u32 s0, $0xA;
	s2 =	sadd.s32 s3, s2  }
0x8d: {  	s2 =	sadd.s32 s2, s16  }
0x8e: {  	[smem:$0x3FA4] =	sst s2  }
0x8f: {  	_ = 	snop  }
0x90: {  	(tm) =	ssettm $0x1  }
0x91: {  	s17 =	sld [smem:$0x3FFB];
	_ =	sdelay $0x3  }
0x92: {  	_ =	strace s17  }
0x93: {  	s2 =	sld [smem:$0x3FFC];
	_ =	sdelay $0x3  }
0x94: {  	_ =	strace s2  }
0x95: {  	s2 =	sld [smem:$0x3FFD];
	_ =	sdelay $0x3  }
0x96: {  	_ =	strace s2  }
0x97: {  	_ =	strace $0x8FFFFFFF  }
0x98: {  	s18 =	sld [smem:$0x3FDB];
	_ =	sdelay $0x1  }
0x99: {  	s19 =	simm.s32 $_scs_section_size  }
0x9a: {  	s4 =	simm.s32 $_size__tile_overlayer_lowered;
	s5 =	simm.s32 $_tile_overlayer_lowered  }
0x9b: {  	s22 =	simm.s32 $0x1BFF;
	s21 =	sshll.u32 s5, $0x1;
	s2 =	sadd.s32 s19, s18  }
0x9c: {  	s6 =	simm.s32 $0x0;
	s20 =	sshll.u32 s4, $0x1;
	s4 =	sadd.s32 s21, s2  }
0x9d: {  	[timem:s6], [sflag:s22] =	dma.local [hbm:s4], s20  }
0x9e: {  	_ =	swait.ge [sflag:s22], s20  }
0x9f: {  	s3 =	ssub.s32 $0x0, s20;
	[sflag:s22] =	ssyncset.done $0x0  }
0xa0: {  	[sflag:s22] =	ssyncadd.s32 s3;
	_ =	sdelay $0x1  }
0xa1: {  	s23 =	simm.s32 $0x1B8B  }
0xa2: {  	_ =	swait.ge [sflag:s23], $0x1  }
0xa3: {  	[sflag:s23] =	ssyncset.done $0x0  }
0xa4: {  	s25 =	simm.s32 $0x1B8E;
	s24 =	sld [smem:$0x3FFE];
	[sflag:s23] =	ssyncadd.s32 $0xFFFFFFFF  }
0xa5: {  	s26 =	simm.s32 $execute0_lowered;
	[smem:$0x3FD2] =	sst s25  }
0xa6: {  	s4 =	sshll.u32 s26, $0x1;
	_ =	strace $0x8000004C;
	[dreg:$0x1] =	wrdreg $0xFFFFFFFF  }
0xa7: {  	s28 =	simm.s32 $_size_execute0_lowered;
	s2 =	sadd.s32 s2, s4;
	[dreg:$0x0] =	wrdreg $0x0  }
0xa8: {  	s4 =	sshll.u32 s28, $0x1;
	[dreg:$0x2] =	wrdreg s2  }
0xa9: {  	[dreg:$0x3] =	wrdreg s4  }
0xaa: {  	[dreg:$0x4] =	wrdreg $0xC0  }
0xab: {  	_ =	task [dreg:s6], $0x5FFFF  }
0xac: {  	[dreg:$0x1] =	wrdreg $0xFFFFFFFF  }
0xad: {  	[dreg:$0x0] =	wrdreg $0x60  }
0xae: {  	[dreg:$0x2] =	wrdreg s24  }
0xaf: {  	[dreg:$0x3] =	wrdreg $0x8E000  }
0xb0: {  	[dreg:$0x4] =	wrdreg $0x9  }
0xb1: {  	_ =	task.clear_ibuf [dreg:s6], $0x5FFFF;
	_ =	strace $0x9000004C  }
0xb2: {  	s29 =	simm.s32 $0x9;
	_ =	strace $0x8000004E  }
0xb3: {  	_ =	swait.ge [sflag:s29], $0x1  }
0xb4: {  	[sflag:s29] =	ssyncadd.s32 $0xFFFFFFFF  }
0xb5: {  	_ =	strace $0x9000004E  }
0xb6: {  	_ =	sfence  }
0xb7: {  	s30 =	sld [smem:$0x0];
	_ =	sdelay $0x2  }
0xb8: {  	s31 =	sshll.u32 s1, $0xD;
	s1 =	sshrl.u32 s1, $0x2  }
0xb9: {  	s3 =	sand.u32 $0x4000, s31;
	s1 =	sadd.s32 s1, s30  }
0xba: {  	s0 =	sor.u32 s3, s0;
	s1 =	sshll.u32 s1, $0x11  }
0xbb: {  	s0 =	sor.u32 s1, s0  }
0xbc: {  	s0 =	sadd.s32 $0x8F2B, s0  }
0xbd: {  	[sflag:s0] =	ssyncadd.remote.s32 $0x1  }
0xbe: {  	_ =	sfence.sel $0xFFFF  }
0xbf: {  	[dreg:$0x0] =	wrdreg $0xFFFFFFFF;
	(pc) =	sbr.abs _section_cstart, $3  }
0xc0: {  	[dreg:$0x1] =	wrdreg $0xFFFFFFFF  }
0xc1: {  	_ =	task.clear_ibuf [dreg:s6], $0x2FFFF;
	_ =	strace $0x9FFFFFFF  }
0xc2: {  	(tm) =	ssettm $0x7FFFFFFF  }
0xc3: {  	_ =	shalt  }
tec
execute0_lowered:
.L_overlay_start_1:
0x0: {  	(tag) =	ssettag $0x1  }
0x1: {  	s9 =	rddreg [dreg:$0x0]  }
0x2: {  	s1 =	rddreg [dreg:$0x1]  }
0x3: {  	s0 =	rddreg [dreg:$0x2];
	s3 =	simm.s32 $0x0;
	s2 =	srdreg.scid  }
0x4: {  	s14 =	simm.s32 $0x2;
	s15 =	simm.s32 $0x7900;
	s16 =	simm.s32 $0x80  }
0x5: {  	s17 =	simm.s32 $0x100;
	s18 =	simm.s32 $0x50;
	s19 =	simm.s32 $0x2900  }
0x6: {  	s20 =	simm.s32 $0x1;
	s21 =	simm.s32 $0x5100;
	s22 =	simm.s32 $0x0  }
0x7: {  	[smem:$0x7FF] =	sst s3;
	s10 =	sand.u32 $0x1, s2;
	s2 =	stileid.u32  }
0x8: {  	s4 =	sadd.s32 $0x1B200, s9;
	s5 =	sadd.s32 $0xF0FC00, s9;
	s6 =	sadd.s32 $0x11400, s9  }
0x9: {  	s7 =	sadd.s32 $0x7600, s9;
	s8 =	sadd.s32 $0x42400, s9;
	s11 =	smul.u32 $0x138800, s10  }
0xa: {  	_ =	strace $0x8000004D;
	s12 =	smul.u32 $0x1F400, s2;
	s29 =	ssub.s32 $0x2, s10  }
0xb: {  	s13 =	smul.u32 $0x7D000, s2;
	s10 =	sshll.u32 s10, $0x4;
	p0 =	sgt.u32 s2, $0x9  }
0xc: {  	s30 =	sshrl.u32 s29, $0x1;
	s31 =	sor.u32 s2, s10;
	s11 =	sadd.s32 s12, s11  }
0xd: {  	s12 =	ssub.s32 s29, s30;
	s13 =	sshrl.u32 s13, $0x2;
	s11 =	sshrl.u32 s11, $0x3  }
0xe: {  	s12 =	smax.u32 s12, $0x1;
	s11 =	sadd.s32 s11, s9;
	s9 =	smul.u32 $0x2710, s31  }
0xf: {  	v0 =	vimm.f32 $0.0e+00;
	s10 =	sadd.s32 $0x69800, s11;
	s11 =	sadd.s32 s13, s1;
	s13 =	simm.s32 $0x8D00  }
.LBB2_1:
0x10: {  	[tilespmem:s13], [sflag:$0x2] =	stream.linear.gather [hbm4b:s8+s3], $0x100, $0x38;
	[tilespmem:$0x1C680] =	vst v63  }
0x11: {  	_ =	swait.ge [sflag:s14], $0x100  }
0x12: {  	[sflag:s14] =	ssyncset.done $0x0  }
0x13: {  	[sflag:s14] =	ssyncadd.s32 $0xFFFFFF00  }
0x14: {  	v1 =	vld [tilespmem:$0x8D00]  }
0x15: {  	v2 =	vld [tilespmem:$0x8D10]  }
0x16: {  	v4 =	vld [tilespmem:$0x8D30]  }
.Ltmp0:
0x17: {  	v7 =	vld [tilespmem:$0x8DA0];
	(pc) =	sbr.rel @p0 .LBB2_7-.Ltmp0, $4  }
0x18: {  	v3 =	vld [tilespmem:$0x8D20]  }
0x19: {  	v8 =	vld [tilespmem:$0x8DB0]  }
0x1a: {  	v5 =	vld [tilespmem:$0x8D80]  }
0x1b: {  	v6 =	vld [tilespmem:$0x8D90]  }
0x1c: {  	s23 =	sshra.s32 s3, $0x2;
	s24 =	sadd.s32 $0x200, s3  }
.LBB2_3:
0x1d: {  	p1 =	sne.s32 s24, $0x4E00;
	[tilespmem:s23+$0x7970] =	vst v0  }
0x1e: {  	[tilespmem:s23+$0x7900] =	vst v0  }
0x1f: {  	[tilespmem:s23+$0x7910] =	vst v0  }
.Ltmp1:
0x20: {  	[tilespmem:s23+$0x7920] =	vst v0;
	(pc) =	sbr.rel @p1 .LBB2_3-.Ltmp1, $4  }
0x21: {  	[tilespmem:s23+$0x7930] =	vst v0  }
0x22: {  	[tilespmem:s23+$0x7940] =	vst v0  }
0x23: {  	[tilespmem:s23+$0x7950] =	vst v0  }
0x24: {  	[tilespmem:s23+$0x7960] =	vst v0;
	s23 =	sshra.s32 s24, $0x2;
	s24 =	sadd.s32 $0x200, s24  }
0x25: {  	[tilespmem:s23+$0x7970] =	vst v0  }
0x26: {  	[tilespmem:s23+$0x7900] =	vst v0  }
0x27: {  	[tilespmem:s23+$0x7910] =	vst v0  }
0x28: {  	[tilespmem:s23+$0x7920] =	vst v0  }
0x29: {  	[tilespmem:s23+$0x7930] =	vst v0  }
0x2a: {  	[tilespmem:s23+$0x7940] =	vst v0  }
0x2b: {  	[tilespmem:s23+$0x7950] =	vst v0  }
0x2c: {  	[tilespmem:s23+$0x7960] =	vst v0;
	s31 =	sadd.s32 $0x0, s11  }
0x2d: {  	[spmem:s31] =	stream.linear.scatter [tilespmem:s15], [sflag:$0x2], $0x1400, $0x38;
	[tilespmem:$0x1C680] =	vst v63  }
0x2e: {  	s23 =	simm.s32 $0x5000;
	_ =	swait.ge [sflag:s14], $0x1400  }
.LBB2_5:
0x2f: {  	s24 =	sshra.s32 s23, $0x2;
	[sflag:s14] =	ssyncset.done $0x0;
	p1 =	sne.s32 s23, $0x78000  }
.Ltmp2:
0x30: {  	s24 =	sadd.s32 s24, s11;
	[sflag:s14] =	ssyncadd.s32 $0xFFFFEC00;
	(pc) =	sbr.rel @p1 .LBB2_5-.Ltmp2, $3  }
0x31: {  	[spmem:s24] =	stream.linear.scatter [tilespmem:s15], [sflag:$0x2], $0x1400, $0x38;
	[tilespmem:$0x1C680] =	vst v63  }
0x32: {  	s23 =	sadd.s32 $0x5000, s23;
	_ =	sdelay $0x1  }
0x33: {  	_ =	swait.ge [sflag:s14], $0x1400  }
0x34: {  	[sflag:s14] =	ssyncset.done $0x0  }
0x35: {  	[sflag:s14] =	ssyncadd.s32 $0xFFFFEC00  }
.LBB2_7:
0x36: {  	s24 =	simm.s32 $0x200;
	s23 =	simm.s32 $0x0  }
.LBB2_8:
0x37: {  	p1 =	sne.s32 s24, $0x9E00;
	[tilespmem:s23+$0x5170] =	vst v0;
	s25 =	smov.u32 s24;
	s24 =	sadd.s32 $0x200, s24  }
.Ltmp3:
0x38: {  	[tilespmem:s23+$0x5160] =	vst v0;
	(pc) =	sbr.rel @p1 .LBB2_8-.Ltmp3, $3  }
0x39: {  	[tilespmem:s23+$0x5140] =	vst v0  }
0x3a: {  	[tilespmem:s23+$0x5150] =	vst v0;
	_ =	sdelay $0x1  }
0x3b: {  	s23 =	sshra.s32 s25, $0x2  }
0x3c: {  	[tilespmem:s23+$0x5170] =	vst v0  }
0x3d: {  	[tilespmem:s23+$0x5160] =	vst v0  }
0x3e: {  	[tilespmem:s23+$0x5140] =	vst v0  }
0x3f: {  	[tilespmem:s23+$0x5150] =	vst v0  }
0x40: {  	s23 =	simm.s32 $0x0;
	s24 =	simm.s32 $0x0;
	[bflag:$0x0] =	sbarrier.arrive $0xFFFF  }
.LBB2_10:
0x41: {  	s25 =	smul.u32 $0x50, s24;
	_ =	sdelay $0x1  }
0x42: {  	s25 =	sadd.s32 s9, s25  }
0x43: {  	s26 =	sshrl.u32 s25, $0x3  }
0x44: {  	s28 =	sadd.s32 s6, s26  }
0x45: {  	[tilespmem:s23], [sflag:$0x2] =	stream.linear.gather [hbm4b:s28+s23], $0x50, $0x38;
	[tilespmem:$0x1C680] =	vst v63  }
0x46: {  	_ =	swait.ge [sflag:s14], $0x50  }
0x47: {  	[sflag:s14] =	ssyncset.done $0x0  }
0x48: {  	s26 =	sadd.s32 s7, s26;
	[sflag:s14] =	ssyncadd.s32 $0xFFFFFFB0  }
0x49: {  	[tilespmem:s16], [sflag:$0x2] =	stream.linear.gather [hbm4b:s26+s23], $0x50, $0x38;
	[tilespmem:$0x1C680] =	vst v63  }
0x4a: {  	_ =	swait.ge [sflag:s14], $0x50  }
0x4b: {  	s25 =	sshll.u32 s25, $0x4;
	[sflag:s14] =	ssyncset.done $0x0  }
0x4c: {  	s25 =	sadd.s32 s5, s25;
	[sflag:s14] =	ssyncadd.s32 $0xFFFFFFB0  }
0x4d: {  	[tilespmem:s17], [sflag:$0x2] =	stream.linear.gather [hbm4b:s25+s23], $0x2800, $0x38;
	[tilespmem:$0x1C680] =	vst v63  }
0x4e: {  	_ =	swait.ge [sflag:s14], $0x2800  }
0x4f: {  	[sflag:s14] =	ssyncset.done $0x0  }
0x50: {  	[sflag:s14] =	ssyncadd.s32 $0xFFFFD800  }
0x51: {  	[tilespmem:s19], [sflag:$0x1] =	stream.indirect.gather [hbm4b:s4+s18], $0x80, s23, s18, $0xb8;
	[tilespmem:$0x1C680] =	vst v63  }
0x52: {  	_ =	swait.ge [sflag:s20], $0x2800  }
0x53: {  	[sflag:s20] =	ssyncset.done $0x0  }
0x54: {  	s26 =	simm.s32 $0x0;
	[sflag:s20] =	ssyncadd.s32 $0xFFFFD800  }
0x55: {  	v9 =	vld [tilespmem:s26+$0x130]  }
0x56: {  	v10 =	vld [tilespmem:s26+$0x2930]  }
0x57: {  	v11 =	vld [tilespmem:s26+$0x100]  }
0x58: {  	v12 =	vld [tilespmem:s26+$0x2900]  }
0x59: {  	v13 =	vld [tilespmem:s26+$0x110]  }
0x5a: {  	v14 =	vld [tilespmem:s26+$0x2910]  }
0x5b: {  	v15 =	vld [tilespmem:s26+$0x120];
	v9 =	vadd.f32 v10, v9  }
0x5c: {  	s25 =	simm.s32 $0x80;
	v16 =	vld [tilespmem:s26+$0x2920]  }
0x5d: {  	v17 =	vld [tilespmem:s25+$0x130];
	v9 =	vmax.f32 v9, $0.0e+00  }
0x5e: {  	v18 =	vld [tilespmem:s25+$0x2930];
	v10 =	vadd.f32 v12, v11;
	v9 =	vmul.f32 v9, v4  }
0x5f: {  	v19 =	vld [tilespmem:s25+$0x100]  }
0x60: {  	v20 =	vld [tilespmem:s25+$0x2900];
	v12 =	vadd.f32 v14, v13;
	v11 =	vmax.f32 v10, $0.0e+00;
	v9 =	vadd.f32 v9, v8  }
0x61: {  	v10 =	vld [tilespmem:s25+$0x110];
	v13 =	vmul.f32 v11, v1  }
0x62: {  	v14 =	vadd.f32 v16, v15;
	v11 =	vld [tilespmem:s25+$0x2910];
	[tilespmem:s26+$0x5130] =	vst v9;
	v9 =	vmax.f32 v12, $0.0e+00  }
0x63: {  	v13 =	vadd.f32 v13, v5;
	v15 =	vmul.f32 v9, v2  }
0x64: {  	v17 =	vadd.f32 v18, v17;
	v14 =	vmax.f32 v14, $0.0e+00;
	v9 =	vld [tilespmem:s25+$0x120]  }
0x65: {  	s28 =	simm.s32 $0x100;
	v16 =	vmul.f32 v14, v3;
	v12 =	vld [tilespmem:s25+$0x2920];
	[tilespmem:s26+$0x5100] =	vst v13;
	v15 =	vadd.f32 v15, v6  }
0x66: {  	s29 =	simm.s32 $0x600;
	v17 =	vmax.f32 v17, $0.0e+00;
	v14 =	vadd.f32 v20, v19;
	v13 =	vld [tilespmem:s28+$0x130]  }
.LBB2_11:
0x67: {  	p1 =	sne.s32 s29, $0x9E00;
	v18 =	vld [tilespmem:s28+$0x2930];
	v17 =	vmul.f32 v17, v4;
	[tilespmem:s26+$0x5110] =	vst v15;
	v15 =	vadd.f32 v16, v7  }
0x68: {  	v19 =	vld [tilespmem:s28+$0x100];
	v14 =	vmax.f32 v14, $0.0e+00;
	v11 =	vadd.f32 v11, v10  }
0x69: {  	v20 =	vld [tilespmem:s28+$0x2900];
	v14 =	vmul.f32 v14, v1;
	v16 =	vadd.f32 v17, v8;
	[tilespmem:s26+$0x5120] =	vst v15;
	s26 =	smov.u32 s25;
	s25 =	smov.u32 s28  }
.Ltmp4:
0x6a: {  	v10 =	vld [tilespmem:s25+$0x110];
	v15 =	vmax.f32 v11, $0.0e+00;
	v12 =	vadd.f32 v12, v9;
	(pc) =	sbr.rel @p1 .LBB2_11-.Ltmp4, $4  }
0x6b: {  	v11 =	vld [tilespmem:s25+$0x2910];
	v14 =	vadd.f32 v14, v5;
	v15 =	vmul.f32 v15, v2;
	[tilespmem:s26+$0x5130] =	vst v16  }
0x6c: {  	v9 =	vld [tilespmem:s25+$0x120];
	v17 =	vadd.f32 v18, v13;
	v13 =	vmax.f32 v12, $0.0e+00  }
0x6d: {  	s28 =	sshra.s32 s29, $0x2;
	v12 =	vld [tilespmem:s25+$0x2920];
	[tilespmem:s26+$0x5100] =	vst v14;
	v15 =	vadd.f32 v15, v6;
	v16 =	vmul.f32 v13, v3  }
0x6e: {  	s29 =	sadd.s32 $0x200, s29;
	v13 =	vld [tilespmem:s28+$0x130];
	v14 =	vadd.f32 v20, v19;
	v17 =	vmax.f32 v17, $0.0e+00  }
0x6f: {  	v18 =	vld [tilespmem:s28+$0x2930];
	[tilespmem:s26+$0x5110] =	vst v15;
	v53 =	vadd.f32 v16, v7;
	v17 =	vmul.f32 v17, v4  }
0x70: {  	v54 =	vld [tilespmem:s28+$0x100]  }
0x71: {  	v19 =	vld [tilespmem:s28+$0x2900];
	[tilespmem:s26+$0x5120] =	vst v53;
	v55 =	vadd.f32 v17, v8  }
0x72: {  	v56 =	vld [tilespmem:s28+$0x110]  }
0x73: {  	v10 =	vadd.f32 v11, v10;
	v20 =	vld [tilespmem:s28+$0x2910];
	[tilespmem:s25+$0x5130] =	vst v55  }
0x74: {  	v11 =	vmax.f32 v14, $0.0e+00;
	v57 =	vld [tilespmem:s28+$0x120]  }
0x75: {  	v11 =	vmul.f32 v11, v1;
	v10 =	vmax.f32 v10, $0.0e+00;
	v15 =	vld [tilespmem:s28+$0x2920]  }
0x76: {  	v9 =	vadd.f32 v12, v9;
	v10 =	vmul.f32 v10, v2  }
0x77: {  	v11 =	vadd.f32 v11, v5;
	v58 =	vadd.f32 v18, v13  }
0x78: {  	v9 =	vmax.f32 v9, $0.0e+00;
	v10 =	vadd.f32 v10, v6;
	v59 =	vadd.f32 v19, v54  }
0x79: {  	v9 =	vmul.f32 v9, v3;
	v12 =	vmax.f32 v58, $0.0e+00;
	v60 =	vadd.f32 v20, v56  }
0x7a: {  	v12 =	vmul.f32 v12, v4;
	v13 =	vmax.f32 v59, $0.0e+00;
	v14 =	vadd.f32 v15, v57  }
0x7b: {  	[tilespmem:s25+$0x5100] =	vst v11;
	v9 =	vadd.f32 v9, v7;
	v11 =	vmul.f32 v13, v1;
	v61 =	vmax.f32 v60, $0.0e+00  }
0x7c: {  	[tilespmem:s25+$0x5110] =	vst v10;
	v10 =	vadd.f32 v12, v8;
	v62 =	vmul.f32 v61, v2;
	v63 =	vmax.f32 v14, $0.0e+00  }
0x7d: {  	[tilespmem:s25+$0x5120] =	vst v9;
	v9 =	vadd.f32 v11, v5;
	v11 =	vmul.f32 v63, v3  }
0x7e: {  	[tilespmem:s28+$0x5130] =	vst v10;
	v10 =	vadd.f32 v62, v6  }
0x7f: {  	s24 =	sadd.s32 $0x1, s24;
	[tilespmem:s28+$0x5100] =	vst v9;
	v9 =	vadd.f32 v11, v7  }
0x80: {  	p1 =	sne.s32 s24, $0x7D;
	[tilespmem:s28+$0x5110] =	vst v10  }
.Ltmp5:
0x81: {  	[tilespmem:s28+$0x5120] =	vst v9;
	(pc) =	sbr.rel @p1 .LBB2_10-.Ltmp5, $4  }
0x82: {  	[spmem:s1] =	stream.indirect.scatter.add.f32 [tilespmem:s21], [sflag:$0x2], $0x80, s16, s18, $0xb8;
	[tilespmem:$0x1C680] =	vst v63  }
0x83: {  	_ =	swait.ge [sflag:s14], $0x2800  }
0x84: {  	[sflag:s14] =	ssyncset.done $0x0  }
0x85: {  	[sflag:s14] =	ssyncadd.s32 $0xFFFFD800  }
0x86: {  	s23 =	sshll.u32 @!p0 s2, $0x6;
	[bflag:$0x0] =	sbarrier.arrive $0xFFFF;
	s22 =	sadd.s32 $0x1, s22  }
0x87: {  	s24 =	sshrl.u32 @!p0 s11, $0x3;
	s23 =	sor.u32 @!p0 $0x1C02, s23;
	p1 =	sne.s32 s22, s12  }
0x88: {  	[hbm:s10], [sflag:s23] =	dma.local @!p0 [spmem:s24], $0x3E80  }
.Ltmp6:
0x89: {  	_ = 	snop;
	(pc) =	sbr.rel @p1 .LBB2_1-.Ltmp6, $4  }
0x8a: {  	s23 =	simm.s32 @!p0 $0x2  }
0x8b: {  	_ =	swait.ge @!p0 [sflag:s23], $0x3E80  }
0x8c: {  	[sflag:s23] =	ssyncset.done @!p0 $0x0  }
0x8d: {  	[sflag:s23] =	ssyncadd.s32 @!p0 $0xFFFFC180  }
0x8e: {  	_ =	sfence.sel $0x180000  }
0x8f: {  	[bflag:$0x0] =	sbarrier.arrive $0xFFFF  }
0x90: {  	p0 =	sne.s32 s2, $0x0;
	_ =	strace $0x9000004D  }
0x91: {  	s0 =	sadd.s32 @!p0 $0x100000, s0;
	[bflag:$0x2] =	sbarrier.arrive $0xFFFF  }
0x92: {  	[sflag:s0] =	ssyncadd.tile.s32 @!p0 $0x1;
	_ =	shalt  }
.Lfunc_end2:
_tile_overlayer_lowered:
.L_overlay_start_2:
0x93: {  	(tag) =	ssettag $0x2  }
0x94: {  	s0 =	rddreg [dreg:$0x0];
	s2 =	stileid.u32  }
0x95: {  	s1 =	rddreg [dreg:$0x1];
	p0 =	sne.s32 s2, $0x0  }
0x96: {  	s3 =	rddreg [dreg:$0x2];
	[bflag:$0x3] =	sbarrier.arrive $0xFFFF;
	s2 =	simm.s32 @!p0 $0x1C02  }
0x97: {  	[timem:s3], [sflag:s2] =	dma.local @!p0 [hbm:s0], s1  }
0x98: {  	s0 =	simm.s32 @!p0 $0x2  }
0x99: {  	_ =	swait.ge @!p0 [sflag:s0], s1  }
0x9a: {  	s1 =	ssub.s32 @!p0 $0x0, s1;
	[sflag:s0] =	ssyncset.done @!p0 $0x0  }
0x9b: {  	[sflag:s0] =	ssyncadd.s32 @!p0 s1  }
0x9c: {  	[bflag:$0x3] =	sbarrier.arrive $0xFFFF  }
0x9d: {  	_ =	shalt  }

</sc_bundles>
